<compile_context>
chip_gen: v7x
topology: tpu7x:2x2x1
jax: 0.10.2.dev20260603
libtpu: 0.0.44.dev20260713+nightly
codegen_flags: <defaults>
</compile_context>

<pallas_src>
import functools

import jax
import jax.numpy as jnp
from jax import lax
from jax.experimental import pallas as pl
from jax.experimental.pallas import tpu as pltpu
from jax.experimental.pallas import tpu_sc as plsc

_NOPS = 8
_NBATCH = 2

_B_SC = 16
_NW = 32
_SPLITS = _NW // _B_SC
_CHUNK = 32
_NRING = 4


def _sc_pool_body(x_hbm, o_hbm, *rest):
    bufs = rest[:_NRING]
    acc = rest[_NRING]
    sems = rest[_NRING + 1:]
    B, HW, C = x_hbm.shape
    rows = HW // _SPLITS
    nch = rows // _CHUNK
    lg = C // 16
    c = lax.axis_index("c")
    s = lax.axis_index("s")
    wid = c * 16 + s
    bidx = wid // _SPLITS
    half = wid % _SPLITS
    batch = (B - _B_SC) + bidx
    base = half * rows

    def start(ch, k):
        return pltpu.async_copy(
            x_hbm.at[batch, pl.ds(base + ch * _CHUNK, _CHUNK), :],
            bufs[k], sems[k],
        )

    @pl.loop(0, lg)
    def _(j):
        acc[pl.ds(j * 16, 16)] = jnp.zeros((16,), jnp.float32)

    for k in range(_NRING):
        start(k, k).start()

    def accumulate(buf):
        @pl.loop(0, _CHUNK)
        def _(r):
            for j in range(lg):
                sl = pl.ds(j * 16, 16)
                acc[sl] = acc[sl] + buf[r, sl]

    def phase(p, carry):
        ch0 = p * _NRING
        for k in range(_NRING):
            ch = ch0 + k
            start(ch, k).wait()
            accumulate(bufs[k])

            @pl.when(ch + _NRING < nch)
            def _():
                start(ch + _NRING, k).start()

        return carry

    lax.fori_loop(0, nch // _NRING, phase, 0)
    pltpu.sync_copy(acc, o_hbm.at[half, bidx, :])


def _sc_pool(xt):
    B, HW, C = xt.shape
    mesh = plsc.VectorSubcoreMesh(core_axis_name="c", subcore_axis_name="s")
    kern = pl.kernel(
        _sc_pool_body,
        out_type=jax.ShapeDtypeStruct((_SPLITS, _B_SC, C), jnp.float32),
        mesh=mesh,
        scratch_types=(
            [pltpu.VMEM((_CHUNK, C), jnp.float32) for _ in range(_NRING)]
            + [pltpu.VMEM((C,), jnp.float32)]
            + [pltpu.SemaphoreType.DMA for _ in range(_NRING)]
        ),
    )
    return kern(xt)


def _tc_pool_body(*refs):
    x_refs = refs[:_NOPS]
    o_ref = refs[_NOPS]
    i = pl.program_id(0)
    for bb in range(_NBATCH):
        parts = [jnp.sum(xq[bb], axis=0, keepdims=True) for xq in x_refs]
        row = parts[0]
        for p in parts[1:]:
            row = row + p
        o_ref[pl.ds(i * _NBATCH + bb, 1), :] = row


def _tc_pool(xt, b_tc):
    B, HW, C = xt.shape
    hsl = HW // _NOPS

    def _xspec(q):
        return pl.BlockSpec((_NBATCH, hsl, C), lambda i, q=q: (i, q, 0))

    return pl.pallas_call(
        _tc_pool_body,
        grid=(b_tc // _NBATCH,),
        in_specs=[_xspec(q) for q in range(_NOPS)],
        out_specs=pl.BlockSpec((b_tc, C), lambda i: (0, 0)),
        out_shape=jax.ShapeDtypeStruct((b_tc, C), jnp.float32),
    )(*([xt] * _NOPS))


def _finish_body(ptc_ref, psc_ref, w_ref, b_ref, o_ref, *, hw):
    psum = psc_ref[0]
    for k in range(1, _SPLITS):
        psum = psum + psc_ref[k]
    pooled = jnp.concatenate([ptc_ref[...], psum], axis=0)
    logits = jax.lax.dot_general(
        pooled, w_ref[...], (((1,), (1,)), ((), ())),
        preferred_element_type=jnp.float32,
    )
    o_ref[...] = jax.nn.sigmoid(logits * (1.0 / hw) + b_ref[...])


def kernel(x, Wc, b):
    B, C, H, W = x.shape
    hw = H * W
    xt = jnp.transpose(x, (0, 2, 3, 1)).reshape(B, hw, C)
    b2 = b.reshape(1, C)
    b_tc = B - _B_SC

    psc = _sc_pool(xt)
    ptc = _tc_pool(xt, b_tc)

    out = pl.pallas_call(
        functools.partial(_finish_body, hw=hw),
        in_specs=[
            pl.BlockSpec(memory_space=pltpu.VMEM),
            pl.BlockSpec(memory_space=pltpu.VMEM),
            pl.BlockSpec(memory_space=pltpu.VMEM),
            pl.BlockSpec(memory_space=pltpu.VMEM),
        ],
        out_specs=pl.BlockSpec(memory_space=pltpu.VMEM),
        out_shape=jax.ShapeDtypeStruct((B, C), jnp.float32),
    )(ptc, psc, Wc, b2)
    return out.reshape(B, 1, C, 1, 1)

# --- scband reference (transcript-rebuilt; emitter-appended) ---
"""Pipeline reference for scband-gate2-28398323761583 (READ-ONLY COPY).

The authoritative reference and input builder live on the scoring server;
editing this copy changes nothing except your own understanding.
"""

import jax, jax.numpy as jnp
import numpy as np


def setup_inputs(seed: int = 0) -> dict:
    key = jax.random.key(seed)
    k1, k2, k3 = jax.random.split(key, 3)
    B, C, H, W = 64, 512, 32, 32
    x = jax.random.normal(k1, (B, C, H, W), dtype=jnp.float32)
    # Conv2d(channels, channels, kernel_size=1, groups=1, bias=True)
    # weight shape [C_out, C_in, 1, 1] -> stored as [C, C]; PyTorch default init
    fan_in = C  # C_in/groups * 1 * 1 with groups=1
    bound = 1.0 / np.sqrt(fan_in)
    Wc = jax.random.uniform(k2, (C, C), minval=-bound, maxval=bound, dtype=jnp.float32)
    b = jax.random.uniform(k3, (C,), minval=-bound, maxval=bound, dtype=jnp.float32)
    return {"x": x, "Wc": Wc, "b": b}


def reference(x, Wc, b):
    groups = 1
    B, C, H, W = x.shape
    # AdaptiveAvgPool2d(1): global average pool -> [B, C]
    pooled = jnp.mean(x, axis=(2, 3))
    # 1x1 conv on [B, C, 1, 1] is a dense layer: out[b, o] = sum_i Wc[o, i] * pooled[b, i] + b[o]
    weights = pooled @ Wc.T + b
    weights = weights.reshape(B, groups, C // groups, 1, 1)
    return jax.nn.sigmoid(weights)

if __name__ == "__main__":
    import jax
    _d = setup_inputs()
    print(jax.jit(kernel)(*tuple(_d.values())))

</pallas_src>

<mosaic_0001>
#map = affine_map<(d0, d1) -> (0, 0, 0)>
module attributes {stable_mosaic.version = 14 : i64} {
  func.func @_sc_pool_body(%arg0: i32, %arg1: i32, %arg2: memref<64x1024x512xf32, #tpu.memory_space<hbm>>, %arg3: memref<2x16x512xf32, #tpu.memory_space<hbm>>, %arg4: memref<32x512xf32, #tpu.memory_space<vmem>>, %arg5: memref<32x512xf32, #tpu.memory_space<vmem>>, %arg6: memref<32x512xf32, #tpu.memory_space<vmem>>, %arg7: memref<32x512xf32, #tpu.memory_space<vmem>>, %arg8: memref<512xf32, #tpu.memory_space<vmem>>, %arg9: memref<!tpu.dma_semaphore, #tpu.memory_space<semaphore_mem>>, %arg10: memref<!tpu.dma_semaphore, #tpu.memory_space<semaphore_mem>>, %arg11: memref<!tpu.dma_semaphore, #tpu.memory_space<semaphore_mem>>, %arg12: memref<!tpu.dma_semaphore, #tpu.memory_space<semaphore_mem>>) attributes {dimension_semantics = [#tpu.dimension_semantics<core_parallel>, #tpu.dimension_semantics<subcore_parallel>], iteration_bounds = array<i64: 2, 16>, scalar_prefetch = 0 : i64, scratch_operands = 9 : i64, tpu.core_type = #tpu.core_type<sc_vector_subcore>, window_params = [{transform_indices = #map}, {transform_indices = #map}]} {
    %mul3A = arith.constant 16 : i32
    %mul3A_0 = arith.muli %arg0, %mul3A : i32
    %add3A = arith.addi %mul3A_0, %arg1 : i32
    %jit3A = arith.constant 2 : i32
    %div3A = arith.divsi %add3A, %jit3A : i32
    %sign3A = arith.constant 0 : i32
    %sign3A_1 = arith.cmpi sgt, %add3A, %sign3A : i32
    %sign3A_2 = arith.extui %sign3A_1 : i1 to i32
    %sign3A_3 = arith.constant 0 : i32
    %sign3A_4 = arith.cmpi slt, %add3A, %sign3A_3 : i32
    %sign3A_5 = arith.extui %sign3A_4 : i1 to i32
    %sign3A_6 = arith.subi %sign3A_2, %sign3A_5 : i32
    %sign3A_7 = arith.constant 0 : i32
    %sign3A_8 = arith.cmpi sgt, %jit3A, %sign3A_7 : i32
    %sign3A_9 = arith.extui %sign3A_8 : i1 to i32
    %sign3A_10 = arith.constant 0 : i32
    %sign3A_11 = arith.cmpi slt, %jit3A, %sign3A_10 : i32
    %sign3A_12 = arith.extui %sign3A_11 : i1 to i32
    %sign3A_13 = arith.subi %sign3A_9, %sign3A_12 : i32
    %ne3A = arith.cmpi ne, %sign3A_6, %sign3A_13 : i32
    %rem3A = arith.remsi %add3A, %jit3A : i32
    %ne3A_14 = arith.constant 0 : i32
    %ne3A_15 = arith.cmpi ne, %rem3A, %ne3A_14 : i32
    %and3A = arith.andi %ne3A, %ne3A_15 : i1
    %sub3A = arith.constant 1 : i32
    %sub3A_16 = arith.subi %div3A, %sub3A : i32
    %select_n3A = arith.select %and3A, %sub3A_16, %div3A : i32
    %jit3A_17 = arith.constant 2 : i32
    %eq3A = arith.constant 0 : i32
    %eq3A_18 = arith.cmpi eq, %jit3A_17, %eq3A : i32
    %jit3A_19 = arith.constant 1 : i32
    %select_n3A_20 = arith.select %eq3A_18, %jit3A_19, %jit3A_17 : i32
    %rem3A_21 = arith.remsi %add3A, %select_n3A_20 : i32
    %ne3A_22 = arith.constant 0 : i32
    %ne3A_23 = arith.cmpi ne, %rem3A_21, %ne3A_22 : i32
    %lt3A = arith.constant 0 : i32
    %lt3A_24 = arith.cmpi slt, %rem3A_21, %lt3A : i32
    %lt3A_25 = arith.constant 0 : i32
    %lt3A_26 = arith.cmpi slt, %select_n3A_20, %lt3A_25 : i32
    %ne3A_27 = arith.xori %lt3A_24, %lt3A_26 : i1
    %and3A_28 = arith.andi %ne3A_27, %ne3A_23 : i1
    %add3A_29 = arith.addi %rem3A_21, %select_n3A_20 : i32
    %select_n3A_30 = arith.select %and3A_28, %add3A_29, %rem3A_21 : i32
    %add3A_31 = arith.constant 48 : i32
    %add3A_32 = arith.addi %add3A_31, %select_n3A : i32
    %mul3A_33 = arith.constant 512 : i32
    %mul3A_34 = arith.muli %select_n3A_30, %mul3A_33 : i32
    %scan3A = arith.constant 0 : i32
    %scan3A_35 = arith.constant 32 : i32
    %scan3A_36 = arith.addi %scan3A, %scan3A_35 : i32
    %scan3A_37 = arith.constant 1 : i32
    scf.for %scan3A_100 = %scan3A to %scan3A_36 step %scan3A_37  : i32 {
      %mul3A_101 = arith.constant 1 : i32
      %mul3A_102 = arith.muli %scan3A_100, %mul3A_101 : i32
      %add3A_103 = arith.constant 0 : i32
      %add3A_104 = arith.addi %add3A_103, %mul3A_102 : i32
      %broadcast_in_dim3A = arith.constant 0.000000e+00 : f32
      %broadcast_in_dim3A_105 = vector.broadcast %broadcast_in_dim3A : f32 to vector<16xf32>
      %mul3A_106 = arith.constant 16 : i32
      %mul3A_107 = arith.muli %add3A_104, %mul3A_106 : i32
      %swap3A = arith.index_cast %mul3A_107 : i32 to index
      %swap3A_108 = tpu.vector_load %arg8[%swap3A] {strides = array<i32>} : memref<512xf32, #tpu.memory_space<vmem>>, vector<16xf32>,
      %swap3A_109 = vector.shape_cast %swap3A_108 : vector<16xf32> to vector<16xf32>
      %swap3A_110 = vector.shape_cast %broadcast_in_dim3A_105 : vector<16xf32> to vector<16xf32>
      tpu.vector_store %arg8[%swap3A], %swap3A_110 {strides = array<i32>} : memref<512xf32, #tpu.memory_space<vmem>>, vector<16xf32>,
    }
    %scan3A_38 = arith.constant 32 : i32
    %add3A_39 = arith.constant 0 : i32
    %add3A_40 = arith.addi %mul3A_34, %add3A_39 : i32
    %dma_start3A = arith.constant 0 : i32
    %dma_start3A_41 = tpu.memref_slice %arg2[%add3A_32, %add3A_40, %dma_start3A] : memref<64x1024x512xf32, #tpu.memory_space<hbm>> -> memref<1x32x512xf32, #tpu.memory_space<hbm>>
    %dma_start3A_42 = tpu.memref_squeeze %dma_start3A_41 : memref<1x32x512xf32, #tpu.memory_space<hbm>> -> memref<32x512xf32, #tpu.memory_space<hbm>>
    %dma_start3A_43 = arith.constant 0 : i32
    %dma_start3A_44 = tpu.memref_slice %arg2[%add3A_32, %add3A_40, %dma_start3A_43] : memref<64x1024x512xf32, #tpu.memory_space<hbm>> -> memref<1x32x512xf32, #tpu.memory_space<hbm>>
    %dma_start3A_45 = tpu.memref_squeeze %dma_start3A_44 : memref<1x32x512xf32, #tpu.memory_space<hbm>> -> memref<32x512xf32, #tpu.memory_space<hbm>>
    tpu.enqueue_dma source(%dma_start3A_45 : memref<32x512xf32, #tpu.memory_space<hbm>>) target(%arg4 : memref<32x512xf32, #tpu.memory_space<vmem>>) target_semaphore(%arg9 : memref<!tpu.dma_semaphore, #tpu.memory_space<semaphore_mem>>)
    %dma_start3A_46 = arith.constant 0 : i32
    %dma_start3A_47 = tpu.memref_slice %arg2[%add3A_32, %add3A_40, %dma_start3A_46] : memref<64x1024x512xf32, #tpu.memory_space<hbm>> -> memref<1x32x512xf32, #tpu.memory_space<hbm>>
    %dma_start3A_48 = tpu.memref_squeeze %dma_start3A_47 : memref<1x32x512xf32, #tpu.memory_space<hbm>> -> memref<32x512xf32, #tpu.memory_space<hbm>>
    %dma_start3A_49 = arith.constant 0 : i32
    %dma_start3A_50 = tpu.memref_slice %arg2[%add3A_32, %add3A_40, %dma_start3A_49] : memref<64x1024x512xf32, #tpu.memory_space<hbm>> -> memref<1x32x512xf32, #tpu.memory_space<hbm>>
    %dma_start3A_51 = tpu.memref_squeeze %dma_start3A_50 : memref<1x32x512xf32, #tpu.memory_space<hbm>> -> memref<32x512xf32, #tpu.memory_space<hbm>>
    tpu.enqueue_dma source(%dma_start3A_51 : memref<32x512xf32, #tpu.memory_space<hbm>>) target(%arg4 : memref<32x512xf32, #tpu.memory_space<vmem>>) target_semaphore(%arg9 : memref<!tpu.dma_semaphore, #tpu.memory_space<semaphore_mem>>)
    %add3A_52 = arith.constant 32 : i32
    %add3A_53 = arith.addi %mul3A_34, %add3A_52 : i32
    %dma_start3A_54 = arith.constant 0 : i32
    %dma_start3A_55 = tpu.memref_slice %arg2[%add3A_32, %add3A_53, %dma_start3A_54] : memref<64x1024x512xf32, #tpu.memory_space<hbm>> -> memref<1x32x512xf32, #tpu.memory_space<hbm>>
    %dma_start3A_56 = tpu.memref_squeeze %dma_start3A_55 : memref<1x32x512xf32, #tpu.memory_space<hbm>> -> memref<32x512xf32, #tpu.memory_space<hbm>>
    %dma_start3A_57 = arith.constant 0 : i32
    %dma_start3A_58 = tpu.memref_slice %arg2[%add3A_32, %add3A_53, %dma_start3A_57] : memref<64x1024x512xf32, #tpu.memory_space<hbm>> -> memref<1x32x512xf32, #tpu.memory_space<hbm>>
    %dma_start3A_59 = tpu.memref_squeeze %dma_start3A_58 : memref<1x32x512xf32, #tpu.memory_space<hbm>> -> memref<32x512xf32, #tpu.memory_space<hbm>>
    tpu.enqueue_dma source(%dma_start3A_59 : memref<32x512xf32, #tpu.memory_space<hbm>>) target(%arg5 : memref<32x512xf32, #tpu.memory_space<vmem>>) target_semaphore(%arg10 : memref<!tpu.dma_semaphore, #tpu.memory_space<semaphore_mem>>)
    %dma_start3A_60 = arith.constant 0 : i32
    %dma_start3A_61 = tpu.memref_slice %arg2[%add3A_32, %add3A_53, %dma_start3A_60] : memref<64x1024x512xf32, #tpu.memory_space<hbm>> -> memref<1x32x512xf32, #tpu.memory_space<hbm>>
    %dma_start3A_62 = tpu.memref_squeeze %dma_start3A_61 : memref<1x32x512xf32, #tpu.memory_space<hbm>> -> memref<32x512xf32, #tpu.memory_space<hbm>>
    %dma_start3A_63 = arith.constant 0 : i32
    %dma_start3A_64 = tpu.memref_slice %arg2[%add3A_32, %add3A_53, %dma_start3A_63] : memref<64x1024x512xf32, #tpu.memory_space<hbm>> -> memref<1x32x512xf32, #tpu.memory_space<hbm>>
    %dma_start3A_65 = tpu.memref_squeeze %dma_start3A_64 : memref<1x32x512xf32, #tpu.memory_space<hbm>> -> memref<32x512xf32, #tpu.memory_space<hbm>>
    tpu.enqueue_dma source(%dma_start3A_65 : memref<32x512xf32, #tpu.memory_space<hbm>>) target(%arg5 : memref<32x512xf32, #tpu.memory_space<vmem>>) target_semaphore(%arg10 : memref<!tpu.dma_semaphore, #tpu.memory_space<semaphore_mem>>)
    %add3A_66 = arith.constant 64 : i32
    %add3A_67 = arith.addi %mul3A_34, %add3A_66 : i32
    %dma_start3A_68 = arith.constant 0 : i32
    %dma_start3A_69 = tpu.memref_slice %arg2[%add3A_32, %add3A_67, %dma_start3A_68] : memref<64x1024x512xf32, #tpu.memory_space<hbm>> -> memref<1x32x512xf32, #tpu.memory_space<hbm>>
    %dma_start3A_70 = tpu.memref_squeeze %dma_start3A_69 : memref<1x32x512xf32, #tpu.memory_space<hbm>> -> memref<32x512xf32, #tpu.memory_space<hbm>>
    %dma_start3A_71 = arith.constant 0 : i32
    %dma_start3A_72 = tpu.memref_slice %arg2[%add3A_32, %add3A_67, %dma_start3A_71] : memref<64x1024x512xf32, #tpu.memory_space<hbm>> -> memref<1x32x512xf32, #tpu.memory_space<hbm>>
    %dma_start3A_73 = tpu.memref_squeeze %dma_start3A_72 : memref<1x32x512xf32, #tpu.memory_space<hbm>> -> memref<32x512xf32, #tpu.memory_space<hbm>>
    tpu.enqueue_dma source(%dma_start3A_73 : memref<32x512xf32, #tpu.memory_space<hbm>>) target(%arg6 : memref<32x512xf32, #tpu.memory_space<vmem>>) target_semaphore(%arg11 : memref<!tpu.dma_semaphore, #tpu.memory_space<semaphore_mem>>)
    %dma_start3A_74 = arith.constant 0 : i32
    %dma_start3A_75 = tpu.memref_slice %arg2[%add3A_32, %add3A_67, %dma_start3A_74] : memref<64x1024x512xf32, #tpu.memory_space<hbm>> -> memref<1x32x512xf32, #tpu.memory_space<hbm>>
    %dma_start3A_76 = tpu.memref_squeeze %dma_start3A_75 : memref<1x32x512xf32, #tpu.memory_space<hbm>> -> memref<32x512xf32, #tpu.memory_space<hbm>>
    %dma_start3A_77 = arith.constant 0 : i32
    %dma_start3A_78 = tpu.memref_slice %arg2[%add3A_32, %add3A_67, %dma_start3A_77] : memref<64x1024x512xf32, #tpu.memory_space<hbm>> -> memref<1x32x512xf32, #tpu.memory_space<hbm>>
    %dma_start3A_79 = tpu.memref_squeeze %dma_start3A_78 : memref<1x32x512xf32, #tpu.memory_space<hbm>> -> memref<32x512xf32, #tpu.memory_space<hbm>>
    tpu.enqueue_dma source(%dma_start3A_79 : memref<32x512xf32, #tpu.memory_space<hbm>>) target(%arg6 : memref<32x512xf32, #tpu.memory_space<vmem>>) target_semaphore(%arg11 : memref<!tpu.dma_semaphore, #tpu.memory_space<semaphore_mem>>)
    %add3A_80 = arith.constant 96 : i32
    %add3A_81 = arith.addi %mul3A_34, %add3A_80 : i32
    %dma_start3A_82 = arith.constant 0 : i32
    %dma_start3A_83 = tpu.memref_slice %arg2[%add3A_32, %add3A_81, %dma_start3A_82] : memref<64x1024x512xf32, #tpu.memory_space<hbm>> -> memref<1x32x512xf32, #tpu.memory_space<hbm>>
    %dma_start3A_84 = tpu.memref_squeeze %dma_start3A_83 : memref<1x32x512xf32, #tpu.memory_space<hbm>> -> memref<32x512xf32, #tpu.memory_space<hbm>>
    %dma_start3A_85 = arith.constant 0 : i32
    %dma_start3A_86 = tpu.memref_slice %arg2[%add3A_32, %add3A_81, %dma_start3A_85] : memref<64x1024x512xf32, #tpu.memory_space<hbm>> -> memref<1x32x512xf32, #tpu.memory_space<hbm>>
    %dma_start3A_87 = tpu.memref_squeeze %dma_start3A_86 : memref<1x32x512xf32, #tpu.memory_space<hbm>> -> memref<32x512xf32, #tpu.memory_space<hbm>>
    tpu.enqueue_dma source(%dma_start3A_87 : memref<32x512xf32, #tpu.memory_space<hbm>>) target(%arg7 : memref<32x512xf32, #tpu.memory_space<vmem>>) target_semaphore(%arg12 : memref<!tpu.dma_semaphore, #tpu.memory_space<semaphore_mem>>)
    %dma_start3A_88 = arith.constant 0 : i32
    %dma_start3A_89 = tpu.memref_slice %arg2[%add3A_32, %add3A_81, %dma_start3A_88] : memref<64x1024x512xf32, #tpu.memory_space<hbm>> -> memref<1x32x512xf32, #tpu.memory_space<hbm>>
    %dma_start3A_90 = tpu.memref_squeeze %dma_start3A_89 : memref<1x32x512xf32, #tpu.memory_space<hbm>> -> memref<32x512xf32, #tpu.memory_space<hbm>>
    %dma_start3A_91 = arith.constant 0 : i32
    %dma_start3A_92 = tpu.memref_slice %arg2[%add3A_32, %add3A_81, %dma_start3A_91] : memref<64x1024x512xf32, #tpu.memory_space<hbm>> -> memref<1x32x512xf32, #tpu.memory_space<hbm>>
    %dma_start3A_93 = tpu.memref_squeeze %dma_start3A_92 : memref<1x32x512xf32, #tpu.memory_space<hbm>> -> memref<32x512xf32, #tpu.memory_space<hbm>>
    tpu.enqueue_dma source(%dma_start3A_93 : memref<32x512xf32, #tpu.memory_space<hbm>>) target(%arg7 : memref<32x512xf32, #tpu.memory_space<vmem>>) target_semaphore(%arg12 : memref<!tpu.dma_semaphore, #tpu.memory_space<semaphore_mem>>)
    %scan3A_94 = arith.constant 0 : i32
    %scan3A_95 = arith.constant 0 : i32
    %scan3A_96 = arith.constant 4 : i32
    %scan3A_97 = arith.addi %scan3A_95, %scan3A_96 : i32
    %scan3A_98 = arith.constant 1 : i32
    scf.for %scan3A_100 = %scan3A_95 to %scan3A_97 step %scan3A_98  : i32 {
      %mul3A_101 = arith.constant 4 : i32
      %mul3A_102 = arith.muli %scan3A_100, %mul3A_101 : i32
      %add3A_103 = arith.constant 0 : i32
      %add3A_104 = arith.addi %mul3A_102, %add3A_103 : i32
      %mul3A_105 = arith.constant 32 : i32
      %mul3A_106 = arith.muli %add3A_104, %mul3A_105 : i32
      %add3A_107 = arith.addi %mul3A_34, %mul3A_106 : i32
      %dma_start3A_108 = arith.constant 0 : i32
      %dma_start3A_109 = tpu.memref_slice %arg2[%add3A_32, %add3A_107, %dma_start3A_108] : memref<64x1024x512xf32, #tpu.memory_space<hbm>> -> memref<1x32x512xf32, #tpu.memory_space<hbm>>
      %dma_start3A_110 = tpu.memref_squeeze %dma_start3A_109 : memref<1x32x512xf32, #tpu.memory_space<hbm>> -> memref<32x512xf32, #tpu.memory_space<hbm>>
      %dma_start3A_111 = arith.constant 0 : i32
      %dma_start3A_112 = tpu.memref_slice %arg2[%add3A_32, %add3A_107, %dma_start3A_111] : memref<64x1024x512xf32, #tpu.memory_space<hbm>> -> memref<1x32x512xf32, #tpu.memory_space<hbm>>
      %dma_start3A_113 = tpu.memref_squeeze %dma_start3A_112 : memref<1x32x512xf32, #tpu.memory_space<hbm>> -> memref<32x512xf32, #tpu.memory_space<hbm>>
      tpu.enqueue_dma source(%dma_start3A_113 : memref<32x512xf32, #tpu.memory_space<hbm>>) target(%arg4 : memref<32x512xf32, #tpu.memory_space<vmem>>) target_semaphore(%arg9 : memref<!tpu.dma_semaphore, #tpu.memory_space<semaphore_mem>>)
      %dma_wait3A = arith.constant 0 : i32
      %dma_wait3A_114 = tpu.memref_slice %arg2[%add3A_32, %add3A_107, %dma_wait3A] : memref<64x1024x512xf32, #tpu.memory_space<hbm>> -> memref<1x32x512xf32, #tpu.memory_space<hbm>>
      %dma_wait3A_115 = tpu.memref_squeeze %dma_wait3A_114 : memref<1x32x512xf32, #tpu.memory_space<hbm>> -> memref<32x512xf32, #tpu.memory_space<hbm>>
      %dma_wait3A_116 = arith.constant 0 : i32
      %dma_wait3A_117 = tpu.memref_slice %arg2[%add3A_32, %add3A_107, %dma_wait3A_116] : memref<64x1024x512xf32, #tpu.memory_space<hbm>> -> memref<1x32x512xf32, #tpu.memory_space<hbm>>
      %dma_wait3A_118 = tpu.memref_squeeze %dma_wait3A_117 : memref<1x32x512xf32, #tpu.memory_space<hbm>> -> memref<32x512xf32, #tpu.memory_space<hbm>>
      tpu.wait_dma2 semaphore(%arg9 : memref<!tpu.dma_semaphore, #tpu.memory_space<semaphore_mem>>) src(%dma_wait3A_118 : memref<32x512xf32, #tpu.memory_space<hbm>>) dst(%arg4 : memref<32x512xf32, #tpu.memory_space<vmem>>)
      %scan3A_119 = arith.constant 0 : i32
      %scan3A_120 = arith.constant 32 : i32
      %scan3A_121 = arith.addi %scan3A_119, %scan3A_120 : i32
      %scan3A_122 = arith.constant 1 : i32
      scf.for %scan3A_216 = %scan3A_119 to %scan3A_121 step %scan3A_122  : i32 {
        %mul3A_217 = arith.constant 1 : i32
        %mul3A_218 = arith.muli %scan3A_216, %mul3A_217 : i32
        %add3A_219 = arith.constant 0 : i32
        %add3A_220 = arith.addi %add3A_219, %mul3A_218 : i32
        %get3A = arith.constant 0 : index
        %get3A_221 = tpu.vector_load %arg8[%get3A] {strides = array<i32>} : memref<512xf32, #tpu.memory_space<vmem>>, vector<16xf32>,
        %get3A_222 = vector.shape_cast %get3A_221 : vector<16xf32> to vector<16xf32>
        %get3A_223 = arith.index_cast %add3A_220 : i32 to index
        %get3A_224 = arith.constant 0 : index
        %get3A_225 = tpu.vector_load %arg4[%get3A_223, %get3A_224] {strides = array<i32>} : memref<32x512xf32, #tpu.memory_space<vmem>>, vector<1x16xf32>,
        %get3A_226 = vector.shape_cast %get3A_225 : vector<1x16xf32> to vector<16xf32>
        %add3A_227 = arith.addf %get3A_222, %get3A_226 : vector<16xf32>
        %swap3A = arith.constant 0 : index
        %swap3A_228 = tpu.vector_load %arg8[%swap3A] {strides = array<i32>} : memref<512xf32, #tpu.memory_space<vmem>>, vector<16xf32>,
        %swap3A_229 = vector.shape_cast %swap3A_228 : vector<16xf32> to vector<16xf32>
        %swap3A_230 = vector.shape_cast %add3A_227 : vector<16xf32> to vector<16xf32>
        tpu.vector_store %arg8[%swap3A], %swap3A_230 {strides = array<i32>} : memref<512xf32, #tpu.memory_space<vmem>>, vector<16xf32>,
        %get3A_231 = arith.constant 16 : index
        %get3A_232 = tpu.vector_load %arg8[%get3A_231] {strides = array<i32>} : memref<512xf32, #tpu.memory_space<vmem>>, vector<16xf32>,
        %get3A_233 = vector.shape_cast %get3A_232 : vector<16xf32> to vector<16xf32>
        %get3A_234 = arith.index_cast %add3A_220 : i32 to index
        %get3A_235 = arith.constant 16 : index
        %get3A_236 = tpu.vector_load %arg4[%get3A_234, %get3A_235] {strides = array<i32>} : memref<32x512xf32, #tpu.memory_space<vmem>>, vector<1x16xf32>,
        %get3A_237 = vector.shape_cast %get3A_236 : vector<1x16xf32> to vector<16xf32>
        %add3A_238 = arith.addf %get3A_233, %get3A_237 : vector<16xf32>
        %swap3A_239 = arith.constant 16 : index
        %swap3A_240 = tpu.vector_load %arg8[%swap3A_239] {strides = array<i32>} : memref<512xf32, #tpu.memory_space<vmem>>, vector<16xf32>,
        %swap3A_241 = vector.shape_cast %swap3A_240 : vector<16xf32> to vector<16xf32>
        %swap3A_242 = vector.shape_cast %add3A_238 : vector<16xf32> to vector<16xf32>
        tpu.vector_store %arg8[%swap3A_239], %swap3A_242 {strides = array<i32>} : memref<512xf32, #tpu.memory_space<vmem>>, vector<16xf32>,
        %get3A_243 = arith.constant 32 : index
        %get3A_244 = tpu.vector_load %arg8[%get3A_243] {strides = array<i32>} : memref<512xf32, #tpu.memory_space<vmem>>, vector<16xf32>,
        %get3A_245 = vector.shape_cast %get3A_244 : vector<16xf32> to vector<16xf32>
        %get3A_246 = arith.index_cast %add3A_220 : i32 to index
        %get3A_247 = arith.constant 32 : index
        %get3A_248 = tpu.vector_load %arg4[%get3A_246, %get3A_247] {strides = array<i32>} : memref<32x512xf32, #tpu.memory_space<vmem>>, vector<1x16xf32>,
        %get3A_249 = vector.shape_cast %get3A_248 : vector<1x16xf32> to vector<16xf32>
        %add3A_250 = arith.addf %get3A_245, %get3A_249 : vector<16xf32>
        %swap3A_251 = arith.constant 32 : index
        %swap3A_252 = tpu.vector_load %arg8[%swap3A_251] {strides = array<i32>} : memref<512xf32, #tpu.memory_space<vmem>>, vector<16xf32>,
        %swap3A_253 = vector.shape_cast %swap3A_252 : vector<16xf32> to vector<16xf32>
        %swap3A_254 = vector.shape_cast %add3A_250 : vector<16xf32> to vector<16xf32>
        tpu.vector_store %arg8[%swap3A_251], %swap3A_254 {strides = array<i32>} : memref<512xf32, #tpu.memory_space<vmem>>, vector<16xf32>,
        %get3A_255 = arith.constant 48 : index
        %get3A_256 = tpu.vector_load %arg8[%get3A_255] {strides = array<i32>} : memref<512xf32, #tpu.memory_space<vmem>>, vector<16xf32>,
        %get3A_257 = vector.shape_cast %get3A_256 : vector<16xf32> to vector<16xf32>
        %get3A_258 = arith.index_cast %add3A_220 : i32 to index
        %get3A_259 = arith.constant 48 : index
        %get3A_260 = tpu.vector_load %arg4[%get3A_258, %get3A_259] {strides = array<i32>} : memref<32x512xf32, #tpu.memory_space<vmem>>, vector<1x16xf32>,
        %get3A_261 = vector.shape_cast %get3A_260 : vector<1x16xf32> to vector<16xf32>
        %add3A_262 = arith.addf %get3A_257, %get3A_261 : vector<16xf32>
        %swap3A_263 = arith.constant 48 : index
        %swap3A_264 = tpu.vector_load %arg8[%swap3A_263] {strides = array<i32>} : memref<512xf32, #tpu.memory_space<vmem>>, vector<16xf32>,
        %swap3A_265 = vector.shape_cast %swap3A_264 : vector<16xf32> to vector<16xf32>
        %swap3A_266 = vector.shape_cast %add3A_262 : vector<16xf32> to vector<16xf32>
        tpu.vector_store %arg8[%swap3A_263], %swap3A_266 {strides = array<i32>} : memref<512xf32, #tpu.memory_space<vmem>>, vector<16xf32>,
        %get3A_267 = arith.constant 64 : index
        %get3A_268 = tpu.vector_load %arg8[%get3A_267] {strides = array<i32>} : memref<512xf32, #tpu.memory_space<vmem>>, vector<16xf32>,
        %get3A_269 = vector.shape_cast %get3A_268 : vector<16xf32> to vector<16xf32>
        %get3A_270 = arith.index_cast %add3A_220 : i32 to index
        %get3A_271 = arith.constant 64 : index
        %get3A_272 = tpu.vector_load %arg4[%get3A_270, %get3A_271] {strides = array<i32>} : memref<32x512xf32, #tpu.memory_space<vmem>>, vector<1x16xf32>,
        %get3A_273 = vector.shape_cast %get3A_272 : vector<1x16xf32> to vector<16xf32>
        %add3A_274 = arith.addf %get3A_269, %get3A_273 : vector<16xf32>
        %swap3A_275 = arith.constant 64 : index
        %swap3A_276 = tpu.vector_load %arg8[%swap3A_275] {strides = array<i32>} : memref<512xf32, #tpu.memory_space<vmem>>, vector<16xf32>,
        %swap3A_277 = vector.shape_cast %swap3A_276 : vector<16xf32> to vector<16xf32>
        %swap3A_278 = vector.shape_cast %add3A_274 : vector<16xf32> to vector<16xf32>
        tpu.vector_store %arg8[%swap3A_275], %swap3A_278 {strides = array<i32>} : memref<512xf32, #tpu.memory_space<vmem>>, vector<16xf32>,
        %get3A_279 = arith.constant 80 : index
        %get3A_280 = tpu.vector_load %arg8[%get3A_279] {strides = array<i32>} : memref<512xf32, #tpu.memory_space<vmem>>, vector<16xf32>,
        %get3A_281 = vector.shape_cast %get3A_280 : vector<16xf32> to vector<16xf32>
        %get3A_282 = arith.index_cast %add3A_220 : i32 to index
        %get3A_283 = arith.constant 80 : index
        %get3A_284 = tpu.vector_load %arg4[%get3A_282, %get3A_283] {strides = array<i32>} : memref<32x512xf32, #tpu.memory_space<vmem>>, vector<1x16xf32>,
        %get3A_285 = vector.shape_cast %get3A_284 : vector<1x16xf32> to vector<16xf32>
        %add3A_286 = arith.addf %get3A_281, %get3A_285 : vector<16xf32>
        %swap3A_287 = arith.constant 80 : index
        %swap3A_288 = tpu.vector_load %arg8[%swap3A_287] {strides = array<i32>} : memref<512xf32, #tpu.memory_space<vmem>>, vector<16xf32>,
        %swap3A_289 = vector.shape_cast %swap3A_288 : vector<16xf32> to vector<16xf32>
        %swap3A_290 = vector.shape_cast %add3A_286 : vector<16xf32> to vector<16xf32>
        tpu.vector_store %arg8[%swap3A_287], %swap3A_290 {strides = array<i32>} : memref<512xf32, #tpu.memory_space<vmem>>, vector<16xf32>,
        %get3A_291 = arith.constant 96 : index
        %get3A_292 = tpu.vector_load %arg8[%get3A_291] {strides = array<i32>} : memref<512xf32, #tpu.memory_space<vmem>>, vector<16xf32>,
        %get3A_293 = vector.shape_cast %get3A_292 : vector<16xf32> to vector<16xf32>
        %get3A_294 = arith.index_cast %add3A_220 : i32 to index
        %get3A_295 = arith.constant 96 : index
        %get3A_296 = tpu.vector_load %arg4[%get3A_294, %get3A_295] {strides = array<i32>} : memref<32x512xf32, #tpu.memory_space<vmem>>, vector<1x16xf32>,
        %get3A_297 = vector.shape_cast %get3A_296 : vector<1x16xf32> to vector<16xf32>
        %add3A_298 = arith.addf %get3A_293, %get3A_297 : vector<16xf32>
        %swap3A_299 = arith.constant 96 : index
        %swap3A_300 = tpu.vector_load %arg8[%swap3A_299] {strides = array<i32>} : memref<512xf32, #tpu.memory_space<vmem>>, vector<16xf32>,
        %swap3A_301 = vector.shape_cast %swap3A_300 : vector<16xf32> to vector<16xf32>
        %swap3A_302 = vector.shape_cast %add3A_298 : vector<16xf32> to vector<16xf32>
        tpu.vector_store %arg8[%swap3A_299], %swap3A_302 {strides = array<i32>} : memref<512xf32, #tpu.memory_space<vmem>>, vector<16xf32>,
        %get3A_303 = arith.constant 112 : index
        %get3A_304 = tpu.vector_load %arg8[%get3A_303] {strides = array<i32>} : memref<512xf32, #tpu.memory_space<vmem>>, vector<16xf32>,
        %get3A_305 = vector.shape_cast %get3A_304 : vector<16xf32> to vector<16xf32>
        %get3A_306 = arith.index_cast %add3A_220 : i32 to index
        %get3A_307 = arith.constant 112 : index
        %get3A_308 = tpu.vector_load %arg4[%get3A_306, %get3A_307] {strides = array<i32>} : memref<32x512xf32, #tpu.memory_space<vmem>>, vector<1x16xf32>,
        %get3A_309 = vector.shape_cast %get3A_308 : vector<1x16xf32> to vector<16xf32>
        %add3A_310 = arith.addf %get3A_305, %get3A_309 : vector<16xf32>
        %swap3A_311 = arith.constant 112 : index
        %swap3A_312 = tpu.vector_load %arg8[%swap3A_311] {strides = array<i32>} : memref<512xf32, #tpu.memory_space<vmem>>, vector<16xf32>,
        %swap3A_313 = vector.shape_cast %swap3A_312 : vector<16xf32> to vector<16xf32>
        %swap3A_314 = vector.shape_cast %add3A_310 : vector<16xf32> to vector<16xf32>
        tpu.vector_store %arg8[%swap3A_311], %swap3A_314 {strides = array<i32>} : memref<512xf32, #tpu.memory_space<vmem>>, vector<16xf32>,
        %get3A_315 = arith.constant 128 : index
        %get3A_316 = tpu.vector_load %arg8[%get3A_315] {strides = array<i32>} : memref<512xf32, #tpu.memory_space<vmem>>, vector<16xf32>,
        %get3A_317 = vector.shape_cast %get3A_316 : vector<16xf32> to vector<16xf32>
        %get3A_318 = arith.index_cast %add3A_220 : i32 to index
        %get3A_319 = arith.constant 128 : index
        %get3A_320 = tpu.vector_load %arg4[%get3A_318, %get3A_319] {strides = array<i32>} : memref<32x512xf32, #tpu.memory_space<vmem>>, vector<1x16xf32>,
        %get3A_321 = vector.shape_cast %get3A_320 : vector<1x16xf32> to vector<16xf32>
        %add3A_322 = arith.addf %get3A_317, %get3A_321 : vector<16xf32>
        %swap3A_323 = arith.constant 128 : index
        %swap3A_324 = tpu.vector_load %arg8[%swap3A_323] {strides = array<i32>} : memref<512xf32, #tpu.memory_space<vmem>>, vector<16xf32>,
        %swap3A_325 = vector.shape_cast %swap3A_324 : vector<16xf32> to vector<16xf32>
        %swap3A_326 = vector.shape_cast %add3A_322 : vector<16xf32> to vector<16xf32>
        tpu.vector_store %arg8[%swap3A_323], %swap3A_326 {strides = array<i32>} : memref<512xf32, #tpu.memory_space<vmem>>, vector<16xf32>,
        %get3A_327 = arith.constant 144 : index
        %get3A_328 = tpu.vector_load %arg8[%get3A_327] {strides = array<i32>} : memref<512xf32, #tpu.memory_space<vmem>>, vector<16xf32>,
        %get3A_329 = vector.shape_cast %get3A_328 : vector<16xf32> to vector<16xf32>
        %get3A_330 = arith.index_cast %add3A_220 : i32 to index
        %get3A_331 = arith.constant 144 : index
        %get3A_332 = tpu.vector_load %arg4[%get3A_330, %get3A_331] {strides = array<i32>} : memref<32x512xf32, #tpu.memory_space<vmem>>, vector<1x16xf32>,
        %get3A_333 = vector.shape_cast %get3A_332 : vector<1x16xf32> to vector<16xf32>
        %add3A_334 = arith.addf %get3A_329, %get3A_333 : vector<16xf32>
        %swap3A_335 = arith.constant 144 : index
        %swap3A_336 = tpu.vector_load %arg8[%swap3A_335] {strides = array<i32>} : memref<512xf32, #tpu.memory_space<vmem>>, vector<16xf32>,
        %swap3A_337 = vector.shape_cast %swap3A_336 : vector<16xf32> to vector<16xf32>
        %swap3A_338 = vector.shape_cast %add3A_334 : vector<16xf32> to vector<16xf32>
        tpu.vector_store %arg8[%swap3A_335], %swap3A_338 {strides = array<i32>} : memref<512xf32, #tpu.memory_space<vmem>>, vector<16xf32>,
        %get3A_339 = arith.constant 160 : index
        %get3A_340 = tpu.vector_load %arg8[%get3A_339] {strides = array<i32>} : memref<512xf32, #tpu.memory_space<vmem>>, vector<16xf32>,
        %get3A_341 = vector.shape_cast %get3A_340 : vector<16xf32> to vector<16xf32>
        %get3A_342 = arith.index_cast %add3A_220 : i32 to index
        %get3A_343 = arith.constant 160 : index
        %get3A_344 = tpu.vector_load %arg4[%get3A_342, %get3A_343] {strides = array<i32>} : memref<32x512xf32, #tpu.memory_space<vmem>>, vector<1x16xf32>,
        %get3A_345 = vector.shape_cast %get3A_344 : vector<1x16xf32> to vector<16xf32>
        %add3A_346 = arith.addf %get3A_341, %get3A_345 : vector<16xf32>
        %swap3A_347 = arith.constant 160 : index
        %swap3A_348 = tpu.vector_load %arg8[%swap3A_347] {strides = array<i32>} : memref<512xf32, #tpu.memory_space<vmem>>, vector<16xf32>,
        %swap3A_349 = vector.shape_cast %swap3A_348 : vector<16xf32> to vector<16xf32>
        %swap3A_350 = vector.shape_cast %add3A_346 : vector<16xf32> to vector<16xf32>
        tpu.vector_store %arg8[%swap3A_347], %swap3A_350 {strides = array<i32>} : memref<512xf32, #tpu.memory_space<vmem>>, vector<16xf32>,
        %get3A_351 = arith.constant 176 : index
        %get3A_352 = tpu.vector_load %arg8[%get3A_351] {strides = array<i32>} : memref<512xf32, #tpu.memory_space<vmem>>, vector<16xf32>,
        %get3A_353 = vector.shape_cast %get3A_352 : vector<16xf32> to vector<16xf32>
        %get3A_354 = arith.index_cast %add3A_220 : i32 to index
        %get3A_355 = arith.constant 176 : index
        %get3A_356 = tpu.vector_load %arg4[%get3A_354, %get3A_355] {strides = array<i32>} : memref<32x512xf32, #tpu.memory_space<vmem>>, vector<1x16xf32>,
        %get3A_357 = vector.shape_cast %get3A_356 : vector<1x16xf32> to vector<16xf32>
        %add3A_358 = arith.addf %get3A_353, %get3A_357 : vector<16xf32>
        %swap3A_359 = arith.constant 176 : index
        %swap3A_360 = tpu.vector_load %arg8[%swap3A_359] {strides = array<i32>} : memref<512xf32, #tpu.memory_space<vmem>>, vector<16xf32>,
        %swap3A_361 = vector.shape_cast %swap3A_360 : vector<16xf32> to vector<16xf32>
        %swap3A_362 = vector.shape_cast %add3A_358 : vector<16xf32> to vector<16xf32>
        tpu.vector_store %arg8[%swap3A_359], %swap3A_362 {strides = array<i32>} : memref<512xf32, #tpu.memory_space<vmem>>, vector<16xf32>,
        %get3A_363 = arith.constant 192 : index
        %get3A_364 = tpu.vector_load %arg8[%get3A_363] {strides = array<i32>} : memref<512xf32, #tpu.memory_space<vmem>>, vector<16xf32>,
        %get3A_365 = vector.shape_cast %get3A_364 : vector<16xf32> to vector<16xf32>
        %get3A_366 = arith.index_cast %add3A_220 : i32 to index
        %get3A_367 = arith.constant 192 : index
        %get3A_368 = tpu.vector_load %arg4[%get3A_366, %get3A_367] {strides = array<i32>} : memref<32x512xf32, #tpu.memory_space<vmem>>, vector<1x16xf32>,
        %get3A_369 = vector.shape_cast %get3A_368 : vector<1x16xf32> to vector<16xf32>
        %add3A_370 = arith.addf %get3A_365, %get3A_369 : vector<16xf32>
        %swap3A_371 = arith.constant 192 : index
        %swap3A_372 = tpu.vector_load %arg8[%swap3A_371] {strides = array<i32>} : memref<512xf32, #tpu.memory_space<vmem>>, vector<16xf32>,
        %swap3A_373 = vector.shape_cast %swap3A_372 : vector<16xf32> to vector<16xf32>
        %swap3A_374 = vector.shape_cast %add3A_370 : vector<16xf32> to vector<16xf32>
        tpu.vector_store %arg8[%swap3A_371], %swap3A_374 {strides = array<i32>} : memref<512xf32, #tpu.memory_space<vmem>>, vector<16xf32>,
        %get3A_375 = arith.constant 208 : index
        %get3A_376 = tpu.vector_load %arg8[%get3A_375] {strides = array<i32>} : memref<512xf32, #tpu.memory_space<vmem>>, vector<16xf32>,
        %get3A_377 = vector.shape_cast %get3A_376 : vector<16xf32> to vector<16xf32>
        %get3A_378 = arith.index_cast %add3A_220 : i32 to index
        %get3A_379 = arith.constant 208 : index
        %get3A_380 = tpu.vector_load %arg4[%get3A_378, %get3A_379] {strides = array<i32>} : memref<32x512xf32, #tpu.memory_space<vmem>>, vector<1x16xf32>,
        %get3A_381 = vector.shape_cast %get3A_380 : vector<1x16xf32> to vector<16xf32>
        %add3A_382 = arith.addf %get3A_377, %get3A_381 : vector<16xf32>
        %swap3A_383 = arith.constant 208 : index
        %swap3A_384 = tpu.vector_load %arg8[%swap3A_383] {strides = array<i32>} : memref<512xf32, #tpu.memory_space<vmem>>, vector<16xf32>,
        %swap3A_385 = vector.shape_cast %swap3A_384 : vector<16xf32> to vector<16xf32>
        %swap3A_386 = vector.shape_cast %add3A_382 : vector<16xf32> to vector<16xf32>
        tpu.vector_store %arg8[%swap3A_383], %swap3A_386 {strides = array<i32>} : memref<512xf32, #tpu.memory_space<vmem>>, vector<16xf32>,
        %get3A_387 = arith.constant 224 : index
        %get3A_388 = tpu.vector_load %arg8[%get3A_387] {strides = array<i32>} : memref<512xf32, #tpu.memory_space<vmem>>, vector<16xf32>,
        %get3A_389 = vector.shape_cast %get3A_388 : vector<16xf32> to vector<16xf32>
        %get3A_390 = arith.index_cast %add3A_220 : i32 to index
        %get3A_391 = arith.constant 224 : index
        %get3A_392 = tpu.vector_load %arg4[%get3A_390, %get3A_391] {strides = array<i32>} : memref<32x512xf32, #tpu.memory_space<vmem>>, vector<1x16xf32>,
        %get3A_393 = vector.shape_cast %get3A_392 : vector<1x16xf32> to vector<16xf32>
        %add3A_394 = arith.addf %get3A_389, %get3A_393 : vector<16xf32>
        %swap3A_395 = arith.constant 224 : index
        %swap3A_396 = tpu.vector_load %arg8[%swap3A_395] {strides = array<i32>} : memref<512xf32, #tpu.memory_space<vmem>>, vector<16xf32>,
        %swap3A_397 = vector.shape_cast %swap3A_396 : vector<16xf32> to vector<16xf32>
        %swap3A_398 = vector.shape_cast %add3A_394 : vector<16xf32> to vector<16xf32>
        tpu.vector_store %arg8[%swap3A_395], %swap3A_398 {strides = array<i32>} : memref<512xf32, #tpu.memory_space<vmem>>, vector<16xf32>,
        %get3A_399 = arith.constant 240 : index
        %get3A_400 = tpu.vector_load %arg8[%get3A_399] {strides = array<i32>} : memref<512xf32, #tpu.memory_space<vmem>>, vector<16xf32>,
        %get3A_401 = vector.shape_cast %get3A_400 : vector<16xf32> to vector<16xf32>
        %get3A_402 = arith.index_cast %add3A_220 : i32 to index
        %get3A_403 = arith.constant 240 : index
        %get3A_404 = tpu.vector_load %arg4[%get3A_402, %get3A_403] {strides = array<i32>} : memref<32x512xf32, #tpu.memory_space<vmem>>, vector<1x16xf32>,
        %get3A_405 = vector.shape_cast %get3A_404 : vector<1x16xf32> to vector<16xf32>
        %add3A_406 = arith.addf %get3A_401, %get3A_405 : vector<16xf32>
        %swap3A_407 = arith.constant 240 : index
        %swap3A_408 = tpu.vector_load %arg8[%swap3A_407] {strides = array<i32>} : memref<512xf32, #tpu.memory_space<vmem>>, vector<16xf32>,
        %swap3A_409 = vector.shape_cast %swap3A_408 : vector<16xf32> to vector<16xf32>
        %swap3A_410 = vector.shape_cast %add3A_406 : vector<16xf32> to vector<16xf32>
        tpu.vector_store %arg8[%swap3A_407], %swap3A_410 {strides = array<i32>} : memref<512xf32, #tpu.memory_space<vmem>>, vector<16xf32>,
        %get3A_411 = arith.constant 256 : index
        %get3A_412 = tpu.vector_load %arg8[%get3A_411] {strides = array<i32>} : memref<512xf32, #tpu.memory_space<vmem>>, vector<16xf32>,
        %get3A_413 = vector.shape_cast %get3A_412 : vector<16xf32> to vector<16xf32>
        %get3A_414 = arith.index_cast %add3A_220 : i32 to index
        %get3A_415 = arith.constant 256 : index
        %get3A_416 = tpu.vector_load %arg4[%get3A_414, %get3A_415] {strides = array<i32>} : memref<32x512xf32, #tpu.memory_space<vmem>>, vector<1x16xf32>,
        %get3A_417 = vector.shape_cast %get3A_416 : vector<1x16xf32> to vector<16xf32>
        %add3A_418 = arith.addf %get3A_413, %get3A_417 : vector<16xf32>
        %swap3A_419 = arith.constant 256 : index
        %swap3A_420 = tpu.vector_load %arg8[%swap3A_419] {strides = array<i32>} : memref<512xf32, #tpu.memory_space<vmem>>, vector<16xf32>,
        %swap3A_421 = vector.shape_cast %swap3A_420 : vector<16xf32> to vector<16xf32>
        %swap3A_422 = vector.shape_cast %add3A_418 : vector<16xf32> to vector<16xf32>
        tpu.vector_store %arg8[%swap3A_419], %swap3A_422 {strides = array<i32>} : memref<512xf32, #tpu.memory_space<vmem>>, vector<16xf32>,
        %get3A_423 = arith.constant 272 : index
        %get3A_424 = tpu.vector_load %arg8[%get3A_423] {strides = array<i32>} : memref<512xf32, #tpu.memory_space<vmem>>, vector<16xf32>,
        %get3A_425 = vector.shape_cast %get3A_424 : vector<16xf32> to vector<16xf32>
        %get3A_426 = arith.index_cast %add3A_220 : i32 to index
        %get3A_427 = arith.constant 272 : index
        %get3A_428 = tpu.vector_load %arg4[%get3A_426, %get3A_427] {strides = array<i32>} : memref<32x512xf32, #tpu.memory_space<vmem>>, vector<1x16xf32>,
        %get3A_429 = vector.shape_cast %get3A_428 : vector<1x16xf32> to vector<16xf32>
        %add3A_430 = arith.addf %get3A_425, %get3A_429 : vector<16xf32>
        %swap3A_431 = arith.constant 272 : index
        %swap3A_432 = tpu.vector_load %arg8[%swap3A_431] {strides = array<i32>} : memref<512xf32, #tpu.memory_space<vmem>>, vector<16xf32>,
        %swap3A_433 = vector.shape_cast %swap3A_432 : vector<16xf32> to vector<16xf32>
        %swap3A_434 = vector.shape_cast %add3A_430 : vector<16xf32> to vector<16xf32>
        tpu.vector_store %arg8[%swap3A_431], %swap3A_434 {strides = array<i32>} : memref<512xf32, #tpu.memory_space<vmem>>, vector<16xf32>,
        %get3A_435 = arith.constant 288 : index
        %get3A_436 = tpu.vector_load %arg8[%get3A_435] {strides = array<i32>} : memref<512xf32, #tpu.memory_space<vmem>>, vector<16xf32>,
        %get3A_437 = vector.shape_cast %get3A_436 : vector<16xf32> to vector<16xf32>
        %get3A_438 = arith.index_cast %add3A_220 : i32 to index
        %get3A_439 = arith.constant 288 : index
        %get3A_440 = tpu.vector_load %arg4[%get3A_438, %get3A_439] {strides = array<i32>} : memref<32x512xf32, #tpu.memory_space<vmem>>, vector<1x16xf32>,
        %get3A_441 = vector.shape_cast %get3A_440 : vector<1x16xf32> to vector<16xf32>
        %add3A_442 = arith.addf %get3A_437, %get3A_441 : vector<16xf32>
        %swap3A_443 = arith.constant 288 : index
        %swap3A_444 = tpu.vector_load %arg8[%swap3A_443] {strides = array<i32>} : memref<512xf32, #tpu.memory_space<vmem>>, vector<16xf32>,
        %swap3A_445 = vector.shape_cast %swap3A_444 : vector<16xf32> to vector<16xf32>
        %swap3A_446 = vector.shape_cast %add3A_442 : vector<16xf32> to vector<16xf32>
        tpu.vector_store %arg8[%swap3A_443], %swap3A_446 {strides = array<i32>} : memref<512xf32, #tpu.memory_space<vmem>>, vector<16xf32>,
        %get3A_447 = arith.constant 304 : index
        %get3A_448 = tpu.vector_load %arg8[%get3A_447] {strides = array<i32>} : memref<512xf32, #tpu.memory_space<vmem>>, vector<16xf32>,
        %get3A_449 = vector.shape_cast %get3A_448 : vector<16xf32> to vector<16xf32>
        %get3A_450 = arith.index_cast %add3A_220 : i32 to index
        %get3A_451 = arith.constant 304 : index
        %get3A_452 = tpu.vector_load %arg4[%get3A_450, %get3A_451] {strides = array<i32>} : memref<32x512xf32, #tpu.memory_space<vmem>>, vector<1x16xf32>,
        %get3A_453 = vector.shape_cast %get3A_452 : vector<1x16xf32> to vector<16xf32>
        %add3A_454 = arith.addf %get3A_449, %get3A_453 : vector<16xf32>
        %swap3A_455 = arith.constant 304 : index
        %swap3A_456 = tpu.vector_load %arg8[%swap3A_455] {strides = array<i32>} : memref<512xf32, #tpu.memory_space<vmem>>, vector<16xf32>,
        %swap3A_457 = vector.shape_cast %swap3A_456 : vector<16xf32> to vector<16xf32>
        %swap3A_458 = vector.shape_cast %add3A_454 : vector<16xf32> to vector<16xf32>
        tpu.vector_store %arg8[%swap3A_455], %swap3A_458 {strides = array<i32>} : memref<512xf32, #tpu.memory_space<vmem>>, vector<16xf32>,
        %get3A_459 = arith.constant 320 : index
        %get3A_460 = tpu.vector_load %arg8[%get3A_459] {strides = array<i32>} : memref<512xf32, #tpu.memory_space<vmem>>, vector<16xf32>,
        %get3A_461 = vector.shape_cast %get3A_460 : vector<16xf32> to vector<16xf32>
        %get3A_462 = arith.index_cast %add3A_220 : i32 to index
        %get3A_463 = arith.constant 320 : index
        %get3A_464 = tpu.vector_load %arg4[%get3A_462, %get3A_463] {strides = array<i32>} : memref<32x512xf32, #tpu.memory_space<vmem>>, vector<1x16xf32>,
        %get3A_465 = vector.shape_cast %get3A_464 : vector<1x16xf32> to vector<16xf32>
        %add3A_466 = arith.addf %get3A_461, %get3A_465 : vector<16xf32>
        %swap3A_467 = arith.constant 320 : index
        %swap3A_468 = tpu.vector_load %arg8[%swap3A_467] {strides = array<i32>} : memref<512xf32, #tpu.memory_space<vmem>>, vector<16xf32>,
        %swap3A_469 = vector.shape_cast %swap3A_468 : vector<16xf32> to vector<16xf32>
        %swap3A_470 = vector.shape_cast %add3A_466 : vector<16xf32> to vector<16xf32>
        tpu.vector_store %arg8[%swap3A_467], %swap3A_470 {strides = array<i32>} : memref<512xf32, #tpu.memory_space<vmem>>, vector<16xf32>,
        %get3A_471 = arith.constant 336 : index
        %get3A_472 = tpu.vector_load %arg8[%get3A_471] {strides = array<i32>} : memref<512xf32, #tpu.memory_space<vmem>>, vector<16xf32>,
        %get3A_473 = vector.shape_cast %get3A_472 : vector<16xf32> to vector<16xf32>
        %get3A_474 = arith.index_cast %add3A_220 : i32 to index
        %get3A_475 = arith.constant 336 : index
        %get3A_476 = tpu.vector_load %arg4[%get3A_474, %get3A_475] {strides = array<i32>} : memref<32x512xf32, #tpu.memory_space<vmem>>, vector<1x16xf32>,
        %get3A_477 = vector.shape_cast %get3A_476 : vector<1x16xf32> to vector<16xf32>
        %add3A_478 = arith.addf %get3A_473, %get3A_477 : vector<16xf32>
        %swap3A_479 = arith.constant 336 : index
        %swap3A_480 = tpu.vector_load %arg8[%swap3A_479] {strides = array<i32>} : memref<512xf32, #tpu.memory_space<vmem>>, vector<16xf32>,
        %swap3A_481 = vector.shape_cast %swap3A_480 : vector<16xf32> to vector<16xf32>
        %swap3A_482 = vector.shape_cast %add3A_478 : vector<16xf32> to vector<16xf32>
        tpu.vector_store %arg8[%swap3A_479], %swap3A_482 {strides = array<i32>} : memref<512xf32, #tpu.memory_space<vmem>>, vector<16xf32>,
        %get3A_483 = arith.constant 352 : index
        %get3A_484 = tpu.vector_load %arg8[%get3A_483] {strides = array<i32>} : memref<512xf32, #tpu.memory_space<vmem>>, vector<16xf32>,
        %get3A_485 = vector.shape_cast %get3A_484 : vector<16xf32> to vector<16xf32>
        %get3A_486 = arith.index_cast %add3A_220 : i32 to index
        %get3A_487 = arith.constant 352 : index
        %get3A_488 = tpu.vector_load %arg4[%get3A_486, %get3A_487] {strides = array<i32>} : memref<32x512xf32, #tpu.memory_space<vmem>>, vector<1x16xf32>,
        %get3A_489 = vector.shape_cast %get3A_488 : vector<1x16xf32> to vector<16xf32>
        %add3A_490 = arith.addf %get3A_485, %get3A_489 : vector<16xf32>
        %swap3A_491 = arith.constant 352 : index
        %swap3A_492 = tpu.vector_load %arg8[%swap3A_491] {strides = array<i32>} : memref<512xf32, #tpu.memory_space<vmem>>, vector<16xf32>,
        %swap3A_493 = vector.shape_cast %swap3A_492 : vector<16xf32> to vector<16xf32>
        %swap3A_494 = vector.shape_cast %add3A_490 : vector<16xf32> to vector<16xf32>
        tpu.vector_store %arg8[%swap3A_491], %swap3A_494 {strides = array<i32>} : memref<512xf32, #tpu.memory_space<vmem>>, vector<16xf32>,
        %get3A_495 = arith.constant 368 : index
        %get3A_496 = tpu.vector_load %arg8[%get3A_495] {strides = array<i32>} : memref<512xf32, #tpu.memory_space<vmem>>, vector<16xf32>,
        %get3A_497 = vector.shape_cast %get3A_496 : vector<16xf32> to vector<16xf32>
        %get3A_498 = arith.index_cast %add3A_220 : i32 to index
        %get3A_499 = arith.constant 368 : index
        %get3A_500 = tpu.vector_load %arg4[%get3A_498, %get3A_499] {strides = array<i32>} : memref<32x512xf32, #tpu.memory_space<vmem>>, vector<1x16xf32>,
        %get3A_501 = vector.shape_cast %get3A_500 : vector<1x16xf32> to vector<16xf32>
        %add3A_502 = arith.addf %get3A_497, %get3A_501 : vector<16xf32>
        %swap3A_503 = arith.constant 368 : index
        %swap3A_504 = tpu.vector_load %arg8[%swap3A_503] {strides = array<i32>} : memref<512xf32, #tpu.memory_space<vmem>>, vector<16xf32>,
        %swap3A_505 = vector.shape_cast %swap3A_504 : vector<16xf32> to vector<16xf32>
        %swap3A_506 = vector.shape_cast %add3A_502 : vector<16xf32> to vector<16xf32>
        tpu.vector_store %arg8[%swap3A_503], %swap3A_506 {strides = array<i32>} : memref<512xf32, #tpu.memory_space<vmem>>, vector<16xf32>,
        %get3A_507 = arith.constant 384 : index
        %get3A_508 = tpu.vector_load %arg8[%get3A_507] {strides = array<i32>} : memref<512xf32, #tpu.memory_space<vmem>>, vector<16xf32>,
        %get3A_509 = vector.shape_cast %get3A_508 : vector<16xf32> to vector<16xf32>
        %get3A_510 = arith.index_cast %add3A_220 : i32 to index
        %get3A_511 = arith.constant 384 : index
        %get3A_512 = tpu.vector_load %arg4[%get3A_510, %get3A_511] {strides = array<i32>} : memref<32x512xf32, #tpu.memory_space<vmem>>, vector<1x16xf32>,
        %get3A_513 = vector.shape_cast %get3A_512 : vector<1x16xf32> to vector<16xf32>
        %add3A_514 = arith.addf %get3A_509, %get3A_513 : vector<16xf32>
        %swap3A_515 = arith.constant 384 : index
        %swap3A_516 = tpu.vector_load %arg8[%swap3A_515] {strides = array<i32>} : memref<512xf32, #tpu.memory_space<vmem>>, vector<16xf32>,
        %swap3A_517 = vector.shape_cast %swap3A_516 : vector<16xf32> to vector<16xf32>
        %swap3A_518 = vector.shape_cast %add3A_514 : vector<16xf32> to vector<16xf32>
        tpu.vector_store %arg8[%swap3A_515], %swap3A_518 {strides = array<i32>} : memref<512xf32, #tpu.memory_space<vmem>>, vector<16xf32>,
        %get3A_519 = arith.constant 400 : index
        %get3A_520 = tpu.vector_load %arg8[%get3A_519] {strides = array<i32>} : memref<512xf32, #tpu.memory_space<vmem>>, vector<16xf32>,
        %get3A_521 = vector.shape_cast %get3A_520 : vector<16xf32> to vector<16xf32>
        %get3A_522 = arith.index_cast %add3A_220 : i32 to index
        %get3A_523 = arith.constant 400 : index
        %get3A_524 = tpu.vector_load %arg4[%get3A_522, %get3A_523] {strides = array<i32>} : memref<32x512xf32, #tpu.memory_space<vmem>>, vector<1x16xf32>,
        %get3A_525 = vector.shape_cast %get3A_524 : vector<1x16xf32> to vector<16xf32>
        %add3A_526 = arith.addf %get3A_521, %get3A_525 : vector<16xf32>
        %swap3A_527 = arith.constant 400 : index
        %swap3A_528 = tpu.vector_load %arg8[%swap3A_527] {strides = array<i32>} : memref<512xf32, #tpu.memory_space<vmem>>, vector<16xf32>,
        %swap3A_529 = vector.shape_cast %swap3A_528 : vector<16xf32> to vector<16xf32>
        %swap3A_530 = vector.shape_cast %add3A_526 : vector<16xf32> to vector<16xf32>
        tpu.vector_store %arg8[%swap3A_527], %swap3A_530 {strides = array<i32>} : memref<512xf32, #tpu.memory_space<vmem>>, vector<16xf32>,
        %get3A_531 = arith.constant 416 : index
        %get3A_532 = tpu.vector_load %arg8[%get3A_531] {strides = array<i32>} : memref<512xf32, #tpu.memory_space<vmem>>, vector<16xf32>,
        %get3A_533 = vector.shape_cast %get3A_532 : vector<16xf32> to vector<16xf32>
        %get3A_534 = arith.index_cast %add3A_220 : i32 to index
        %get3A_535 = arith.constant 416 : index
        %get3A_536 = tpu.vector_load %arg4[%get3A_534, %get3A_535] {strides = array<i32>} : memref<32x512xf32, #tpu.memory_space<vmem>>, vector<1x16xf32>,
        %get3A_537 = vector.shape_cast %get3A_536 : vector<1x16xf32> to vector<16xf32>
        %add3A_538 = arith.addf %get3A_533, %get3A_537 : vector<16xf32>
        %swap3A_539 = arith.constant 416 : index
        %swap3A_540 = tpu.vector_load %arg8[%swap3A_539] {strides = array<i32>} : memref<512xf32, #tpu.memory_space<vmem>>, vector<16xf32>,
        %swap3A_541 = vector.shape_cast %swap3A_540 : vector<16xf32> to vector<16xf32>
        %swap3A_542 = vector.shape_cast %add3A_538 : vector<16xf32> to vector<16xf32>
        tpu.vector_store %arg8[%swap3A_539], %swap3A_542 {strides = array<i32>} : memref<512xf32, #tpu.memory_space<vmem>>, vector<16xf32>,
        %get3A_543 = arith.constant 432 : index
        %get3A_544 = tpu.vector_load %arg8[%get3A_543] {strides = array<i32>} : memref<512xf32, #tpu.memory_space<vmem>>, vector<16xf32>,
        %get3A_545 = vector.shape_cast %get3A_544 : vector<16xf32> to vector<16xf32>
        %get3A_546 = arith.index_cast %add3A_220 : i32 to index
        %get3A_547 = arith.constant 432 : index
        %get3A_548 = tpu.vector_load %arg4[%get3A_546, %get3A_547] {strides = array<i32>} : memref<32x512xf32, #tpu.memory_space<vmem>>, vector<1x16xf32>,
        %get3A_549 = vector.shape_cast %get3A_548 : vector<1x16xf32> to vector<16xf32>
        %add3A_550 = arith.addf %get3A_545, %get3A_549 : vector<16xf32>
        %swap3A_551 = arith.constant 432 : index
        %swap3A_552 = tpu.vector_load %arg8[%swap3A_551] {strides = array<i32>} : memref<512xf32, #tpu.memory_space<vmem>>, vector<16xf32>,
        %swap3A_553 = vector.shape_cast %swap3A_552 : vector<16xf32> to vector<16xf32>
        %swap3A_554 = vector.shape_cast %add3A_550 : vector<16xf32> to vector<16xf32>
        tpu.vector_store %arg8[%swap3A_551], %swap3A_554 {strides = array<i32>} : memref<512xf32, #tpu.memory_space<vmem>>, vector<16xf32>,
        %get3A_555 = arith.constant 448 : index
        %get3A_556 = tpu.vector_load %arg8[%get3A_555] {strides = array<i32>} : memref<512xf32, #tpu.memory_space<vmem>>, vector<16xf32>,
        %get3A_557 = vector.shape_cast %get3A_556 : vector<16xf32> to vector<16xf32>
        %get3A_558 = arith.index_cast %add3A_220 : i32 to index
        %get3A_559 = arith.constant 448 : index
        %get3A_560 = tpu.vector_load %arg4[%get3A_558, %get3A_559] {strides = array<i32>} : memref<32x512xf32, #tpu.memory_space<vmem>>, vector<1x16xf32>,
        %get3A_561 = vector.shape_cast %get3A_560 : vector<1x16xf32> to vector<16xf32>
        %add3A_562 = arith.addf %get3A_557, %get3A_561 : vector<16xf32>
        %swap3A_563 = arith.constant 448 : index
        %swap3A_564 = tpu.vector_load %arg8[%swap3A_563] {strides = array<i32>} : memref<512xf32, #tpu.memory_space<vmem>>, vector<16xf32>,
        %swap3A_565 = vector.shape_cast %swap3A_564 : vector<16xf32> to vector<16xf32>
        %swap3A_566 = vector.shape_cast %add3A_562 : vector<16xf32> to vector<16xf32>
        tpu.vector_store %arg8[%swap3A_563], %swap3A_566 {strides = array<i32>} : memref<512xf32, #tpu.memory_space<vmem>>, vector<16xf32>,
        %get3A_567 = arith.constant 464 : index
        %get3A_568 = tpu.vector_load %arg8[%get3A_567] {strides = array<i32>} : memref<512xf32, #tpu.memory_space<vmem>>, vector<16xf32>,
        %get3A_569 = vector.shape_cast %get3A_568 : vector<16xf32> to vector<16xf32>
        %get3A_570 = arith.index_cast %add3A_220 : i32 to index
        %get3A_571 = arith.constant 464 : index
        %get3A_572 = tpu.vector_load %arg4[%get3A_570, %get3A_571] {strides = array<i32>} : memref<32x512xf32, #tpu.memory_space<vmem>>, vector<1x16xf32>,
        %get3A_573 = vector.shape_cast %get3A_572 : vector<1x16xf32> to vector<16xf32>
        %add3A_574 = arith.addf %get3A_569, %get3A_573 : vector<16xf32>
        %swap3A_575 = arith.constant 464 : index
        %swap3A_576 = tpu.vector_load %arg8[%swap3A_575] {strides = array<i32>} : memref<512xf32, #tpu.memory_space<vmem>>, vector<16xf32>,
        %swap3A_577 = vector.shape_cast %swap3A_576 : vector<16xf32> to vector<16xf32>
        %swap3A_578 = vector.shape_cast %add3A_574 : vector<16xf32> to vector<16xf32>
        tpu.vector_store %arg8[%swap3A_575], %swap3A_578 {strides = array<i32>} : memref<512xf32, #tpu.memory_space<vmem>>, vector<16xf32>,
        %get3A_579 = arith.constant 480 : index
        %get3A_580 = tpu.vector_load %arg8[%get3A_579] {strides = array<i32>} : memref<512xf32, #tpu.memory_space<vmem>>, vector<16xf32>,
        %get3A_581 = vector.shape_cast %get3A_580 : vector<16xf32> to vector<16xf32>
        %get3A_582 = arith.index_cast %add3A_220 : i32 to index
        %get3A_583 = arith.constant 480 : index
        %get3A_584 = tpu.vector_load %arg4[%get3A_582, %get3A_583] {strides = array<i32>} : memref<32x512xf32, #tpu.memory_space<vmem>>, vector<1x16xf32>,
        %get3A_585 = vector.shape_cast %get3A_584 : vector<1x16xf32> to vector<16xf32>
        %add3A_586 = arith.addf %get3A_581, %get3A_585 : vector<16xf32>
        %swap3A_587 = arith.constant 480 : index
        %swap3A_588 = tpu.vector_load %arg8[%swap3A_587] {strides = array<i32>} : memref<512xf32, #tpu.memory_space<vmem>>, vector<16xf32>,
        %swap3A_589 = vector.shape_cast %swap3A_588 : vector<16xf32> to vector<16xf32>
        %swap3A_590 = vector.shape_cast %add3A_586 : vector<16xf32> to vector<16xf32>
        tpu.vector_store %arg8[%swap3A_587], %swap3A_590 {strides = array<i32>} : memref<512xf32, #tpu.memory_space<vmem>>, vector<16xf32>,
        %get3A_591 = arith.constant 496 : index
        %get3A_592 = tpu.vector_load %arg8[%get3A_591] {strides = array<i32>} : memref<512xf32, #tpu.memory_space<vmem>>, vector<16xf32>,
        %get3A_593 = vector.shape_cast %get3A_592 : vector<16xf32> to vector<16xf32>
        %get3A_594 = arith.index_cast %add3A_220 : i32 to index
        %get3A_595 = arith.constant 496 : index
        %get3A_596 = tpu.vector_load %arg4[%get3A_594, %get3A_595] {strides = array<i32>} : memref<32x512xf32, #tpu.memory_space<vmem>>, vector<1x16xf32>,
        %get3A_597 = vector.shape_cast %get3A_596 : vector<1x16xf32> to vector<16xf32>
        %add3A_598 = arith.addf %get3A_593, %get3A_597 : vector<16xf32>
        %swap3A_599 = arith.constant 496 : index
        %swap3A_600 = tpu.vector_load %arg8[%swap3A_599] {strides = array<i32>} : memref<512xf32, #tpu.memory_space<vmem>>, vector<16xf32>,
        %swap3A_601 = vector.shape_cast %swap3A_600 : vector<16xf32> to vector<16xf32>
        %swap3A_602 = vector.shape_cast %add3A_598 : vector<16xf32> to vector<16xf32>
        tpu.vector_store %arg8[%swap3A_599], %swap3A_602 {strides = array<i32>} : memref<512xf32, #tpu.memory_space<vmem>>, vector<16xf32>,
      }
      %scan3A_123 = arith.constant 32 : i32
      %add3A_124 = arith.constant 4 : i32
      %add3A_125 = arith.addi %add3A_104, %add3A_124 : i32
      %lt3A_126 = arith.constant 16 : i32
      %lt3A_127 = arith.cmpi slt, %add3A_125, %lt3A_126 : i32
      %convert_element_type3A = arith.extui %lt3A_127 : i1 to i32
      %cond3A = arith.constant 0 : i32
      %cond3A_128 = arith.cmpi ne, %convert_element_type3A, %cond3A : i32
      scf.if %cond3A_128 {
        %add3A_216 = arith.constant 4 : i32
        %add3A_217 = arith.addi %add3A_104, %add3A_216 : i32
        %mul3A_218 = arith.constant 32 : i32
        %mul3A_219 = arith.muli %add3A_217, %mul3A_218 : i32
        %add3A_220 = arith.addi %mul3A_34, %mul3A_219 : i32
        %dma_start3A_221 = arith.constant 0 : i32
        %dma_start3A_222 = tpu.memref_slice %arg2[%add3A_32, %add3A_220, %dma_start3A_221] : memref<64x1024x512xf32, #tpu.memory_space<hbm>> -> memref<1x32x512xf32, #tpu.memory_space<hbm>>
        %dma_start3A_223 = tpu.memref_squeeze %dma_start3A_222 : memref<1x32x512xf32, #tpu.memory_space<hbm>> -> memref<32x512xf32, #tpu.memory_space<hbm>>
        %dma_start3A_224 = arith.constant 0 : i32
        %dma_start3A_225 = tpu.memref_slice %arg2[%add3A_32, %add3A_220, %dma_start3A_224] : memref<64x1024x512xf32, #tpu.memory_space<hbm>> -> memref<1x32x512xf32, #tpu.memory_space<hbm>>
        %dma_start3A_226 = tpu.memref_squeeze %dma_start3A_225 : memref<1x32x512xf32, #tpu.memory_space<hbm>> -> memref<32x512xf32, #tpu.memory_space<hbm>>
        tpu.enqueue_dma source(%dma_start3A_226 : memref<32x512xf32, #tpu.memory_space<hbm>>) target(%arg4 : memref<32x512xf32, #tpu.memory_space<vmem>>) target_semaphore(%arg9 : memref<!tpu.dma_semaphore, #tpu.memory_space<semaphore_mem>>)
        %dma_start3A_227 = arith.constant 0 : i32
        %dma_start3A_228 = tpu.memref_slice %arg2[%add3A_32, %add3A_220, %dma_start3A_227] : memref<64x1024x512xf32, #tpu.memory_space<hbm>> -> memref<1x32x512xf32, #tpu.memory_space<hbm>>
        %dma_start3A_229 = tpu.memref_squeeze %dma_start3A_228 : memref<1x32x512xf32, #tpu.memory_space<hbm>> -> memref<32x512xf32, #tpu.memory_space<hbm>>
        %dma_start3A_230 = arith.constant 0 : i32
        %dma_start3A_231 = tpu.memref_slice %arg2[%add3A_32, %add3A_220, %dma_start3A_230] : memref<64x1024x512xf32, #tpu.memory_space<hbm>> -> memref<1x32x512xf32, #tpu.memory_space<hbm>>
        %dma_start3A_232 = tpu.memref_squeeze %dma_start3A_231 : memref<1x32x512xf32, #tpu.memory_space<hbm>> -> memref<32x512xf32, #tpu.memory_space<hbm>>
        tpu.enqueue_dma source(%dma_start3A_232 : memref<32x512xf32, #tpu.memory_space<hbm>>) target(%arg4 : memref<32x512xf32, #tpu.memory_space<vmem>>) target_semaphore(%arg9 : memref<!tpu.dma_semaphore, #tpu.memory_space<semaphore_mem>>)
      } else {
      }
      %add3A_129 = arith.constant 1 : i32
      %add3A_130 = arith.addi %mul3A_102, %add3A_129 : i32
      %mul3A_131 = arith.constant 32 : i32
      %mul3A_132 = arith.muli %add3A_130, %mul3A_131 : i32
      %add3A_133 = arith.addi %mul3A_34, %mul3A_132 : i32
      %dma_start3A_134 = arith.constant 0 : i32
      %dma_start3A_135 = tpu.memref_slice %arg2[%add3A_32, %add3A_133, %dma_start3A_134] : memref<64x1024x512xf32, #tpu.memory_space<hbm>> -> memref<1x32x512xf32, #tpu.memory_space<hbm>>
      %dma_start3A_136 = tpu.memref_squeeze %dma_start3A_135 : memref<1x32x512xf32, #tpu.memory_space<hbm>> -> memref<32x512xf32, #tpu.memory_space<hbm>>
      %dma_start3A_137 = arith.constant 0 : i32
      %dma_start3A_138 = tpu.memref_slice %arg2[%add3A_32, %add3A_133, %dma_start3A_137] : memref<64x1024x512xf32, #tpu.memory_space<hbm>> -> memref<1x32x512xf32, #tpu.memory_space<hbm>>
      %dma_start3A_139 = tpu.memref_squeeze %dma_start3A_138 : memref<1x32x512xf32, #tpu.memory_space<hbm>> -> memref<32x512xf32, #tpu.memory_space<hbm>>
      tpu.enqueue_dma source(%dma_start3A_139 : memref<32x512xf32, #tpu.memory_space<hbm>>) target(%arg5 : memref<32x512xf32, #tpu.memory_space<vmem>>) target_semaphore(%arg10 : memref<!tpu.dma_semaphore, #tpu.memory_space<semaphore_mem>>)
      %dma_wait3A_140 = arith.constant 0 : i32
      %dma_wait3A_141 = tpu.memref_slice %arg2[%add3A_32, %add3A_133, %dma_wait3A_140] : memref<64x1024x512xf32, #tpu.memory_space<hbm>> -> memref<1x32x512xf32, #tpu.memory_space<hbm>>
      %dma_wait3A_142 = tpu.memref_squeeze %dma_wait3A_141 : memref<1x32x512xf32, #tpu.memory_space<hbm>> -> memref<32x512xf32, #tpu.memory_space<hbm>>
      %dma_wait3A_143 = arith.constant 0 : i32
      %dma_wait3A_144 = tpu.memref_slice %arg2[%add3A_32, %add3A_133, %dma_wait3A_143] : memref<64x1024x512xf32, #tpu.memory_space<hbm>> -> memref<1x32x512xf32, #tpu.memory_space<hbm>>
      %dma_wait3A_145 = tpu.memref_squeeze %dma_wait3A_144 : memref<1x32x512xf32, #tpu.memory_space<hbm>> -> memref<32x512xf32, #tpu.memory_space<hbm>>
      tpu.wait_dma2 semaphore(%arg10 : memref<!tpu.dma_semaphore, #tpu.memory_space<semaphore_mem>>) src(%dma_wait3A_145 : memref<32x512xf32, #tpu.memory_space<hbm>>) dst(%arg5 : memref<32x512xf32, #tpu.memory_space<vmem>>)
      %scan3A_146 = arith.constant 0 : i32
      %scan3A_147 = arith.constant 32 : i32
      %scan3A_148 = arith.addi %scan3A_146, %scan3A_147 : i32
      %scan3A_149 = arith.constant 1 : i32
      scf.for %scan3A_216 = %scan3A_146 to %scan3A_148 step %scan3A_149  : i32 {
        %mul3A_217 = arith.constant 1 : i32
        %mul3A_218 = arith.muli %scan3A_216, %mul3A_217 : i32
        %add3A_219 = arith.constant 0 : i32
        %add3A_220 = arith.addi %add3A_219, %mul3A_218 : i32
        %get3A = arith.constant 0 : index
        %get3A_221 = tpu.vector_load %arg8[%get3A] {strides = array<i32>} : memref<512xf32, #tpu.memory_space<vmem>>, vector<16xf32>,
        %get3A_222 = vector.shape_cast %get3A_221 : vector<16xf32> to vector<16xf32>
        %get3A_223 = arith.index_cast %add3A_220 : i32 to index
        %get3A_224 = arith.constant 0 : index
        %get3A_225 = tpu.vector_load %arg5[%get3A_223, %get3A_224] {strides = array<i32>} : memref<32x512xf32, #tpu.memory_space<vmem>>, vector<1x16xf32>,
        %get3A_226 = vector.shape_cast %get3A_225 : vector<1x16xf32> to vector<16xf32>
        %add3A_227 = arith.addf %get3A_222, %get3A_226 : vector<16xf32>
        %swap3A = arith.constant 0 : index
        %swap3A_228 = tpu.vector_load %arg8[%swap3A] {strides = array<i32>} : memref<512xf32, #tpu.memory_space<vmem>>, vector<16xf32>,
        %swap3A_229 = vector.shape_cast %swap3A_228 : vector<16xf32> to vector<16xf32>
        %swap3A_230 = vector.shape_cast %add3A_227 : vector<16xf32> to vector<16xf32>
        tpu.vector_store %arg8[%swap3A], %swap3A_230 {strides = array<i32>} : memref<512xf32, #tpu.memory_space<vmem>>, vector<16xf32>,
        %get3A_231 = arith.constant 16 : index
        %get3A_232 = tpu.vector_load %arg8[%get3A_231] {strides = array<i32>} : memref<512xf32, #tpu.memory_space<vmem>>, vector<16xf32>,
        %get3A_233 = vector.shape_cast %get3A_232 : vector<16xf32> to vector<16xf32>
        %get3A_234 = arith.index_cast %add3A_220 : i32 to index
        %get3A_235 = arith.constant 16 : index
        %get3A_236 = tpu.vector_load %arg5[%get3A_234, %get3A_235] {strides = array<i32>} : memref<32x512xf32, #tpu.memory_space<vmem>>, vector<1x16xf32>,
        %get3A_237 = vector.shape_cast %get3A_236 : vector<1x16xf32> to vector<16xf32>
        %add3A_238 = arith.addf %get3A_233, %get3A_237 : vector<16xf32>
        %swap3A_239 = arith.constant 16 : index
        %swap3A_240 = tpu.vector_load %arg8[%swap3A_239] {strides = array<i32>} : memref<512xf32, #tpu.memory_space<vmem>>, vector<16xf32>,
        %swap3A_241 = vector.shape_cast %swap3A_240 : vector<16xf32> to vector<16xf32>
        %swap3A_242 = vector.shape_cast %add3A_238 : vector<16xf32> to vector<16xf32>
        tpu.vector_store %arg8[%swap3A_239], %swap3A_242 {strides = array<i32>} : memref<512xf32, #tpu.memory_space<vmem>>, vector<16xf32>,
        %get3A_243 = arith.constant 32 : index
        %get3A_244 = tpu.vector_load %arg8[%get3A_243] {strides = array<i32>} : memref<512xf32, #tpu.memory_space<vmem>>, vector<16xf32>,
        %get3A_245 = vector.shape_cast %get3A_244 : vector<16xf32> to vector<16xf32>
        %get3A_246 = arith.index_cast %add3A_220 : i32 to index
        %get3A_247 = arith.constant 32 : index
        %get3A_248 = tpu.vector_load %arg5[%get3A_246, %get3A_247] {strides = array<i32>} : memref<32x512xf32, #tpu.memory_space<vmem>>, vector<1x16xf32>,
        %get3A_249 = vector.shape_cast %get3A_248 : vector<1x16xf32> to vector<16xf32>
        %add3A_250 = arith.addf %get3A_245, %get3A_249 : vector<16xf32>
        %swap3A_251 = arith.constant 32 : index
        %swap3A_252 = tpu.vector_load %arg8[%swap3A_251] {strides = array<i32>} : memref<512xf32, #tpu.memory_space<vmem>>, vector<16xf32>,
        %swap3A_253 = vector.shape_cast %swap3A_252 : vector<16xf32> to vector<16xf32>
        %swap3A_254 = vector.shape_cast %add3A_250 : vector<16xf32> to vector<16xf32>
        tpu.vector_store %arg8[%swap3A_251], %swap3A_254 {strides = array<i32>} : memref<512xf32, #tpu.memory_space<vmem>>, vector<16xf32>,
        %get3A_255 = arith.constant 48 : index
        %get3A_256 = tpu.vector_load %arg8[%get3A_255] {strides = array<i32>} : memref<512xf32, #tpu.memory_space<vmem>>, vector<16xf32>,
        %get3A_257 = vector.shape_cast %get3A_256 : vector<16xf32> to vector<16xf32>
        %get3A_258 = arith.index_cast %add3A_220 : i32 to index
        %get3A_259 = arith.constant 48 : index
        %get3A_260 = tpu.vector_load %arg5[%get3A_258, %get3A_259] {strides = array<i32>} : memref<32x512xf32, #tpu.memory_space<vmem>>, vector<1x16xf32>,
        %get3A_261 = vector.shape_cast %get3A_260 : vector<1x16xf32> to vector<16xf32>
        %add3A_262 = arith.addf %get3A_257, %get3A_261 : vector<16xf32>
        %swap3A_263 = arith.constant 48 : index
        %swap3A_264 = tpu.vector_load %arg8[%swap3A_263] {strides = array<i32>} : memref<512xf32, #tpu.memory_space<vmem>>, vector<16xf32>,
        %swap3A_265 = vector.shape_cast %swap3A_264 : vector<16xf32> to vector<16xf32>
        %swap3A_266 = vector.shape_cast %add3A_262 : vector<16xf32> to vector<16xf32>
        tpu.vector_store %arg8[%swap3A_263], %swap3A_266 {strides = array<i32>} : memref<512xf32, #tpu.memory_space<vmem>>, vector<16xf32>,
        %get3A_267 = arith.constant 64 : index
        %get3A_268 = tpu.vector_load %arg8[%get3A_267] {strides = array<i32>} : memref<512xf32, #tpu.memory_space<vmem>>, vector<16xf32>,
        %get3A_269 = vector.shape_cast %get3A_268 : vector<16xf32> to vector<16xf32>
        %get3A_270 = arith.index_cast %add3A_220 : i32 to index
        %get3A_271 = arith.constant 64 : index
        %get3A_272 = tpu.vector_load %arg5[%get3A_270, %get3A_271] {strides = array<i32>} : memref<32x512xf32, #tpu.memory_space<vmem>>, vector<1x16xf32>,
        %get3A_273 = vector.shape_cast %get3A_272 : vector<1x16xf32> to vector<16xf32>
        %add3A_274 = arith.addf %get3A_269, %get3A_273 : vector<16xf32>
        %swap3A_275 = arith.constant 64 : index
        %swap3A_276 = tpu.vector_load %arg8[%swap3A_275] {strides = array<i32>} : memref<512xf32, #tpu.memory_space<vmem>>, vector<16xf32>,
        %swap3A_277 = vector.shape_cast %swap3A_276 : vector<16xf32> to vector<16xf32>
        %swap3A_278 = vector.shape_cast %add3A_274 : vector<16xf32> to vector<16xf32>
        tpu.vector_store %arg8[%swap3A_275], %swap3A_278 {strides = array<i32>} : memref<512xf32, #tpu.memory_space<vmem>>, vector<16xf32>,
        %get3A_279 = arith.constant 80 : index
        %get3A_280 = tpu.vector_load %arg8[%get3A_279] {strides = array<i32>} : memref<512xf32, #tpu.memory_space<vmem>>, vector<16xf32>,
        %get3A_281 = vector.shape_cast %get3A_280 : vector<16xf32> to vector<16xf32>
        %get3A_282 = arith.index_cast %add3A_220 : i32 to index
        %get3A_283 = arith.constant 80 : index
        %get3A_284 = tpu.vector_load %arg5[%get3A_282, %get3A_283] {strides = array<i32>} : memref<32x512xf32, #tpu.memory_space<vmem>>, vector<1x16xf32>,
        %get3A_285 = vector.shape_cast %get3A_284 : vector<1x16xf32> to vector<16xf32>
        %add3A_286 = arith.addf %get3A_281, %get3A_285 : vector<16xf32>
        %swap3A_287 = arith.constant 80 : index
        %swap3A_288 = tpu.vector_load %arg8[%swap3A_287] {strides = array<i32>} : memref<512xf32, #tpu.memory_space<vmem>>, vector<16xf32>,
        %swap3A_289 = vector.shape_cast %swap3A_288 : vector<16xf32> to vector<16xf32>
        %swap3A_290 = vector.shape_cast %add3A_286 : vector<16xf32> to vector<16xf32>
        tpu.vector_store %arg8[%swap3A_287], %swap3A_290 {strides = array<i32>} : memref<512xf32, #tpu.memory_space<vmem>>, vector<16xf32>,
        %get3A_291 = arith.constant 96 : index
        %get3A_292 = tpu.vector_load %arg8[%get3A_291] {strides = array<i32>} : memref<512xf32, #tpu.memory_space<vmem>>, vector<16xf32>,
        %get3A_293 = vector.shape_cast %get3A_292 : vector<16xf32> to vector<16xf32>
        %get3A_294 = arith.index_cast %add3A_220 : i32 to index
        %get3A_295 = arith.constant 96 : index
        %get3A_296 = tpu.vector_load %arg5[%get3A_294, %get3A_295] {strides = array<i32>} : memref<32x512xf32, #tpu.memory_space<vmem>>, vector<1x16xf32>,
        %get3A_297 = vector.shape_cast %get3A_296 : vector<1x16xf32> to vector<16xf32>
        %add3A_298 = arith.addf %get3A_293, %get3A_297 : vector<16xf32>
        %swap3A_299 = arith.constant 96 : index
        %swap3A_300 = tpu.vector_load %arg8[%swap3A_299] {strides = array<i32>} : memref<512xf32, #tpu.memory_space<vmem>>, vector<16xf32>,
        %swap3A_301 = vector.shape_cast %swap3A_300 : vector<16xf32> to vector<16xf32>
        %swap3A_302 = vector.shape_cast %add3A_298 : vector<16xf32> to vector<16xf32>
        tpu.vector_store %arg8[%swap3A_299], %swap3A_302 {strides = array<i32>} : memref<512xf32, #tpu.memory_space<vmem>>, vector<16xf32>,
        %get3A_303 = arith.constant 112 : index
        %get3A_304 = tpu.vector_load %arg8[%get3A_303] {strides = array<i32>} : memref<512xf32, #tpu.memory_space<vmem>>, vector<16xf32>,
        %get3A_305 = vector.shape_cast %get3A_304 : vector<16xf32> to vector<16xf32>
        %get3A_306 = arith.index_cast %add3A_220 : i32 to index
        %get3A_307 = arith.constant 112 : index
        %get3A_308 = tpu.vector_load %arg5[%get3A_306, %get3A_307] {strides = array<i32>} : memref<32x512xf32, #tpu.memory_space<vmem>>, vector<1x16xf32>,
        %get3A_309 = vector.shape_cast %get3A_308 : vector<1x16xf32> to vector<16xf32>
        %add3A_310 = arith.addf %get3A_305, %get3A_309 : vector<16xf32>
        %swap3A_311 = arith.constant 112 : index
        %swap3A_312 = tpu.vector_load %arg8[%swap3A_311] {strides = array<i32>} : memref<512xf32, #tpu.memory_space<vmem>>, vector<16xf32>,
        %swap3A_313 = vector.shape_cast %swap3A_312 : vector<16xf32> to vector<16xf32>
        %swap3A_314 = vector.shape_cast %add3A_310 : vector<16xf32> to vector<16xf32>
        tpu.vector_store %arg8[%swap3A_311], %swap3A_314 {strides = array<i32>} : memref<512xf32, #tpu.memory_space<vmem>>, vector<16xf32>,
        %get3A_315 = arith.constant 128 : index
        %get3A_316 = tpu.vector_load %arg8[%get3A_315] {strides = array<i32>} : memref<512xf32, #tpu.memory_space<vmem>>, vector<16xf32>,
        %get3A_317 = vector.shape_cast %get3A_316 : vector<16xf32> to vector<16xf32>
        %get3A_318 = arith.index_cast %add3A_220 : i32 to index
        %get3A_319 = arith.constant 128 : index
        %get3A_320 = tpu.vector_load %arg5[%get3A_318, %get3A_319] {strides = array<i32>} : memref<32x512xf32, #tpu.memory_space<vmem>>, vector<1x16xf32>,
        %get3A_321 = vector.shape_cast %get3A_320 : vector<1x16xf32> to vector<16xf32>
        %add3A_322 = arith.addf %get3A_317, %get3A_321 : vector<16xf32>
        %swap3A_323 = arith.constant 128 : index
        %swap3A_324 = tpu.vector_load %arg8[%swap3A_323] {strides = array<i32>} : memref<512xf32, #tpu.memory_space<vmem>>, vector<16xf32>,
        %swap3A_325 = vector.shape_cast %swap3A_324 : vector<16xf32> to vector<16xf32>
        %swap3A_326 = vector.shape_cast %add3A_322 : vector<16xf32> to vector<16xf32>
        tpu.vector_store %arg8[%swap3A_323], %swap3A_326 {strides = array<i32>} : memref<512xf32, #tpu.memory_space<vmem>>, vector<16xf32>,
        %get3A_327 = arith.constant 144 : index
        %get3A_328 = tpu.vector_load %arg8[%get3A_327] {strides = array<i32>} : memref<512xf32, #tpu.memory_space<vmem>>, vector<16xf32>,
        %get3A_329 = vector.shape_cast %get3A_328 : vector<16xf32> to vector<16xf32>
        %get3A_330 = arith.index_cast %add3A_220 : i32 to index
        %get3A_331 = arith.constant 144 : index
        %get3A_332 = tpu.vector_load %arg5[%get3A_330, %get3A_331] {strides = array<i32>} : memref<32x512xf32, #tpu.memory_space<vmem>>, vector<1x16xf32>,
        %get3A_333 = vector.shape_cast %get3A_332 : vector<1x16xf32> to vector<16xf32>
        %add3A_334 = arith.addf %get3A_329, %get3A_333 : vector<16xf32>
        %swap3A_335 = arith.constant 144 : index
        %swap3A_336 = tpu.vector_load %arg8[%swap3A_335] {strides = array<i32>} : memref<512xf32, #tpu.memory_space<vmem>>, vector<16xf32>,
        %swap3A_337 = vector.shape_cast %swap3A_336 : vector<16xf32> to vector<16xf32>
        %swap3A_338 = vector.shape_cast %add3A_334 : vector<16xf32> to vector<16xf32>
        tpu.vector_store %arg8[%swap3A_335], %swap3A_338 {strides = array<i32>} : memref<512xf32, #tpu.memory_space<vmem>>, vector<16xf32>,
        %get3A_339 = arith.constant 160 : index
        %get3A_340 = tpu.vector_load %arg8[%get3A_339] {strides = array<i32>} : memref<512xf32, #tpu.memory_space<vmem>>, vector<16xf32>,
        %get3A_341 = vector.shape_cast %get3A_340 : vector<16xf32> to vector<16xf32>
        %get3A_342 = arith.index_cast %add3A_220 : i32 to index
        %get3A_343 = arith.constant 160 : index
        %get3A_344 = tpu.vector_load %arg5[%get3A_342, %get3A_343] {strides = array<i32>} : memref<32x512xf32, #tpu.memory_space<vmem>>, vector<1x16xf32>,
        %get3A_345 = vector.shape_cast %get3A_344 : vector<1x16xf32> to vector<16xf32>
        %add3A_346 = arith.addf %get3A_341, %get3A_345 : vector<16xf32>
        %swap3A_347 = arith.constant 160 : index
        %swap3A_348 = tpu.vector_load %arg8[%swap3A_347] {strides = array<i32>} : memref<512xf32, #tpu.memory_space<vmem>>, vector<16xf32>,
        %swap3A_349 = vector.shape_cast %swap3A_348 : vector<16xf32> to vector<16xf32>
        %swap3A_350 = vector.shape_cast %add3A_346 : vector<16xf32> to vector<16xf32>
        tpu.vector_store %arg8[%swap3A_347], %swap3A_350 {strides = array<i32>} : memref<512xf32, #tpu.memory_space<vmem>>, vector<16xf32>,
        %get3A_351 = arith.constant 176 : index
        %get3A_352 = tpu.vector_load %arg8[%get3A_351] {strides = array<i32>} : memref<512xf32, #tpu.memory_space<vmem>>, vector<16xf32>,
        %get3A_353 = vector.shape_cast %get3A_352 : vector<16xf32> to vector<16xf32>
        %get3A_354 = arith.index_cast %add3A_220 : i32 to index
        %get3A_355 = arith.constant 176 : index
        %get3A_356 = tpu.vector_load %arg5[%get3A_354, %get3A_355] {strides = array<i32>} : memref<32x512xf32, #tpu.memory_space<vmem>>, vector<1x16xf32>,
        %get3A_357 = vector.shape_cast %get3A_356 : vector<1x16xf32> to vector<16xf32>
        %add3A_358 = arith.addf %get3A_353, %get3A_357 : vector<16xf32>
        %swap3A_359 = arith.constant 176 : index
        %swap3A_360 = tpu.vector_load %arg8[%swap3A_359] {strides = array<i32>} : memref<512xf32, #tpu.memory_space<vmem>>, vector<16xf32>,
        %swap3A_361 = vector.shape_cast %swap3A_360 : vector<16xf32> to vector<16xf32>
        %swap3A_362 = vector.shape_cast %add3A_358 : vector<16xf32> to vector<16xf32>
        tpu.vector_store %arg8[%swap3A_359], %swap3A_362 {strides = array<i32>} : memref<512xf32, #tpu.memory_space<vmem>>, vector<16xf32>,
        %get3A_363 = arith.constant 192 : index
        %get3A_364 = tpu.vector_load %arg8[%get3A_363] {strides = array<i32>} : memref<512xf32, #tpu.memory_space<vmem>>, vector<16xf32>,
        %get3A_365 = vector.shape_cast %get3A_364 : vector<16xf32> to vector<16xf32>
        %get3A_366 = arith.index_cast %add3A_220 : i32 to index
        %get3A_367 = arith.constant 192 : index
        %get3A_368 = tpu.vector_load %arg5[%get3A_366, %get3A_367] {strides = array<i32>} : memref<32x512xf32, #tpu.memory_space<vmem>>, vector<1x16xf32>,
        %get3A_369 = vector.shape_cast %get3A_368 : vector<1x16xf32> to vector<16xf32>
        %add3A_370 = arith.addf %get3A_365, %get3A_369 : vector<16xf32>
        %swap3A_371 = arith.constant 192 : index
        %swap3A_372 = tpu.vector_load %arg8[%swap3A_371] {strides = array<i32>} : memref<512xf32, #tpu.memory_space<vmem>>, vector<16xf32>,
        %swap3A_373 = vector.shape_cast %swap3A_372 : vector<16xf32> to vector<16xf32>
        %swap3A_374 = vector.shape_cast %add3A_370 : vector<16xf32> to vector<16xf32>
        tpu.vector_store %arg8[%swap3A_371], %swap3A_374 {strides = array<i32>} : memref<512xf32, #tpu.memory_space<vmem>>, vector<16xf32>,
        %get3A_375 = arith.constant 208 : index
        %get3A_376 = tpu.vector_load %arg8[%get3A_375] {strides = array<i32>} : memref<512xf32, #tpu.memory_space<vmem>>, vector<16xf32>,
        %get3A_377 = vector.shape_cast %get3A_376 : vector<16xf32> to vector<16xf32>
        %get3A_378 = arith.index_cast %add3A_220 : i32 to index
        %get3A_379 = arith.constant 208 : index
        %get3A_380 = tpu.vector_load %arg5[%get3A_378, %get3A_379] {strides = array<i32>} : memref<32x512xf32, #tpu.memory_space<vmem>>, vector<1x16xf32>,
        %get3A_381 = vector.shape_cast %get3A_380 : vector<1x16xf32> to vector<16xf32>
        %add3A_382 = arith.addf %get3A_377, %get3A_381 : vector<16xf32>
        %swap3A_383 = arith.constant 208 : index
        %swap3A_384 = tpu.vector_load %arg8[%swap3A_383] {strides = array<i32>} : memref<512xf32, #tpu.memory_space<vmem>>, vector<16xf32>,
        %swap3A_385 = vector.shape_cast %swap3A_384 : vector<16xf32> to vector<16xf32>
        %swap3A_386 = vector.shape_cast %add3A_382 : vector<16xf32> to vector<16xf32>
        tpu.vector_store %arg8[%swap3A_383], %swap3A_386 {strides = array<i32>} : memref<512xf32, #tpu.memory_space<vmem>>, vector<16xf32>,
        %get3A_387 = arith.constant 224 : index
        %get3A_388 = tpu.vector_load %arg8[%get3A_387] {strides = array<i32>} : memref<512xf32, #tpu.memory_space<vmem>>, vector<16xf32>,
        %get3A_389 = vector.shape_cast %get3A_388 : vector<16xf32> to vector<16xf32>
        %get3A_390 = arith.index_cast %add3A_220 : i32 to index
        %get3A_391 = arith.constant 224 : index
        %get3A_392 = tpu.vector_load %arg5[%get3A_390, %get3A_391] {strides = array<i32>} : memref<32x512xf32, #tpu.memory_space<vmem>>, vector<1x16xf32>,
        %get3A_393 = vector.shape_cast %get3A_392 : vector<1x16xf32> to vector<16xf32>
        %add3A_394 = arith.addf %get3A_389, %get3A_393 : vector<16xf32>
        %swap3A_395 = arith.constant 224 : index
        %swap3A_396 = tpu.vector_load %arg8[%swap3A_395] {strides = array<i32>} : memref<512xf32, #tpu.memory_space<vmem>>, vector<16xf32>,
        %swap3A_397 = vector.shape_cast %swap3A_396 : vector<16xf32> to vector<16xf32>
        %swap3A_398 = vector.shape_cast %add3A_394 : vector<16xf32> to vector<16xf32>
        tpu.vector_store %arg8[%swap3A_395], %swap3A_398 {strides = array<i32>} : memref<512xf32, #tpu.memory_space<vmem>>, vector<16xf32>,
        %get3A_399 = arith.constant 240 : index
        %get3A_400 = tpu.vector_load %arg8[%get3A_399] {strides = array<i32>} : memref<512xf32, #tpu.memory_space<vmem>>, vector<16xf32>,
        %get3A_401 = vector.shape_cast %get3A_400 : vector<16xf32> to vector<16xf32>
        %get3A_402 = arith.index_cast %add3A_220 : i32 to index
        %get3A_403 = arith.constant 240 : index
        %get3A_404 = tpu.vector_load %arg5[%get3A_402, %get3A_403] {strides = array<i32>} : memref<32x512xf32, #tpu.memory_space<vmem>>, vector<1x16xf32>,
        %get3A_405 = vector.shape_cast %get3A_404 : vector<1x16xf32> to vector<16xf32>
        %add3A_406 = arith.addf %get3A_401, %get3A_405 : vector<16xf32>
        %swap3A_407 = arith.constant 240 : index
        %swap3A_408 = tpu.vector_load %arg8[%swap3A_407] {strides = array<i32>} : memref<512xf32, #tpu.memory_space<vmem>>, vector<16xf32>,
        %swap3A_409 = vector.shape_cast %swap3A_408 : vector<16xf32> to vector<16xf32>
        %swap3A_410 = vector.shape_cast %add3A_406 : vector<16xf32> to vector<16xf32>
        tpu.vector_store %arg8[%swap3A_407], %swap3A_410 {strides = array<i32>} : memref<512xf32, #tpu.memory_space<vmem>>, vector<16xf32>,
        %get3A_411 = arith.constant 256 : index
        %get3A_412 = tpu.vector_load %arg8[%get3A_411] {strides = array<i32>} : memref<512xf32, #tpu.memory_space<vmem>>, vector<16xf32>,
        %get3A_413 = vector.shape_cast %get3A_412 : vector<16xf32> to vector<16xf32>
        %get3A_414 = arith.index_cast %add3A_220 : i32 to index
        %get3A_415 = arith.constant 256 : index
        %get3A_416 = tpu.vector_load %arg5[%get3A_414, %get3A_415] {strides = array<i32>} : memref<32x512xf32, #tpu.memory_space<vmem>>, vector<1x16xf32>,
        %get3A_417 = vector.shape_cast %get3A_416 : vector<1x16xf32> to vector<16xf32>
        %add3A_418 = arith.addf %get3A_413, %get3A_417 : vector<16xf32>
        %swap3A_419 = arith.constant 256 : index
        %swap3A_420 = tpu.vector_load %arg8[%swap3A_419] {strides = array<i32>} : memref<512xf32, #tpu.memory_space<vmem>>, vector<16xf32>,
        %swap3A_421 = vector.shape_cast %swap3A_420 : vector<16xf32> to vector<16xf32>
        %swap3A_422 = vector.shape_cast %add3A_418 : vector<16xf32> to vector<16xf32>
        tpu.vector_store %arg8[%swap3A_419], %swap3A_422 {strides = array<i32>} : memref<512xf32, #tpu.memory_space<vmem>>, vector<16xf32>,
        %get3A_423 = arith.constant 272 : index
        %get3A_424 = tpu.vector_load %arg8[%get3A_423] {strides = array<i32>} : memref<512xf32, #tpu.memory_space<vmem>>, vector<16xf32>,
        %get3A_425 = vector.shape_cast %get3A_424 : vector<16xf32> to vector<16xf32>
        %get3A_426 = arith.index_cast %add3A_220 : i32 to index
        %get3A_427 = arith.constant 272 : index
        %get3A_428 = tpu.vector_load %arg5[%get3A_426, %get3A_427] {strides = array<i32>} : memref<32x512xf32, #tpu.memory_space<vmem>>, vector<1x16xf32>,
        %get3A_429 = vector.shape_cast %get3A_428 : vector<1x16xf32> to vector<16xf32>
        %add3A_430 = arith.addf %get3A_425, %get3A_429 : vector<16xf32>
        %swap3A_431 = arith.constant 272 : index
        %swap3A_432 = tpu.vector_load %arg8[%swap3A_431] {strides = array<i32>} : memref<512xf32, #tpu.memory_space<vmem>>, vector<16xf32>,
        %swap3A_433 = vector.shape_cast %swap3A_432 : vector<16xf32> to vector<16xf32>
        %swap3A_434 = vector.shape_cast %add3A_430 : vector<16xf32> to vector<16xf32>
        tpu.vector_store %arg8[%swap3A_431], %swap3A_434 {strides = array<i32>} : memref<512xf32, #tpu.memory_space<vmem>>, vector<16xf32>,
        %get3A_435 = arith.constant 288 : index
        %get3A_436 = tpu.vector_load %arg8[%get3A_435] {strides = array<i32>} : memref<512xf32, #tpu.memory_space<vmem>>, vector<16xf32>,
        %get3A_437 = vector.shape_cast %get3A_436 : vector<16xf32> to vector<16xf32>
        %get3A_438 = arith.index_cast %add3A_220 : i32 to index
        %get3A_439 = arith.constant 288 : index
        %get3A_440 = tpu.vector_load %arg5[%get3A_438, %get3A_439] {strides = array<i32>} : memref<32x512xf32, #tpu.memory_space<vmem>>, vector<1x16xf32>,
        %get3A_441 = vector.shape_cast %get3A_440 : vector<1x16xf32> to vector<16xf32>
        %add3A_442 = arith.addf %get3A_437, %get3A_441 : vector<16xf32>
        %swap3A_443 = arith.constant 288 : index
        %swap3A_444 = tpu.vector_load %arg8[%swap3A_443] {strides = array<i32>} : memref<512xf32, #tpu.memory_space<vmem>>, vector<16xf32>,
        %swap3A_445 = vector.shape_cast %swap3A_444 : vector<16xf32> to vector<16xf32>
        %swap3A_446 = vector.shape_cast %add3A_442 : vector<16xf32> to vector<16xf32>
        tpu.vector_store %arg8[%swap3A_443], %swap3A_446 {strides = array<i32>} : memref<512xf32, #tpu.memory_space<vmem>>, vector<16xf32>,
        %get3A_447 = arith.constant 304 : index
        %get3A_448 = tpu.vector_load %arg8[%get3A_447] {strides = array<i32>} : memref<512xf32, #tpu.memory_space<vmem>>, vector<16xf32>,
        %get3A_449 = vector.shape_cast %get3A_448 : vector<16xf32> to vector<16xf32>
        %get3A_450 = arith.index_cast %add3A_220 : i32 to index
        %get3A_451 = arith.constant 304 : index
        %get3A_452 = tpu.vector_load %arg5[%get3A_450, %get3A_451] {strides = array<i32>} : memref<32x512xf32, #tpu.memory_space<vmem>>, vector<1x16xf32>,
        %get3A_453 = vector.shape_cast %get3A_452 : vector<1x16xf32> to vector<16xf32>
        %add3A_454 = arith.addf %get3A_449, %get3A_453 : vector<16xf32>
        %swap3A_455 = arith.constant 304 : index
        %swap3A_456 = tpu.vector_load %arg8[%swap3A_455] {strides = array<i32>} : memref<512xf32, #tpu.memory_space<vmem>>, vector<16xf32>,
        %swap3A_457 = vector.shape_cast %swap3A_456 : vector<16xf32> to vector<16xf32>
        %swap3A_458 = vector.shape_cast %add3A_454 : vector<16xf32> to vector<16xf32>
        tpu.vector_store %arg8[%swap3A_455], %swap3A_458 {strides = array<i32>} : memref<512xf32, #tpu.memory_space<vmem>>, vector<16xf32>,
        %get3A_459 = arith.constant 320 : index
        %get3A_460 = tpu.vector_load %arg8[%get3A_459] {strides = array<i32>} : memref<512xf32, #tpu.memory_space<vmem>>, vector<16xf32>,
        %get3A_461 = vector.shape_cast %get3A_460 : vector<16xf32> to vector<16xf32>
        %get3A_462 = arith.index_cast %add3A_220 : i32 to index
        %get3A_463 = arith.constant 320 : index
        %get3A_464 = tpu.vector_load %arg5[%get3A_462, %get3A_463] {strides = array<i32>} : memref<32x512xf32, #tpu.memory_space<vmem>>, vector<1x16xf32>,
        %get3A_465 = vector.shape_cast %get3A_464 : vector<1x16xf32> to vector<16xf32>
        %add3A_466 = arith.addf %get3A_461, %get3A_465 : vector<16xf32>
        %swap3A_467 = arith.constant 320 : index
        %swap3A_468 = tpu.vector_load %arg8[%swap3A_467] {strides = array<i32>} : memref<512xf32, #tpu.memory_space<vmem>>, vector<16xf32>,
        %swap3A_469 = vector.shape_cast %swap3A_468 : vector<16xf32> to vector<16xf32>
        %swap3A_470 = vector.shape_cast %add3A_466 : vector<16xf32> to vector<16xf32>
        tpu.vector_store %arg8[%swap3A_467], %swap3A_470 {strides = array<i32>} : memref<512xf32, #tpu.memory_space<vmem>>, vector<16xf32>,
        %get3A_471 = arith.constant 336 : index
        %get3A_472 = tpu.vector_load %arg8[%get3A_471] {strides = array<i32>} : memref<512xf32, #tpu.memory_space<vmem>>, vector<16xf32>,
        %get3A_473 = vector.shape_cast %get3A_472 : vector<16xf32> to vector<16xf32>
        %get3A_474 = arith.index_cast %add3A_220 : i32 to index
        %get3A_475 = arith.constant 336 : index
        %get3A_476 = tpu.vector_load %arg5[%get3A_474, %get3A_475] {strides = array<i32>} : memref<32x512xf32, #tpu.memory_space<vmem>>, vector<1x16xf32>,
        %get3A_477 = vector.shape_cast %get3A_476 : vector<1x16xf32> to vector<16xf32>
        %add3A_478 = arith.addf %get3A_473, %get3A_477 : vector<16xf32>
        %swap3A_479 = arith.constant 336 : index
        %swap3A_480 = tpu.vector_load %arg8[%swap3A_479] {strides = array<i32>} : memref<512xf32, #tpu.memory_space<vmem>>, vector<16xf32>,
        %swap3A_481 = vector.shape_cast %swap3A_480 : vector<16xf32> to vector<16xf32>
        %swap3A_482 = vector.shape_cast %add3A_478 : vector<16xf32> to vector<16xf32>
        tpu.vector_store %arg8[%swap3A_479], %swap3A_482 {strides = array<i32>} : memref<512xf32, #tpu.memory_space<vmem>>, vector<16xf32>,
        %get3A_483 = arith.constant 352 : index
        %get3A_484 = tpu.vector_load %arg8[%get3A_483] {strides = array<i32>} : memref<512xf32, #tpu.memory_space<vmem>>, vector<16xf32>,
        %get3A_485 = vector.shape_cast %get3A_484 : vector<16xf32> to vector<16xf32>
        %get3A_486 = arith.index_cast %add3A_220 : i32 to index
        %get3A_487 = arith.constant 352 : index
        %get3A_488 = tpu.vector_load %arg5[%get3A_486, %get3A_487] {strides = array<i32>} : memref<32x512xf32, #tpu.memory_space<vmem>>, vector<1x16xf32>,
        %get3A_489 = vector.shape_cast %get3A_488 : vector<1x16xf32> to vector<16xf32>
        %add3A_490 = arith.addf %get3A_485, %get3A_489 : vector<16xf32>
        %swap3A_491 = arith.constant 352 : index
        %swap3A_492 = tpu.vector_load %arg8[%swap3A_491] {strides = array<i32>} : memref<512xf32, #tpu.memory_space<vmem>>, vector<16xf32>,
        %swap3A_493 = vector.shape_cast %swap3A_492 : vector<16xf32> to vector<16xf32>
        %swap3A_494 = vector.shape_cast %add3A_490 : vector<16xf32> to vector<16xf32>
        tpu.vector_store %arg8[%swap3A_491], %swap3A_494 {strides = array<i32>} : memref<512xf32, #tpu.memory_space<vmem>>, vector<16xf32>,
        %get3A_495 = arith.constant 368 : index
        %get3A_496 = tpu.vector_load %arg8[%get3A_495] {strides = array<i32>} : memref<512xf32, #tpu.memory_space<vmem>>, vector<16xf32>,
        %get3A_497 = vector.shape_cast %get3A_496 : vector<16xf32> to vector<16xf32>
        %get3A_498 = arith.index_cast %add3A_220 : i32 to index
        %get3A_499 = arith.constant 368 : index
        %get3A_500 = tpu.vector_load %arg5[%get3A_498, %get3A_499] {strides = array<i32>} : memref<32x512xf32, #tpu.memory_space<vmem>>, vector<1x16xf32>,
        %get3A_501 = vector.shape_cast %get3A_500 : vector<1x16xf32> to vector<16xf32>
        %add3A_502 = arith.addf %get3A_497, %get3A_501 : vector<16xf32>
        %swap3A_503 = arith.constant 368 : index
        %swap3A_504 = tpu.vector_load %arg8[%swap3A_503] {strides = array<i32>} : memref<512xf32, #tpu.memory_space<vmem>>, vector<16xf32>,
        %swap3A_505 = vector.shape_cast %swap3A_504 : vector<16xf32> to vector<16xf32>
        %swap3A_506 = vector.shape_cast %add3A_502 : vector<16xf32> to vector<16xf32>
        tpu.vector_store %arg8[%swap3A_503], %swap3A_506 {strides = array<i32>} : memref<512xf32, #tpu.memory_space<vmem>>, vector<16xf32>,
        %get3A_507 = arith.constant 384 : index
        %get3A_508 = tpu.vector_load %arg8[%get3A_507] {strides = array<i32>} : memref<512xf32, #tpu.memory_space<vmem>>, vector<16xf32>,
        %get3A_509 = vector.shape_cast %get3A_508 : vector<16xf32> to vector<16xf32>
        %get3A_510 = arith.index_cast %add3A_220 : i32 to index
        %get3A_511 = arith.constant 384 : index
        %get3A_512 = tpu.vector_load %arg5[%get3A_510, %get3A_511] {strides = array<i32>} : memref<32x512xf32, #tpu.memory_space<vmem>>, vector<1x16xf32>,
        %get3A_513 = vector.shape_cast %get3A_512 : vector<1x16xf32> to vector<16xf32>
        %add3A_514 = arith.addf %get3A_509, %get3A_513 : vector<16xf32>
        %swap3A_515 = arith.constant 384 : index
        %swap3A_516 = tpu.vector_load %arg8[%swap3A_515] {strides = array<i32>} : memref<512xf32, #tpu.memory_space<vmem>>, vector<16xf32>,
        %swap3A_517 = vector.shape_cast %swap3A_516 : vector<16xf32> to vector<16xf32>
        %swap3A_518 = vector.shape_cast %add3A_514 : vector<16xf32> to vector<16xf32>
        tpu.vector_store %arg8[%swap3A_515], %swap3A_518 {strides = array<i32>} : memref<512xf32, #tpu.memory_space<vmem>>, vector<16xf32>,
        %get3A_519 = arith.constant 400 : index
        %get3A_520 = tpu.vector_load %arg8[%get3A_519] {strides = array<i32>} : memref<512xf32, #tpu.memory_space<vmem>>, vector<16xf32>,
        %get3A_521 = vector.shape_cast %get3A_520 : vector<16xf32> to vector<16xf32>
        %get3A_522 = arith.index_cast %add3A_220 : i32 to index
        %get3A_523 = arith.constant 400 : index
        %get3A_524 = tpu.vector_load %arg5[%get3A_522, %get3A_523] {strides = array<i32>} : memref<32x512xf32, #tpu.memory_space<vmem>>, vector<1x16xf32>,
        %get3A_525 = vector.shape_cast %get3A_524 : vector<1x16xf32> to vector<16xf32>
        %add3A_526 = arith.addf %get3A_521, %get3A_525 : vector<16xf32>
        %swap3A_527 = arith.constant 400 : index
        %swap3A_528 = tpu.vector_load %arg8[%swap3A_527] {strides = array<i32>} : memref<512xf32, #tpu.memory_space<vmem>>, vector<16xf32>,
        %swap3A_529 = vector.shape_cast %swap3A_528 : vector<16xf32> to vector<16xf32>
        %swap3A_530 = vector.shape_cast %add3A_526 : vector<16xf32> to vector<16xf32>
        tpu.vector_store %arg8[%swap3A_527], %swap3A_530 {strides = array<i32>} : memref<512xf32, #tpu.memory_space<vmem>>, vector<16xf32>,
        %get3A_531 = arith.constant 416 : index
        %get3A_532 = tpu.vector_load %arg8[%get3A_531] {strides = array<i32>} : memref<512xf32, #tpu.memory_space<vmem>>, vector<16xf32>,
        %get3A_533 = vector.shape_cast %get3A_532 : vector<16xf32> to vector<16xf32>
        %get3A_534 = arith.index_cast %add3A_220 : i32 to index
        %get3A_535 = arith.constant 416 : index
        %get3A_536 = tpu.vector_load %arg5[%get3A_534, %get3A_535] {strides = array<i32>} : memref<32x512xf32, #tpu.memory_space<vmem>>, vector<1x16xf32>,
        %get3A_537 = vector.shape_cast %get3A_536 : vector<1x16xf32> to vector<16xf32>
        %add3A_538 = arith.addf %get3A_533, %get3A_537 : vector<16xf32>
        %swap3A_539 = arith.constant 416 : index
        %swap3A_540 = tpu.vector_load %arg8[%swap3A_539] {strides = array<i32>} : memref<512xf32, #tpu.memory_space<vmem>>, vector<16xf32>,
        %swap3A_541 = vector.shape_cast %swap3A_540 : vector<16xf32> to vector<16xf32>
        %swap3A_542 = vector.shape_cast %add3A_538 : vector<16xf32> to vector<16xf32>
        tpu.vector_store %arg8[%swap3A_539], %swap3A_542 {strides = array<i32>} : memref<512xf32, #tpu.memory_space<vmem>>, vector<16xf32>,
        %get3A_543 = arith.constant 432 : index
        %get3A_544 = tpu.vector_load %arg8[%get3A_543] {strides = array<i32>} : memref<512xf32, #tpu.memory_space<vmem>>, vector<16xf32>,
        %get3A_545 = vector.shape_cast %get3A_544 : vector<16xf32> to vector<16xf32>
        %get3A_546 = arith.index_cast %add3A_220 : i32 to index
        %get3A_547 = arith.constant 432 : index
        %get3A_548 = tpu.vector_load %arg5[%get3A_546, %get3A_547] {strides = array<i32>} : memref<32x512xf32, #tpu.memory_space<vmem>>, vector<1x16xf32>,
        %get3A_549 = vector.shape_cast %get3A_548 : vector<1x16xf32> to vector<16xf32>
        %add3A_550 = arith.addf %get3A_545, %get3A_549 : vector<16xf32>
        %swap3A_551 = arith.constant 432 : index
        %swap3A_552 = tpu.vector_load %arg8[%swap3A_551] {strides = array<i32>} : memref<512xf32, #tpu.memory_space<vmem>>, vector<16xf32>,
        %swap3A_553 = vector.shape_cast %swap3A_552 : vector<16xf32> to vector<16xf32>
        %swap3A_554 = vector.shape_cast %add3A_550 : vector<16xf32> to vector<16xf32>
        tpu.vector_store %arg8[%swap3A_551], %swap3A_554 {strides = array<i32>} : memref<512xf32, #tpu.memory_space<vmem>>, vector<16xf32>,
        %get3A_555 = arith.constant 448 : index
        %get3A_556 = tpu.vector_load %arg8[%get3A_555] {strides = array<i32>} : memref<512xf32, #tpu.memory_space<vmem>>, vector<16xf32>,
        %get3A_557 = vector.shape_cast %get3A_556 : vector<16xf32> to vector<16xf32>
        %get3A_558 = arith.index_cast %add3A_220 : i32 to index
        %get3A_559 = arith.constant 448 : index
        %get3A_560 = tpu.vector_load %arg5[%get3A_558, %get3A_559] {strides = array<i32>} : memref<32x512xf32, #tpu.memory_space<vmem>>, vector<1x16xf32>,
        %get3A_561 = vector.shape_cast %get3A_560 : vector<1x16xf32> to vector<16xf32>
        %add3A_562 = arith.addf %get3A_557, %get3A_561 : vector<16xf32>
        %swap3A_563 = arith.constant 448 : index
        %swap3A_564 = tpu.vector_load %arg8[%swap3A_563] {strides = array<i32>} : memref<512xf32, #tpu.memory_space<vmem>>, vector<16xf32>,
        %swap3A_565 = vector.shape_cast %swap3A_564 : vector<16xf32> to vector<16xf32>
        %swap3A_566 = vector.shape_cast %add3A_562 : vector<16xf32> to vector<16xf32>
        tpu.vector_store %arg8[%swap3A_563], %swap3A_566 {strides = array<i32>} : memref<512xf32, #tpu.memory_space<vmem>>, vector<16xf32>,
        %get3A_567 = arith.constant 464 : index
        %get3A_568 = tpu.vector_load %arg8[%get3A_567] {strides = array<i32>} : memref<512xf32, #tpu.memory_space<vmem>>, vector<16xf32>,
        %get3A_569 = vector.shape_cast %get3A_568 : vector<16xf32> to vector<16xf32>
        %get3A_570 = arith.index_cast %add3A_220 : i32 to index
        %get3A_571 = arith.constant 464 : index
        %get3A_572 = tpu.vector_load %arg5[%get3A_570, %get3A_571] {strides = array<i32>} : memref<32x512xf32, #tpu.memory_space<vmem>>, vector<1x16xf32>,
        %get3A_573 = vector.shape_cast %get3A_572 : vector<1x16xf32> to vector<16xf32>
        %add3A_574 = arith.addf %get3A_569, %get3A_573 : vector<16xf32>
        %swap3A_575 = arith.constant 464 : index
        %swap3A_576 = tpu.vector_load %arg8[%swap3A_575] {strides = array<i32>} : memref<512xf32, #tpu.memory_space<vmem>>, vector<16xf32>,
        %swap3A_577 = vector.shape_cast %swap3A_576 : vector<16xf32> to vector<16xf32>
        %swap3A_578 = vector.shape_cast %add3A_574 : vector<16xf32> to vector<16xf32>
        tpu.vector_store %arg8[%swap3A_575], %swap3A_578 {strides = array<i32>} : memref<512xf32, #tpu.memory_space<vmem>>, vector<16xf32>,
        %get3A_579 = arith.constant 480 : index
        %get3A_580 = tpu.vector_load %arg8[%get3A_579] {strides = array<i32>} : memref<512xf32, #tpu.memory_space<vmem>>, vector<16xf32>,
        %get3A_581 = vector.shape_cast %get3A_580 : vector<16xf32> to vector<16xf32>
        %get3A_582 = arith.index_cast %add3A_220 : i32 to index
        %get3A_583 = arith.constant 480 : index
        %get3A_584 = tpu.vector_load %arg5[%get3A_582, %get3A_583] {strides = array<i32>} : memref<32x512xf32, #tpu.memory_space<vmem>>, vector<1x16xf32>,
        %get3A_585 = vector.shape_cast %get3A_584 : vector<1x16xf32> to vector<16xf32>
        %add3A_586 = arith.addf %get3A_581, %get3A_585 : vector<16xf32>
        %swap3A_587 = arith.constant 480 : index
        %swap3A_588 = tpu.vector_load %arg8[%swap3A_587] {strides = array<i32>} : memref<512xf32, #tpu.memory_space<vmem>>, vector<16xf32>,
        %swap3A_589 = vector.shape_cast %swap3A_588 : vector<16xf32> to vector<16xf32>
        %swap3A_590 = vector.shape_cast %add3A_586 : vector<16xf32> to vector<16xf32>
        tpu.vector_store %arg8[%swap3A_587], %swap3A_590 {strides = array<i32>} : memref<512xf32, #tpu.memory_space<vmem>>, vector<16xf32>,
        %get3A_591 = arith.constant 496 : index
        %get3A_592 = tpu.vector_load %arg8[%get3A_591] {strides = array<i32>} : memref<512xf32, #tpu.memory_space<vmem>>, vector<16xf32>,
        %get3A_593 = vector.shape_cast %get3A_592 : vector<16xf32> to vector<16xf32>
        %get3A_594 = arith.index_cast %add3A_220 : i32 to index
        %get3A_595 = arith.constant 496 : index
        %get3A_596 = tpu.vector_load %arg5[%get3A_594, %get3A_595] {strides = array<i32>} : memref<32x512xf32, #tpu.memory_space<vmem>>, vector<1x16xf32>,
        %get3A_597 = vector.shape_cast %get3A_596 : vector<1x16xf32> to vector<16xf32>
        %add3A_598 = arith.addf %get3A_593, %get3A_597 : vector<16xf32>
        %swap3A_599 = arith.constant 496 : index
        %swap3A_600 = tpu.vector_load %arg8[%swap3A_599] {strides = array<i32>} : memref<512xf32, #tpu.memory_space<vmem>>, vector<16xf32>,
        %swap3A_601 = vector.shape_cast %swap3A_600 : vector<16xf32> to vector<16xf32>
        %swap3A_602 = vector.shape_cast %add3A_598 : vector<16xf32> to vector<16xf32>
        tpu.vector_store %arg8[%swap3A_599], %swap3A_602 {strides = array<i32>} : memref<512xf32, #tpu.memory_space<vmem>>, vector<16xf32>,
      }
      %scan3A_150 = arith.constant 32 : i32
      %add3A_151 = arith.constant 4 : i32
      %add3A_152 = arith.addi %add3A_130, %add3A_151 : i32
      %lt3A_153 = arith.constant 16 : i32
      %lt3A_154 = arith.cmpi slt, %add3A_152, %lt3A_153 : i32
      %convert_element_type3A_155 = arith.extui %lt3A_154 : i1 to i32
      %cond3A_156 = arith.constant 0 : i32
      %cond3A_157 = arith.cmpi ne, %convert_element_type3A_155, %cond3A_156 : i32
      scf.if %cond3A_157 {
        %add3A_216 = arith.constant 4 : i32
        %add3A_217 = arith.addi %add3A_130, %add3A_216 : i32
        %mul3A_218 = arith.constant 32 : i32
        %mul3A_219 = arith.muli %add3A_217, %mul3A_218 : i32
        %add3A_220 = arith.addi %mul3A_34, %mul3A_219 : i32
        %dma_start3A_221 = arith.constant 0 : i32
        %dma_start3A_222 = tpu.memref_slice %arg2[%add3A_32, %add3A_220, %dma_start3A_221] : memref<64x1024x512xf32, #tpu.memory_space<hbm>> -> memref<1x32x512xf32, #tpu.memory_space<hbm>>
        %dma_start3A_223 = tpu.memref_squeeze %dma_start3A_222 : memref<1x32x512xf32, #tpu.memory_space<hbm>> -> memref<32x512xf32, #tpu.memory_space<hbm>>
        %dma_start3A_224 = arith.constant 0 : i32
        %dma_start3A_225 = tpu.memref_slice %arg2[%add3A_32, %add3A_220, %dma_start3A_224] : memref<64x1024x512xf32, #tpu.memory_space<hbm>> -> memref<1x32x512xf32, #tpu.memory_space<hbm>>
        %dma_start3A_226 = tpu.memref_squeeze %dma_start3A_225 : memref<1x32x512xf32, #tpu.memory_space<hbm>> -> memref<32x512xf32, #tpu.memory_space<hbm>>
        tpu.enqueue_dma source(%dma_start3A_226 : memref<32x512xf32, #tpu.memory_space<hbm>>) target(%arg5 : memref<32x512xf32, #tpu.memory_space<vmem>>) target_semaphore(%arg10 : memref<!tpu.dma_semaphore, #tpu.memory_space<semaphore_mem>>)
        %dma_start3A_227 = arith.constant 0 : i32
        %dma_start3A_228 = tpu.memref_slice %arg2[%add3A_32, %add3A_220, %dma_start3A_227] : memref<64x1024x512xf32, #tpu.memory_space<hbm>> -> memref<1x32x512xf32, #tpu.memory_space<hbm>>
        %dma_start3A_229 = tpu.memref_squeeze %dma_start3A_228 : memref<1x32x512xf32, #tpu.memory_space<hbm>> -> memref<32x512xf32, #tpu.memory_space<hbm>>
        %dma_start3A_230 = arith.constant 0 : i32
        %dma_start3A_231 = tpu.memref_slice %arg2[%add3A_32, %add3A_220, %dma_start3A_230] : memref<64x1024x512xf32, #tpu.memory_space<hbm>> -> memref<1x32x512xf32, #tpu.memory_space<hbm>>
        %dma_start3A_232 = tpu.memref_squeeze %dma_start3A_231 : memref<1x32x512xf32, #tpu.memory_space<hbm>> -> memref<32x512xf32, #tpu.memory_space<hbm>>
        tpu.enqueue_dma source(%dma_start3A_232 : memref<32x512xf32, #tpu.memory_space<hbm>>) target(%arg5 : memref<32x512xf32, #tpu.memory_space<vmem>>) target_semaphore(%arg10 : memref<!tpu.dma_semaphore, #tpu.memory_space<semaphore_mem>>)
      } else {
      }
      %add3A_158 = arith.constant 2 : i32
      %add3A_159 = arith.addi %mul3A_102, %add3A_158 : i32
      %mul3A_160 = arith.constant 32 : i32
      %mul3A_161 = arith.muli %add3A_159, %mul3A_160 : i32
      %add3A_162 = arith.addi %mul3A_34, %mul3A_161 : i32
      %dma_start3A_163 = arith.constant 0 : i32
      %dma_start3A_164 = tpu.memref_slice %arg2[%add3A_32, %add3A_162, %dma_start3A_163] : memref<64x1024x512xf32, #tpu.memory_space<hbm>> -> memref<1x32x512xf32, #tpu.memory_space<hbm>>
      %dma_start3A_165 = tpu.memref_squeeze %dma_start3A_164 : memref<1x32x512xf32, #tpu.memory_space<hbm>> -> memref<32x512xf32, #tpu.memory_space<hbm>>
      %dma_start3A_166 = arith.constant 0 : i32
      %dma_start3A_167 = tpu.memref_slice %arg2[%add3A_32, %add3A_162, %dma_start3A_166] : memref<64x1024x512xf32, #tpu.memory_space<hbm>> -> memref<1x32x512xf32, #tpu.memory_space<hbm>>
      %dma_start3A_168 = tpu.memref_squeeze %dma_start3A_167 : memref<1x32x512xf32, #tpu.memory_space<hbm>> -> memref<32x512xf32, #tpu.memory_space<hbm>>
      tpu.enqueue_dma source(%dma_start3A_168 : memref<32x512xf32, #tpu.memory_space<hbm>>) target(%arg6 : memref<32x512xf32, #tpu.memory_space<vmem>>) target_semaphore(%arg11 : memref<!tpu.dma_semaphore, #tpu.memory_space<semaphore_mem>>)
      %dma_wait3A_169 = arith.constant 0 : i32
      %dma_wait3A_170 = tpu.memref_slice %arg2[%add3A_32, %add3A_162, %dma_wait3A_169] : memref<64x1024x512xf32, #tpu.memory_space<hbm>> -> memref<1x32x512xf32, #tpu.memory_space<hbm>>
      %dma_wait3A_171 = tpu.memref_squeeze %dma_wait3A_170 : memref<1x32x512xf32, #tpu.memory_space<hbm>> -> memref<32x512xf32, #tpu.memory_space<hbm>>
      %dma_wait3A_172 = arith.constant 0 : i32
      %dma_wait3A_173 = tpu.memref_slice %arg2[%add3A_32, %add3A_162, %dma_wait3A_172] : memref<64x1024x512xf32, #tpu.memory_space<hbm>> -> memref<1x32x512xf32, #tpu.memory_space<hbm>>
      %dma_wait3A_174 = tpu.memref_squeeze %dma_wait3A_173 : memref<1x32x512xf32, #tpu.memory_space<hbm>> -> memref<32x512xf32, #tpu.memory_space<hbm>>
      tpu.wait_dma2 semaphore(%arg11 : memref<!tpu.dma_semaphore, #tpu.memory_space<semaphore_mem>>) src(%dma_wait3A_174 : memref<32x512xf32, #tpu.memory_space<hbm>>) dst(%arg6 : memref<32x512xf32, #tpu.memory_space<vmem>>)
      %scan3A_175 = arith.constant 0 : i32
      %scan3A_176 = arith.constant 32 : i32
      %scan3A_177 = arith.addi %scan3A_175, %scan3A_176 : i32
      %scan3A_178 = arith.constant 1 : i32
      scf.for %scan3A_216 = %scan3A_175 to %scan3A_177 step %scan3A_178  : i32 {
        %mul3A_217 = arith.constant 1 : i32
        %mul3A_218 = arith.muli %scan3A_216, %mul3A_217 : i32
        %add3A_219 = arith.constant 0 : i32
        %add3A_220 = arith.addi %add3A_219, %mul3A_218 : i32
        %get3A = arith.constant 0 : index
        %get3A_221 = tpu.vector_load %arg8[%get3A] {strides = array<i32>} : memref<512xf32, #tpu.memory_space<vmem>>, vector<16xf32>,
        %get3A_222 = vector.shape_cast %get3A_221 : vector<16xf32> to vector<16xf32>
        %get3A_223 = arith.index_cast %add3A_220 : i32 to index
        %get3A_224 = arith.constant 0 : index
        %get3A_225 = tpu.vector_load %arg6[%get3A_223, %get3A_224] {strides = array<i32>} : memref<32x512xf32, #tpu.memory_space<vmem>>, vector<1x16xf32>,
        %get3A_226 = vector.shape_cast %get3A_225 : vector<1x16xf32> to vector<16xf32>
        %add3A_227 = arith.addf %get3A_222, %get3A_226 : vector<16xf32>
        %swap3A = arith.constant 0 : index
        %swap3A_228 = tpu.vector_load %arg8[%swap3A] {strides = array<i32>} : memref<512xf32, #tpu.memory_space<vmem>>, vector<16xf32>,
        %swap3A_229 = vector.shape_cast %swap3A_228 : vector<16xf32> to vector<16xf32>
        %swap3A_230 = vector.shape_cast %add3A_227 : vector<16xf32> to vector<16xf32>
        tpu.vector_store %arg8[%swap3A], %swap3A_230 {strides = array<i32>} : memref<512xf32, #tpu.memory_space<vmem>>, vector<16xf32>,
        %get3A_231 = arith.constant 16 : index
        %get3A_232 = tpu.vector_load %arg8[%get3A_231] {strides = array<i32>} : memref<512xf32, #tpu.memory_space<vmem>>, vector<16xf32>,
        %get3A_233 = vector.shape_cast %get3A_232 : vector<16xf32> to vector<16xf32>
        %get3A_234 = arith.index_cast %add3A_220 : i32 to index
        %get3A_235 = arith.constant 16 : index
        %get3A_236 = tpu.vector_load %arg6[%get3A_234, %get3A_235] {strides = array<i32>} : memref<32x512xf32, #tpu.memory_space<vmem>>, vector<1x16xf32>,
        %get3A_237 = vector.shape_cast %get3A_236 : vector<1x16xf32> to vector<16xf32>
        %add3A_238 = arith.addf %get3A_233, %get3A_237 : vector<16xf32>
        %swap3A_239 = arith.constant 16 : index
        %swap3A_240 = tpu.vector_load %arg8[%swap3A_239] {strides = array<i32>} : memref<512xf32, #tpu.memory_space<vmem>>, vector<16xf32>,
        %swap3A_241 = vector.shape_cast %swap3A_240 : vector<16xf32> to vector<16xf32>
        %swap3A_242 = vector.shape_cast %add3A_238 : vector<16xf32> to vector<16xf32>
        tpu.vector_store %arg8[%swap3A_239], %swap3A_242 {strides = array<i32>} : memref<512xf32, #tpu.memory_space<vmem>>, vector<16xf32>,
        %get3A_243 = arith.constant 32 : index
        %get3A_244 = tpu.vector_load %arg8[%get3A_243] {strides = array<i32>} : memref<512xf32, #tpu.memory_space<vmem>>, vector<16xf32>,
        %get3A_245 = vector.shape_cast %get3A_244 : vector<16xf32> to vector<16xf32>
        %get3A_246 = arith.index_cast %add3A_220 : i32 to index
        %get3A_247 = arith.constant 32 : index
        %get3A_248 = tpu.vector_load %arg6[%get3A_246, %get3A_247] {strides = array<i32>} : memref<32x512xf32, #tpu.memory_space<vmem>>, vector<1x16xf32>,
        %get3A_249 = vector.shape_cast %get3A_248 : vector<1x16xf32> to vector<16xf32>
        %add3A_250 = arith.addf %get3A_245, %get3A_249 : vector<16xf32>
        %swap3A_251 = arith.constant 32 : index
        %swap3A_252 = tpu.vector_load %arg8[%swap3A_251] {strides = array<i32>} : memref<512xf32, #tpu.memory_space<vmem>>, vector<16xf32>,
        %swap3A_253 = vector.shape_cast %swap3A_252 : vector<16xf32> to vector<16xf32>
        %swap3A_254 = vector.shape_cast %add3A_250 : vector<16xf32> to vector<16xf32>
        tpu.vector_store %arg8[%swap3A_251], %swap3A_254 {strides = array<i32>} : memref<512xf32, #tpu.memory_space<vmem>>, vector<16xf32>,
        %get3A_255 = arith.constant 48 : index
        %get3A_256 = tpu.vector_load %arg8[%get3A_255] {strides = array<i32>} : memref<512xf32, #tpu.memory_space<vmem>>, vector<16xf32>,
        %get3A_257 = vector.shape_cast %get3A_256 : vector<16xf32> to vector<16xf32>
        %get3A_258 = arith.index_cast %add3A_220 : i32 to index
        %get3A_259 = arith.constant 48 : index
        %get3A_260 = tpu.vector_load %arg6[%get3A_258, %get3A_259] {strides = array<i32>} : memref<32x512xf32, #tpu.memory_space<vmem>>, vector<1x16xf32>,
        %get3A_261 = vector.shape_cast %get3A_260 : vector<1x16xf32> to vector<16xf32>
        %add3A_262 = arith.addf %get3A_257, %get3A_261 : vector<16xf32>
        %swap3A_263 = arith.constant 48 : index
        %swap3A_264 = tpu.vector_load %arg8[%swap3A_263] {strides = array<i32>} : memref<512xf32, #tpu.memory_space<vmem>>, vector<16xf32>,
        %swap3A_265 = vector.shape_cast %swap3A_264 : vector<16xf32> to vector<16xf32>
        %swap3A_266 = vector.shape_cast %add3A_262 : vector<16xf32> to vector<16xf32>
        tpu.vector_store %arg8[%swap3A_263], %swap3A_266 {strides = array<i32>} : memref<512xf32, #tpu.memory_space<vmem>>, vector<16xf32>,
        %get3A_267 = arith.constant 64 : index
        %get3A_268 = tpu.vector_load %arg8[%get3A_267] {strides = array<i32>} : memref<512xf32, #tpu.memory_space<vmem>>, vector<16xf32>,
        %get3A_269 = vector.shape_cast %get3A_268 : vector<16xf32> to vector<16xf32>
        %get3A_270 = arith.index_cast %add3A_220 : i32 to index
        %get3A_271 = arith.constant 64 : index
        %get3A_272 = tpu.vector_load %arg6[%get3A_270, %get3A_271] {strides = array<i32>} : memref<32x512xf32, #tpu.memory_space<vmem>>, vector<1x16xf32>,
        %get3A_273 = vector.shape_cast %get3A_272 : vector<1x16xf32> to vector<16xf32>
        %add3A_274 = arith.addf %get3A_269, %get3A_273 : vector<16xf32>
        %swap3A_275 = arith.constant 64 : index
        %swap3A_276 = tpu.vector_load %arg8[%swap3A_275] {strides = array<i32>} : memref<512xf32, #tpu.memory_space<vmem>>, vector<16xf32>,
        %swap3A_277 = vector.shape_cast %swap3A_276 : vector<16xf32> to vector<16xf32>
        %swap3A_278 = vector.shape_cast %add3A_274 : vector<16xf32> to vector<16xf32>
        tpu.vector_store %arg8[%swap3A_275], %swap3A_278 {strides = array<i32>} : memref<512xf32, #tpu.memory_space<vmem>>, vector<16xf32>,
        %get3A_279 = arith.constant 80 : index
        %get3A_280 = tpu.vector_load %arg8[%get3A_279] {strides = array<i32>} : memref<512xf32, #tpu.memory_space<vmem>>, vector<16xf32>,
        %get3A_281 = vector.shape_cast %get3A_280 : vector<16xf32> to vector<16xf32>
        %get3A_282 = arith.index_cast %add3A_220 : i32 to index
        %get3A_283 = arith.constant 80 : index
        %get3A_284 = tpu.vector_load %arg6[%get3A_282, %get3A_283] {strides = array<i32>} : memref<32x512xf32, #tpu.memory_space<vmem>>, vector<1x16xf32>,
        %get3A_285 = vector.shape_cast %get3A_284 : vector<1x16xf32> to vector<16xf32>
        %add3A_286 = arith.addf %get3A_281, %get3A_285 : vector<16xf32>
        %swap3A_287 = arith.constant 80 : index
        %swap3A_288 = tpu.vector_load %arg8[%swap3A_287] {strides = array<i32>} : memref<512xf32, #tpu.memory_space<vmem>>, vector<16xf32>,
        %swap3A_289 = vector.shape_cast %swap3A_288 : vector<16xf32> to vector<16xf32>
        %swap3A_290 = vector.shape_cast %add3A_286 : vector<16xf32> to vector<16xf32>
        tpu.vector_store %arg8[%swap3A_287], %swap3A_290 {strides = array<i32>} : memref<512xf32, #tpu.memory_space<vmem>>, vector<16xf32>,
        %get3A_291 = arith.constant 96 : index
        %get3A_292 = tpu.vector_load %arg8[%get3A_291] {strides = array<i32>} : memref<512xf32, #tpu.memory_space<vmem>>, vector<16xf32>,
        %get3A_293 = vector.shape_cast %get3A_292 : vector<16xf32> to vector<16xf32>
        %get3A_294 = arith.index_cast %add3A_220 : i32 to index
        %get3A_295 = arith.constant 96 : index
        %get3A_296 = tpu.vector_load %arg6[%get3A_294, %get3A_295] {strides = array<i32>} : memref<32x512xf32, #tpu.memory_space<vmem>>, vector<1x16xf32>,
        %get3A_297 = vector.shape_cast %get3A_296 : vector<1x16xf32> to vector<16xf32>
        %add3A_298 = arith.addf %get3A_293, %get3A_297 : vector<16xf32>
        %swap3A_299 = arith.constant 96 : index
        %swap3A_300 = tpu.vector_load %arg8[%swap3A_299] {strides = array<i32>} : memref<512xf32, #tpu.memory_space<vmem>>, vector<16xf32>,
        %swap3A_301 = vector.shape_cast %swap3A_300 : vector<16xf32> to vector<16xf32>
        %swap3A_302 = vector.shape_cast %add3A_298 : vector<16xf32> to vector<16xf32>
        tpu.vector_store %arg8[%swap3A_299], %swap3A_302 {strides = array<i32>} : memref<512xf32, #tpu.memory_space<vmem>>, vector<16xf32>,
        %get3A_303 = arith.constant 112 : index
        %get3A_304 = tpu.vector_load %arg8[%get3A_303] {strides = array<i32>} : memref<512xf32, #tpu.memory_space<vmem>>, vector<16xf32>,
        %get3A_305 = vector.shape_cast %get3A_304 : vector<16xf32> to vector<16xf32>
        %get3A_306 = arith.index_cast %add3A_220 : i32 to index
        %get3A_307 = arith.constant 112 : index
        %get3A_308 = tpu.vector_load %arg6[%get3A_306, %get3A_307] {strides = array<i32>} : memref<32x512xf32, #tpu.memory_space<vmem>>, vector<1x16xf32>,
        %get3A_309 = vector.shape_cast %get3A_308 : vector<1x16xf32> to vector<16xf32>
        %add3A_310 = arith.addf %get3A_305, %get3A_309 : vector<16xf32>
        %swap3A_311 = arith.constant 112 : index
        %swap3A_312 = tpu.vector_load %arg8[%swap3A_311] {strides = array<i32>} : memref<512xf32, #tpu.memory_space<vmem>>, vector<16xf32>,
        %swap3A_313 = vector.shape_cast %swap3A_312 : vector<16xf32> to vector<16xf32>
        %swap3A_314 = vector.shape_cast %add3A_310 : vector<16xf32> to vector<16xf32>
        tpu.vector_store %arg8[%swap3A_311], %swap3A_314 {strides = array<i32>} : memref<512xf32, #tpu.memory_space<vmem>>, vector<16xf32>,
        %get3A_315 = arith.constant 128 : index
        %get3A_316 = tpu.vector_load %arg8[%get3A_315] {strides = array<i32>} : memref<512xf32, #tpu.memory_space<vmem>>, vector<16xf32>,
        %get3A_317 = vector.shape_cast %get3A_316 : vector<16xf32> to vector<16xf32>
        %get3A_318 = arith.index_cast %add3A_220 : i32 to index
        %get3A_319 = arith.constant 128 : index
        %get3A_320 = tpu.vector_load %arg6[%get3A_318, %get3A_319] {strides = array<i32>} : memref<32x512xf32, #tpu.memory_space<vmem>>, vector<1x16xf32>,
        %get3A_321 = vector.shape_cast %get3A_320 : vector<1x16xf32> to vector<16xf32>
        %add3A_322 = arith.addf %get3A_317, %get3A_321 : vector<16xf32>
        %swap3A_323 = arith.constant 128 : index
        %swap3A_324 = tpu.vector_load %arg8[%swap3A_323] {strides = array<i32>} : memref<512xf32, #tpu.memory_space<vmem>>, vector<16xf32>,
        %swap3A_325 = vector.shape_cast %swap3A_324 : vector<16xf32> to vector<16xf32>
        %swap3A_326 = vector.shape_cast %add3A_322 : vector<16xf32> to vector<16xf32>
        tpu.vector_store %arg8[%swap3A_323], %swap3A_326 {strides = array<i32>} : memref<512xf32, #tpu.memory_space<vmem>>, vector<16xf32>,
        %get3A_327 = arith.constant 144 : index
        %get3A_328 = tpu.vector_load %arg8[%get3A_327] {strides = array<i32>} : memref<512xf32, #tpu.memory_space<vmem>>, vector<16xf32>,
        %get3A_329 = vector.shape_cast %get3A_328 : vector<16xf32> to vector<16xf32>
        %get3A_330 = arith.index_cast %add3A_220 : i32 to index
        %get3A_331 = arith.constant 144 : index
        %get3A_332 = tpu.vector_load %arg6[%get3A_330, %get3A_331] {strides = array<i32>} : memref<32x512xf32, #tpu.memory_space<vmem>>, vector<1x16xf32>,
        %get3A_333 = vector.shape_cast %get3A_332 : vector<1x16xf32> to vector<16xf32>
        %add3A_334 = arith.addf %get3A_329, %get3A_333 : vector<16xf32>
        %swap3A_335 = arith.constant 144 : index
        %swap3A_336 = tpu.vector_load %arg8[%swap3A_335] {strides = array<i32>} : memref<512xf32, #tpu.memory_space<vmem>>, vector<16xf32>,
        %swap3A_337 = vector.shape_cast %swap3A_336 : vector<16xf32> to vector<16xf32>
        %swap3A_338 = vector.shape_cast %add3A_334 : vector<16xf32> to vector<16xf32>
        tpu.vector_store %arg8[%swap3A_335], %swap3A_338 {strides = array<i32>} : memref<512xf32, #tpu.memory_space<vmem>>, vector<16xf32>,
        %get3A_339 = arith.constant 160 : index
        %get3A_340 = tpu.vector_load %arg8[%get3A_339] {strides = array<i32>} : memref<512xf32, #tpu.memory_space<vmem>>, vector<16xf32>,
        %get3A_341 = vector.shape_cast %get3A_340 : vector<16xf32> to vector<16xf32>
        %get3A_342 = arith.index_cast %add3A_220 : i32 to index
        %get3A_343 = arith.constant 160 : index
        %get3A_344 = tpu.vector_load %arg6[%get3A_342, %get3A_343] {strides = array<i32>} : memref<32x512xf32, #tpu.memory_space<vmem>>, vector<1x16xf32>,
        %get3A_345 = vector.shape_cast %get3A_344 : vector<1x16xf32> to vector<16xf32>
        %add3A_346 = arith.addf %get3A_341, %get3A_345 : vector<16xf32>
        %swap3A_347 = arith.constant 160 : index
        %swap3A_348 = tpu.vector_load %arg8[%swap3A_347] {strides = array<i32>} : memref<512xf32, #tpu.memory_space<vmem>>, vector<16xf32>,
        %swap3A_349 = vector.shape_cast %swap3A_348 : vector<16xf32> to vector<16xf32>
        %swap3A_350 = vector.shape_cast %add3A_346 : vector<16xf32> to vector<16xf32>
        tpu.vector_store %arg8[%swap3A_347], %swap3A_350 {strides = array<i32>} : memref<512xf32, #tpu.memory_space<vmem>>, vector<16xf32>,
        %get3A_351 = arith.constant 176 : index
        %get3A_352 = tpu.vector_load %arg8[%get3A_351] {strides = array<i32>} : memref<512xf32, #tpu.memory_space<vmem>>, vector<16xf32>,
        %get3A_353 = vector.shape_cast %get3A_352 : vector<16xf32> to vector<16xf32>
        %get3A_354 = arith.index_cast %add3A_220 : i32 to index
        %get3A_355 = arith.constant 176 : index
        %get3A_356 = tpu.vector_load %arg6[%get3A_354, %get3A_355] {strides = array<i32>} : memref<32x512xf32, #tpu.memory_space<vmem>>, vector<1x16xf32>,
        %get3A_357 = vector.shape_cast %get3A_356 : vector<1x16xf32> to vector<16xf32>
        %add3A_358 = arith.addf %get3A_353, %get3A_357 : vector<16xf32>
        %swap3A_359 = arith.constant 176 : index
        %swap3A_360 = tpu.vector_load %arg8[%swap3A_359] {strides = array<i32>} : memref<512xf32, #tpu.memory_space<vmem>>, vector<16xf32>,
        %swap3A_361 = vector.shape_cast %swap3A_360 : vector<16xf32> to vector<16xf32>
        %swap3A_362 = vector.shape_cast %add3A_358 : vector<16xf32> to vector<16xf32>
        tpu.vector_store %arg8[%swap3A_359], %swap3A_362 {strides = array<i32>} : memref<512xf32, #tpu.memory_space<vmem>>, vector<16xf32>,
        %get3A_363 = arith.constant 192 : index
        %get3A_364 = tpu.vector_load %arg8[%get3A_363] {strides = array<i32>} : memref<512xf32, #tpu.memory_space<vmem>>, vector<16xf32>,
        %get3A_365 = vector.shape_cast %get3A_364 : vector<16xf32> to vector<16xf32>
        %get3A_366 = arith.index_cast %add3A_220 : i32 to index
        %get3A_367 = arith.constant 192 : index
        %get3A_368 = tpu.vector_load %arg6[%get3A_366, %get3A_367] {strides = array<i32>} : memref<32x512xf32, #tpu.memory_space<vmem>>, vector<1x16xf32>,
        %get3A_369 = vector.shape_cast %get3A_368 : vector<1x16xf32> to vector<16xf32>
        %add3A_370 = arith.addf %get3A_365, %get3A_369 : vector<16xf32>
        %swap3A_371 = arith.constant 192 : index
        %swap3A_372 = tpu.vector_load %arg8[%swap3A_371] {strides = array<i32>} : memref<512xf32, #tpu.memory_space<vmem>>, vector<16xf32>,
        %swap3A_373 = vector.shape_cast %swap3A_372 : vector<16xf32> to vector<16xf32>
        %swap3A_374 = vector.shape_cast %add3A_370 : vector<16xf32> to vector<16xf32>
        tpu.vector_store %arg8[%swap3A_371], %swap3A_374 {strides = array<i32>} : memref<512xf32, #tpu.memory_space<vmem>>, vector<16xf32>,
        %get3A_375 = arith.constant 208 : index
        %get3A_376 = tpu.vector_load %arg8[%get3A_375] {strides = array<i32>} : memref<512xf32, #tpu.memory_space<vmem>>, vector<16xf32>,
        %get3A_377 = vector.shape_cast %get3A_376 : vector<16xf32> to vector<16xf32>
        %get3A_378 = arith.index_cast %add3A_220 : i32 to index
        %get3A_379 = arith.constant 208 : index
        %get3A_380 = tpu.vector_load %arg6[%get3A_378, %get3A_379] {strides = array<i32>} : memref<32x512xf32, #tpu.memory_space<vmem>>, vector<1x16xf32>,
        %get3A_381 = vector.shape_cast %get3A_380 : vector<1x16xf32> to vector<16xf32>
        %add3A_382 = arith.addf %get3A_377, %get3A_381 : vector<16xf32>
        %swap3A_383 = arith.constant 208 : index
        %swap3A_384 = tpu.vector_load %arg8[%swap3A_383] {strides = array<i32>} : memref<512xf32, #tpu.memory_space<vmem>>, vector<16xf32>,
        %swap3A_385 = vector.shape_cast %swap3A_384 : vector<16xf32> to vector<16xf32>
        %swap3A_386 = vector.shape_cast %add3A_382 : vector<16xf32> to vector<16xf32>
        tpu.vector_store %arg8[%swap3A_383], %swap3A_386 {strides = array<i32>} : memref<512xf32, #tpu.memory_space<vmem>>, vector<16xf32>,
        %get3A_387 = arith.constant 224 : index
        %get3A_388 = tpu.vector_load %arg8[%get3A_387] {strides = array<i32>} : memref<512xf32, #tpu.memory_space<vmem>>, vector<16xf32>,
        %get3A_389 = vector.shape_cast %get3A_388 : vector<16xf32> to vector<16xf32>
        %get3A_390 = arith.index_cast %add3A_220 : i32 to index
        %get3A_391 = arith.constant 224 : index
        %get3A_392 = tpu.vector_load %arg6[%get3A_390, %get3A_391] {strides = array<i32>} : memref<32x512xf32, #tpu.memory_space<vmem>>, vector<1x16xf32>,
        %get3A_393 = vector.shape_cast %get3A_392 : vector<1x16xf32> to vector<16xf32>
        %add3A_394 = arith.addf %get3A_389, %get3A_393 : vector<16xf32>
        %swap3A_395 = arith.constant 224 : index
        %swap3A_396 = tpu.vector_load %arg8[%swap3A_395] {strides = array<i32>} : memref<512xf32, #tpu.memory_space<vmem>>, vector<16xf32>,
        %swap3A_397 = vector.shape_cast %swap3A_396 : vector<16xf32> to vector<16xf32>
        %swap3A_398 = vector.shape_cast %add3A_394 : vector<16xf32> to vector<16xf32>
        tpu.vector_store %arg8[%swap3A_395], %swap3A_398 {strides = array<i32>} : memref<512xf32, #tpu.memory_space<vmem>>, vector<16xf32>,
        %get3A_399 = arith.constant 240 : index
        %get3A_400 = tpu.vector_load %arg8[%get3A_399] {strides = array<i32>} : memref<512xf32, #tpu.memory_space<vmem>>, vector<16xf32>,
        %get3A_401 = vector.shape_cast %get3A_400 : vector<16xf32> to vector<16xf32>
        %get3A_402 = arith.index_cast %add3A_220 : i32 to index
        %get3A_403 = arith.constant 240 : index
        %get3A_404 = tpu.vector_load %arg6[%get3A_402, %get3A_403] {strides = array<i32>} : memref<32x512xf32, #tpu.memory_space<vmem>>, vector<1x16xf32>,
        %get3A_405 = vector.shape_cast %get3A_404 : vector<1x16xf32> to vector<16xf32>
        %add3A_406 = arith.addf %get3A_401, %get3A_405 : vector<16xf32>
        %swap3A_407 = arith.constant 240 : index
        %swap3A_408 = tpu.vector_load %arg8[%swap3A_407] {strides = array<i32>} : memref<512xf32, #tpu.memory_space<vmem>>, vector<16xf32>,
        %swap3A_409 = vector.shape_cast %swap3A_408 : vector<16xf32> to vector<16xf32>
        %swap3A_410 = vector.shape_cast %add3A_406 : vector<16xf32> to vector<16xf32>
        tpu.vector_store %arg8[%swap3A_407], %swap3A_410 {strides = array<i32>} : memref<512xf32, #tpu.memory_space<vmem>>, vector<16xf32>,
        %get3A_411 = arith.constant 256 : index
        %get3A_412 = tpu.vector_load %arg8[%get3A_411] {strides = array<i32>} : memref<512xf32, #tpu.memory_space<vmem>>, vector<16xf32>,
        %get3A_413 = vector.shape_cast %get3A_412 : vector<16xf32> to vector<16xf32>
        %get3A_414 = arith.index_cast %add3A_220 : i32 to index
        %get3A_415 = arith.constant 256 : index
        %get3A_416 = tpu.vector_load %arg6[%get3A_414, %get3A_415] {strides = array<i32>} : memref<32x512xf32, #tpu.memory_space<vmem>>, vector<1x16xf32>,
        %get3A_417 = vector.shape_cast %get3A_416 : vector<1x16xf32> to vector<16xf32>
        %add3A_418 = arith.addf %get3A_413, %get3A_417 : vector<16xf32>
        %swap3A_419 = arith.constant 256 : index
        %swap3A_420 = tpu.vector_load %arg8[%swap3A_419] {strides = array<i32>} : memref<512xf32, #tpu.memory_space<vmem>>, vector<16xf32>,
        %swap3A_421 = vector.shape_cast %swap3A_420 : vector<16xf32> to vector<16xf32>
        %swap3A_422 = vector.shape_cast %add3A_418 : vector<16xf32> to vector<16xf32>
        tpu.vector_store %arg8[%swap3A_419], %swap3A_422 {strides = array<i32>} : memref<512xf32, #tpu.memory_space<vmem>>, vector<16xf32>,
        %get3A_423 = arith.constant 272 : index
        %get3A_424 = tpu.vector_load %arg8[%get3A_423] {strides = array<i32>} : memref<512xf32, #tpu.memory_space<vmem>>, vector<16xf32>,
        %get3A_425 = vector.shape_cast %get3A_424 : vector<16xf32> to vector<16xf32>
        %get3A_426 = arith.index_cast %add3A_220 : i32 to index
        %get3A_427 = arith.constant 272 : index
        %get3A_428 = tpu.vector_load %arg6[%get3A_426, %get3A_427] {strides = array<i32>} : memref<32x512xf32, #tpu.memory_space<vmem>>, vector<1x16xf32>,
        %get3A_429 = vector.shape_cast %get3A_428 : vector<1x16xf32> to vector<16xf32>
        %add3A_430 = arith.addf %get3A_425, %get3A_429 : vector<16xf32>
        %swap3A_431 = arith.constant 272 : index
        %swap3A_432 = tpu.vector_load %arg8[%swap3A_431] {strides = array<i32>} : memref<512xf32, #tpu.memory_space<vmem>>, vector<16xf32>,
        %swap3A_433 = vector.shape_cast %swap3A_432 : vector<16xf32> to vector<16xf32>
        %swap3A_434 = vector.shape_cast %add3A_430 : vector<16xf32> to vector<16xf32>
        tpu.vector_store %arg8[%swap3A_431], %swap3A_434 {strides = array<i32>} : memref<512xf32, #tpu.memory_space<vmem>>, vector<16xf32>,
        %get3A_435 = arith.constant 288 : index
        %get3A_436 = tpu.vector_load %arg8[%get3A_435] {strides = array<i32>} : memref<512xf32, #tpu.memory_space<vmem>>, vector<16xf32>,
        %get3A_437 = vector.shape_cast %get3A_436 : vector<16xf32> to vector<16xf32>
        %get3A_438 = arith.index_cast %add3A_220 : i32 to index
        %get3A_439 = arith.constant 288 : index
        %get3A_440 = tpu.vector_load %arg6[%get3A_438, %get3A_439] {strides = array<i32>} : memref<32x512xf32, #tpu.memory_space<vmem>>, vector<1x16xf32>,
        %get3A_441 = vector.shape_cast %get3A_440 : vector<1x16xf32> to vector<16xf32>
        %add3A_442 = arith.addf %get3A_437, %get3A_441 : vector<16xf32>
        %swap3A_443 = arith.constant 288 : index
        %swap3A_444 = tpu.vector_load %arg8[%swap3A_443] {strides = array<i32>} : memref<512xf32, #tpu.memory_space<vmem>>, vector<16xf32>,
        %swap3A_445 = vector.shape_cast %swap3A_444 : vector<16xf32> to vector<16xf32>
        %swap3A_446 = vector.shape_cast %add3A_442 : vector<16xf32> to vector<16xf32>
        tpu.vector_store %arg8[%swap3A_443], %swap3A_446 {strides = array<i32>} : memref<512xf32, #tpu.memory_space<vmem>>, vector<16xf32>,
        %get3A_447 = arith.constant 304 : index
        %get3A_448 = tpu.vector_load %arg8[%get3A_447] {strides = array<i32>} : memref<512xf32, #tpu.memory_space<vmem>>, vector<16xf32>,
        %get3A_449 = vector.shape_cast %get3A_448 : vector<16xf32> to vector<16xf32>
        %get3A_450 = arith.index_cast %add3A_220 : i32 to index
        %get3A_451 = arith.constant 304 : index
        %get3A_452 = tpu.vector_load %arg6[%get3A_450, %get3A_451] {strides = array<i32>} : memref<32x512xf32, #tpu.memory_space<vmem>>, vector<1x16xf32>,
        %get3A_453 = vector.shape_cast %get3A_452 : vector<1x16xf32> to vector<16xf32>
        %add3A_454 = arith.addf %get3A_449, %get3A_453 : vector<16xf32>
        %swap3A_455 = arith.constant 304 : index
        %swap3A_456 = tpu.vector_load %arg8[%swap3A_455] {strides = array<i32>} : memref<512xf32, #tpu.memory_space<vmem>>, vector<16xf32>,
        %swap3A_457 = vector.shape_cast %swap3A_456 : vector<16xf32> to vector<16xf32>
        %swap3A_458 = vector.shape_cast %add3A_454 : vector<16xf32> to vector<16xf32>
        tpu.vector_store %arg8[%swap3A_455], %swap3A_458 {strides = array<i32>} : memref<512xf32, #tpu.memory_space<vmem>>, vector<16xf32>,
        %get3A_459 = arith.constant 320 : index
        %get3A_460 = tpu.vector_load %arg8[%get3A_459] {strides = array<i32>} : memref<512xf32, #tpu.memory_space<vmem>>, vector<16xf32>,
        %get3A_461 = vector.shape_cast %get3A_460 : vector<16xf32> to vector<16xf32>
        %get3A_462 = arith.index_cast %add3A_220 : i32 to index
        %get3A_463 = arith.constant 320 : index
        %get3A_464 = tpu.vector_load %arg6[%get3A_462, %get3A_463] {strides = array<i32>} : memref<32x512xf32, #tpu.memory_space<vmem>>, vector<1x16xf32>,
        %get3A_465 = vector.shape_cast %get3A_464 : vector<1x16xf32> to vector<16xf32>
        %add3A_466 = arith.addf %get3A_461, %get3A_465 : vector<16xf32>
        %swap3A_467 = arith.constant 320 : index
        %swap3A_468 = tpu.vector_load %arg8[%swap3A_467] {strides = array<i32>} : memref<512xf32, #tpu.memory_space<vmem>>, vector<16xf32>,
        %swap3A_469 = vector.shape_cast %swap3A_468 : vector<16xf32> to vector<16xf32>
        %swap3A_470 = vector.shape_cast %add3A_466 : vector<16xf32> to vector<16xf32>
        tpu.vector_store %arg8[%swap3A_467], %swap3A_470 {strides = array<i32>} : memref<512xf32, #tpu.memory_space<vmem>>, vector<16xf32>,
        %get3A_471 = arith.constant 336 : index
        %get3A_472 = tpu.vector_load %arg8[%get3A_471] {strides = array<i32>} : memref<512xf32, #tpu.memory_space<vmem>>, vector<16xf32>,
        %get3A_473 = vector.shape_cast %get3A_472 : vector<16xf32> to vector<16xf32>
        %get3A_474 = arith.index_cast %add3A_220 : i32 to index
        %get3A_475 = arith.constant 336 : index
        %get3A_476 = tpu.vector_load %arg6[%get3A_474, %get3A_475] {strides = array<i32>} : memref<32x512xf32, #tpu.memory_space<vmem>>, vector<1x16xf32>,
        %get3A_477 = vector.shape_cast %get3A_476 : vector<1x16xf32> to vector<16xf32>
        %add3A_478 = arith.addf %get3A_473, %get3A_477 : vector<16xf32>
        %swap3A_479 = arith.constant 336 : index
        %swap3A_480 = tpu.vector_load %arg8[%swap3A_479] {strides = array<i32>} : memref<512xf32, #tpu.memory_space<vmem>>, vector<16xf32>,
        %swap3A_481 = vector.shape_cast %swap3A_480 : vector<16xf32> to vector<16xf32>
        %swap3A_482 = vector.shape_cast %add3A_478 : vector<16xf32> to vector<16xf32>
        tpu.vector_store %arg8[%swap3A_479], %swap3A_482 {strides = array<i32>} : memref<512xf32, #tpu.memory_space<vmem>>, vector<16xf32>,
        %get3A_483 = arith.constant 352 : index
        %get3A_484 = tpu.vector_load %arg8[%get3A_483] {strides = array<i32>} : memref<512xf32, #tpu.memory_space<vmem>>, vector<16xf32>,
        %get3A_485 = vector.shape_cast %get3A_484 : vector<16xf32> to vector<16xf32>
        %get3A_486 = arith.index_cast %add3A_220 : i32 to index
        %get3A_487 = arith.constant 352 : index
        %get3A_488 = tpu.vector_load %arg6[%get3A_486, %get3A_487] {strides = array<i32>} : memref<32x512xf32, #tpu.memory_space<vmem>>, vector<1x16xf32>,
        %get3A_489 = vector.shape_cast %get3A_488 : vector<1x16xf32> to vector<16xf32>
        %add3A_490 = arith.addf %get3A_485, %get3A_489 : vector<16xf32>
        %swap3A_491 = arith.constant 352 : index
        %swap3A_492 = tpu.vector_load %arg8[%swap3A_491] {strides = array<i32>} : memref<512xf32, #tpu.memory_space<vmem>>, vector<16xf32>,
        %swap3A_493 = vector.shape_cast %swap3A_492 : vector<16xf32> to vector<16xf32>
        %swap3A_494 = vector.shape_cast %add3A_490 : vector<16xf32> to vector<16xf32>
        tpu.vector_store %arg8[%swap3A_491], %swap3A_494 {strides = array<i32>} : memref<512xf32, #tpu.memory_space<vmem>>, vector<16xf32>,
        %get3A_495 = arith.constant 368 : index
        %get3A_496 = tpu.vector_load %arg8[%get3A_495] {strides = array<i32>} : memref<512xf32, #tpu.memory_space<vmem>>, vector<16xf32>,
        %get3A_497 = vector.shape_cast %get3A_496 : vector<16xf32> to vector<16xf32>
        %get3A_498 = arith.index_cast %add3A_220 : i32 to index
        %get3A_499 = arith.constant 368 : index
        %get3A_500 = tpu.vector_load %arg6[%get3A_498, %get3A_499] {strides = array<i32>} : memref<32x512xf32, #tpu.memory_space<vmem>>, vector<1x16xf32>,
        %get3A_501 = vector.shape_cast %get3A_500 : vector<1x16xf32> to vector<16xf32>
        %add3A_502 = arith.addf %get3A_497, %get3A_501 : vector<16xf32>
        %swap3A_503 = arith.constant 368 : index
        %swap3A_504 = tpu.vector_load %arg8[%swap3A_503] {strides = array<i32>} : memref<512xf32, #tpu.memory_space<vmem>>, vector<16xf32>,
        %swap3A_505 = vector.shape_cast %swap3A_504 : vector<16xf32> to vector<16xf32>
        %swap3A_506 = vector.shape_cast %add3A_502 : vector<16xf32> to vector<16xf32>
        tpu.vector_store %arg8[%swap3A_503], %swap3A_506 {strides = array<i32>} : memref<512xf32, #tpu.memory_space<vmem>>, vector<16xf32>,
        %get3A_507 = arith.constant 384 : index
        %get3A_508 = tpu.vector_load %arg8[%get3A_507] {strides = array<i32>} : memref<512xf32, #tpu.memory_space<vmem>>, vector<16xf32>,
        %get3A_509 = vector.shape_cast %get3A_508 : vector<16xf32> to vector<16xf32>
        %get3A_510 = arith.index_cast %add3A_220 : i32 to index
        %get3A_511 = arith.constant 384 : index
        %get3A_512 = tpu.vector_load %arg6[%get3A_510, %get3A_511] {strides = array<i32>} : memref<32x512xf32, #tpu.memory_space<vmem>>, vector<1x16xf32>,
        %get3A_513 = vector.shape_cast %get3A_512 : vector<1x16xf32> to vector<16xf32>
        %add3A_514 = arith.addf %get3A_509, %get3A_513 : vector<16xf32>
        %swap3A_515 = arith.constant 384 : index
        %swap3A_516 = tpu.vector_load %arg8[%swap3A_515] {strides = array<i32>} : memref<512xf32, #tpu.memory_space<vmem>>, vector<16xf32>,
        %swap3A_517 = vector.shape_cast %swap3A_516 : vector<16xf32> to vector<16xf32>
        %swap3A_518 = vector.shape_cast %add3A_514 : vector<16xf32> to vector<16xf32>
        tpu.vector_store %arg8[%swap3A_515], %swap3A_518 {strides = array<i32>} : memref<512xf32, #tpu.memory_space<vmem>>, vector<16xf32>,
        %get3A_519 = arith.constant 400 : index
        %get3A_520 = tpu.vector_load %arg8[%get3A_519] {strides = array<i32>} : memref<512xf32, #tpu.memory_space<vmem>>, vector<16xf32>,
        %get3A_521 = vector.shape_cast %get3A_520 : vector<16xf32> to vector<16xf32>
        %get3A_522 = arith.index_cast %add3A_220 : i32 to index
        %get3A_523 = arith.constant 400 : index
        %get3A_524 = tpu.vector_load %arg6[%get3A_522, %get3A_523] {strides = array<i32>} : memref<32x512xf32, #tpu.memory_space<vmem>>, vector<1x16xf32>,
        %get3A_525 = vector.shape_cast %get3A_524 : vector<1x16xf32> to vector<16xf32>
        %add3A_526 = arith.addf %get3A_521, %get3A_525 : vector<16xf32>
        %swap3A_527 = arith.constant 400 : index
        %swap3A_528 = tpu.vector_load %arg8[%swap3A_527] {strides = array<i32>} : memref<512xf32, #tpu.memory_space<vmem>>, vector<16xf32>,
        %swap3A_529 = vector.shape_cast %swap3A_528 : vector<16xf32> to vector<16xf32>
        %swap3A_530 = vector.shape_cast %add3A_526 : vector<16xf32> to vector<16xf32>
        tpu.vector_store %arg8[%swap3A_527], %swap3A_530 {strides = array<i32>} : memref<512xf32, #tpu.memory_space<vmem>>, vector<16xf32>,
        %get3A_531 = arith.constant 416 : index
        %get3A_532 = tpu.vector_load %arg8[%get3A_531] {strides = array<i32>} : memref<512xf32, #tpu.memory_space<vmem>>, vector<16xf32>,
        %get3A_533 = vector.shape_cast %get3A_532 : vector<16xf32> to vector<16xf32>
        %get3A_534 = arith.index_cast %add3A_220 : i32 to index
        %get3A_535 = arith.constant 416 : index
        %get3A_536 = tpu.vector_load %arg6[%get3A_534, %get3A_535] {strides = array<i32>} : memref<32x512xf32, #tpu.memory_space<vmem>>, vector<1x16xf32>,
        %get3A_537 = vector.shape_cast %get3A_536 : vector<1x16xf32> to vector<16xf32>
        %add3A_538 = arith.addf %get3A_533, %get3A_537 : vector<16xf32>
        %swap3A_539 = arith.constant 416 : index
        %swap3A_540 = tpu.vector_load %arg8[%swap3A_539] {strides = array<i32>} : memref<512xf32, #tpu.memory_space<vmem>>, vector<16xf32>,
        %swap3A_541 = vector.shape_cast %swap3A_540 : vector<16xf32> to vector<16xf32>
        %swap3A_542 = vector.shape_cast %add3A_538 : vector<16xf32> to vector<16xf32>
        tpu.vector_store %arg8[%swap3A_539], %swap3A_542 {strides = array<i32>} : memref<512xf32, #tpu.memory_space<vmem>>, vector<16xf32>,
        %get3A_543 = arith.constant 432 : index
        %get3A_544 = tpu.vector_load %arg8[%get3A_543] {strides = array<i32>} : memref<512xf32, #tpu.memory_space<vmem>>, vector<16xf32>,
        %get3A_545 = vector.shape_cast %get3A_544 : vector<16xf32> to vector<16xf32>
        %get3A_546 = arith.index_cast %add3A_220 : i32 to index
        %get3A_547 = arith.constant 432 : index
        %get3A_548 = tpu.vector_load %arg6[%get3A_546, %get3A_547] {strides = array<i32>} : memref<32x512xf32, #tpu.memory_space<vmem>>, vector<1x16xf32>,
        %get3A_549 = vector.shape_cast %get3A_548 : vector<1x16xf32> to vector<16xf32>
        %add3A_550 = arith.addf %get3A_545, %get3A_549 : vector<16xf32>
        %swap3A_551 = arith.constant 432 : index
        %swap3A_552 = tpu.vector_load %arg8[%swap3A_551] {strides = array<i32>} : memref<512xf32, #tpu.memory_space<vmem>>, vector<16xf32>,
        %swap3A_553 = vector.shape_cast %swap3A_552 : vector<16xf32> to vector<16xf32>
        %swap3A_554 = vector.shape_cast %add3A_550 : vector<16xf32> to vector<16xf32>
        tpu.vector_store %arg8[%swap3A_551], %swap3A_554 {strides = array<i32>} : memref<512xf32, #tpu.memory_space<vmem>>, vector<16xf32>,
        %get3A_555 = arith.constant 448 : index
        %get3A_556 = tpu.vector_load %arg8[%get3A_555] {strides = array<i32>} : memref<512xf32, #tpu.memory_space<vmem>>, vector<16xf32>,
        %get3A_557 = vector.shape_cast %get3A_556 : vector<16xf32> to vector<16xf32>
        %get3A_558 = arith.index_cast %add3A_220 : i32 to index
        %get3A_559 = arith.constant 448 : index
        %get3A_560 = tpu.vector_load %arg6[%get3A_558, %get3A_559] {strides = array<i32>} : memref<32x512xf32, #tpu.memory_space<vmem>>, vector<1x16xf32>,
        %get3A_561 = vector.shape_cast %get3A_560 : vector<1x16xf32> to vector<16xf32>
        %add3A_562 = arith.addf %get3A_557, %get3A_561 : vector<16xf32>
        %swap3A_563 = arith.constant 448 : index
        %swap3A_564 = tpu.vector_load %arg8[%swap3A_563] {strides = array<i32>} : memref<512xf32, #tpu.memory_space<vmem>>, vector<16xf32>,
        %swap3A_565 = vector.shape_cast %swap3A_564 : vector<16xf32> to vector<16xf32>
        %swap3A_566 = vector.shape_cast %add3A_562 : vector<16xf32> to vector<16xf32>
        tpu.vector_store %arg8[%swap3A_563], %swap3A_566 {strides = array<i32>} : memref<512xf32, #tpu.memory_space<vmem>>, vector<16xf32>,
        %get3A_567 = arith.constant 464 : index
        %get3A_568 = tpu.vector_load %arg8[%get3A_567] {strides = array<i32>} : memref<512xf32, #tpu.memory_space<vmem>>, vector<16xf32>,
        %get3A_569 = vector.shape_cast %get3A_568 : vector<16xf32> to vector<16xf32>
        %get3A_570 = arith.index_cast %add3A_220 : i32 to index
        %get3A_571 = arith.constant 464 : index
        %get3A_572 = tpu.vector_load %arg6[%get3A_570, %get3A_571] {strides = array<i32>} : memref<32x512xf32, #tpu.memory_space<vmem>>, vector<1x16xf32>,
        %get3A_573 = vector.shape_cast %get3A_572 : vector<1x16xf32> to vector<16xf32>
        %add3A_574 = arith.addf %get3A_569, %get3A_573 : vector<16xf32>
        %swap3A_575 = arith.constant 464 : index
        %swap3A_576 = tpu.vector_load %arg8[%swap3A_575] {strides = array<i32>} : memref<512xf32, #tpu.memory_space<vmem>>, vector<16xf32>,
        %swap3A_577 = vector.shape_cast %swap3A_576 : vector<16xf32> to vector<16xf32>
        %swap3A_578 = vector.shape_cast %add3A_574 : vector<16xf32> to vector<16xf32>
        tpu.vector_store %arg8[%swap3A_575], %swap3A_578 {strides = array<i32>} : memref<512xf32, #tpu.memory_space<vmem>>, vector<16xf32>,
        %get3A_579 = arith.constant 480 : index
        %get3A_580 = tpu.vector_load %arg8[%get3A_579] {strides = array<i32>} : memref<512xf32, #tpu.memory_space<vmem>>, vector<16xf32>,
        %get3A_581 = vector.shape_cast %get3A_580 : vector<16xf32> to vector<16xf32>
        %get3A_582 = arith.index_cast %add3A_220 : i32 to index
        %get3A_583 = arith.constant 480 : index
        %get3A_584 = tpu.vector_load %arg6[%get3A_582, %get3A_583] {strides = array<i32>} : memref<32x512xf32, #tpu.memory_space<vmem>>, vector<1x16xf32>,
        %get3A_585 = vector.shape_cast %get3A_584 : vector<1x16xf32> to vector<16xf32>
        %add3A_586 = arith.addf %get3A_581, %get3A_585 : vector<16xf32>
        %swap3A_587 = arith.constant 480 : index
        %swap3A_588 = tpu.vector_load %arg8[%swap3A_587] {strides = array<i32>} : memref<512xf32, #tpu.memory_space<vmem>>, vector<16xf32>,
        %swap3A_589 = vector.shape_cast %swap3A_588 : vector<16xf32> to vector<16xf32>
        %swap3A_590 = vector.shape_cast %add3A_586 : vector<16xf32> to vector<16xf32>
        tpu.vector_store %arg8[%swap3A_587], %swap3A_590 {strides = array<i32>} : memref<512xf32, #tpu.memory_space<vmem>>, vector<16xf32>,
        %get3A_591 = arith.constant 496 : index
        %get3A_592 = tpu.vector_load %arg8[%get3A_591] {strides = array<i32>} : memref<512xf32, #tpu.memory_space<vmem>>, vector<16xf32>,
        %get3A_593 = vector.shape_cast %get3A_592 : vector<16xf32> to vector<16xf32>
        %get3A_594 = arith.index_cast %add3A_220 : i32 to index
        %get3A_595 = arith.constant 496 : index
        %get3A_596 = tpu.vector_load %arg6[%get3A_594, %get3A_595] {strides = array<i32>} : memref<32x512xf32, #tpu.memory_space<vmem>>, vector<1x16xf32>,
        %get3A_597 = vector.shape_cast %get3A_596 : vector<1x16xf32> to vector<16xf32>
        %add3A_598 = arith.addf %get3A_593, %get3A_597 : vector<16xf32>
        %swap3A_599 = arith.constant 496 : index
        %swap3A_600 = tpu.vector_load %arg8[%swap3A_599] {strides = array<i32>} : memref<512xf32, #tpu.memory_space<vmem>>, vector<16xf32>,
        %swap3A_601 = vector.shape_cast %swap3A_600 : vector<16xf32> to vector<16xf32>
        %swap3A_602 = vector.shape_cast %add3A_598 : vector<16xf32> to vector<16xf32>
        tpu.vector_store %arg8[%swap3A_599], %swap3A_602 {strides = array<i32>} : memref<512xf32, #tpu.memory_space<vmem>>, vector<16xf32>,
      }
      %scan3A_179 = arith.constant 32 : i32
      %add3A_180 = arith.constant 4 : i32
      %add3A_181 = arith.addi %add3A_159, %add3A_180 : i32
      %lt3A_182 = arith.constant 16 : i32
      %lt3A_183 = arith.cmpi slt, %add3A_181, %lt3A_182 : i32
      %convert_element_type3A_184 = arith.extui %lt3A_183 : i1 to i32
      %cond3A_185 = arith.constant 0 : i32
      %cond3A_186 = arith.cmpi ne, %convert_element_type3A_184, %cond3A_185 : i32
      scf.if %cond3A_186 {
        %add3A_216 = arith.constant 4 : i32
        %add3A_217 = arith.addi %add3A_159, %add3A_216 : i32
        %mul3A_218 = arith.constant 32 : i32
        %mul3A_219 = arith.muli %add3A_217, %mul3A_218 : i32
        %add3A_220 = arith.addi %mul3A_34, %mul3A_219 : i32
        %dma_start3A_221 = arith.constant 0 : i32
        %dma_start3A_222 = tpu.memref_slice %arg2[%add3A_32, %add3A_220, %dma_start3A_221] : memref<64x1024x512xf32, #tpu.memory_space<hbm>> -> memref<1x32x512xf32, #tpu.memory_space<hbm>>
        %dma_start3A_223 = tpu.memref_squeeze %dma_start3A_222 : memref<1x32x512xf32, #tpu.memory_space<hbm>> -> memref<32x512xf32, #tpu.memory_space<hbm>>
        %dma_start3A_224 = arith.constant 0 : i32
        %dma_start3A_225 = tpu.memref_slice %arg2[%add3A_32, %add3A_220, %dma_start3A_224] : memref<64x1024x512xf32, #tpu.memory_space<hbm>> -> memref<1x32x512xf32, #tpu.memory_space<hbm>>
        %dma_start3A_226 = tpu.memref_squeeze %dma_start3A_225 : memref<1x32x512xf32, #tpu.memory_space<hbm>> -> memref<32x512xf32, #tpu.memory_space<hbm>>
        tpu.enqueue_dma source(%dma_start3A_226 : memref<32x512xf32, #tpu.memory_space<hbm>>) target(%arg6 : memref<32x512xf32, #tpu.memory_space<vmem>>) target_semaphore(%arg11 : memref<!tpu.dma_semaphore, #tpu.memory_space<semaphore_mem>>)
        %dma_start3A_227 = arith.constant 0 : i32
        %dma_start3A_228 = tpu.memref_slice %arg2[%add3A_32, %add3A_220, %dma_start3A_227] : memref<64x1024x512xf32, #tpu.memory_space<hbm>> -> memref<1x32x512xf32, #tpu.memory_space<hbm>>
        %dma_start3A_229 = tpu.memref_squeeze %dma_start3A_228 : memref<1x32x512xf32, #tpu.memory_space<hbm>> -> memref<32x512xf32, #tpu.memory_space<hbm>>
        %dma_start3A_230 = arith.constant 0 : i32
        %dma_start3A_231 = tpu.memref_slice %arg2[%add3A_32, %add3A_220, %dma_start3A_230] : memref<64x1024x512xf32, #tpu.memory_space<hbm>> -> memref<1x32x512xf32, #tpu.memory_space<hbm>>
        %dma_start3A_232 = tpu.memref_squeeze %dma_start3A_231 : memref<1x32x512xf32, #tpu.memory_space<hbm>> -> memref<32x512xf32, #tpu.memory_space<hbm>>
        tpu.enqueue_dma source(%dma_start3A_232 : memref<32x512xf32, #tpu.memory_space<hbm>>) target(%arg6 : memref<32x512xf32, #tpu.memory_space<vmem>>) target_semaphore(%arg11 : memref<!tpu.dma_semaphore, #tpu.memory_space<semaphore_mem>>)
      } else {
      }
      %add3A_187 = arith.constant 3 : i32
      %add3A_188 = arith.addi %mul3A_102, %add3A_187 : i32
      %mul3A_189 = arith.constant 32 : i32
      %mul3A_190 = arith.muli %add3A_188, %mul3A_189 : i32
      %add3A_191 = arith.addi %mul3A_34, %mul3A_190 : i32
      %dma_start3A_192 = arith.constant 0 : i32
      %dma_start3A_193 = tpu.memref_slice %arg2[%add3A_32, %add3A_191, %dma_start3A_192] : memref<64x1024x512xf32, #tpu.memory_space<hbm>> -> memref<1x32x512xf32, #tpu.memory_space<hbm>>
      %dma_start3A_194 = tpu.memref_squeeze %dma_start3A_193 : memref<1x32x512xf32, #tpu.memory_space<hbm>> -> memref<32x512xf32, #tpu.memory_space<hbm>>
      %dma_start3A_195 = arith.constant 0 : i32
      %dma_start3A_196 = tpu.memref_slice %arg2[%add3A_32, %add3A_191, %dma_start3A_195] : memref<64x1024x512xf32, #tpu.memory_space<hbm>> -> memref<1x32x512xf32, #tpu.memory_space<hbm>>
      %dma_start3A_197 = tpu.memref_squeeze %dma_start3A_196 : memref<1x32x512xf32, #tpu.memory_space<hbm>> -> memref<32x512xf32, #tpu.memory_space<hbm>>
      tpu.enqueue_dma source(%dma_start3A_197 : memref<32x512xf32, #tpu.memory_space<hbm>>) target(%arg7 : memref<32x512xf32, #tpu.memory_space<vmem>>) target_semaphore(%arg12 : memref<!tpu.dma_semaphore, #tpu.memory_space<semaphore_mem>>)
      %dma_wait3A_198 = arith.constant 0 : i32
      %dma_wait3A_199 = tpu.memref_slice %arg2[%add3A_32, %add3A_191, %dma_wait3A_198] : memref<64x1024x512xf32, #tpu.memory_space<hbm>> -> memref<1x32x512xf32, #tpu.memory_space<hbm>>
      %dma_wait3A_200 = tpu.memref_squeeze %dma_wait3A_199 : memref<1x32x512xf32, #tpu.memory_space<hbm>> -> memref<32x512xf32, #tpu.memory_space<hbm>>
      %dma_wait3A_201 = arith.constant 0 : i32
      %dma_wait3A_202 = tpu.memref_slice %arg2[%add3A_32, %add3A_191, %dma_wait3A_201] : memref<64x1024x512xf32, #tpu.memory_space<hbm>> -> memref<1x32x512xf32, #tpu.memory_space<hbm>>
      %dma_wait3A_203 = tpu.memref_squeeze %dma_wait3A_202 : memref<1x32x512xf32, #tpu.memory_space<hbm>> -> memref<32x512xf32, #tpu.memory_space<hbm>>
      tpu.wait_dma2 semaphore(%arg12 : memref<!tpu.dma_semaphore, #tpu.memory_space<semaphore_mem>>) src(%dma_wait3A_203 : memref<32x512xf32, #tpu.memory_space<hbm>>) dst(%arg7 : memref<32x512xf32, #tpu.memory_space<vmem>>)
      %scan3A_204 = arith.constant 0 : i32
      %scan3A_205 = arith.constant 32 : i32
      %scan3A_206 = arith.addi %scan3A_204, %scan3A_205 : i32
      %scan3A_207 = arith.constant 1 : i32
      scf.for %scan3A_216 = %scan3A_204 to %scan3A_206 step %scan3A_207  : i32 {
        %mul3A_217 = arith.constant 1 : i32
        %mul3A_218 = arith.muli %scan3A_216, %mul3A_217 : i32
        %add3A_219 = arith.constant 0 : i32
        %add3A_220 = arith.addi %add3A_219, %mul3A_218 : i32
        %get3A = arith.constant 0 : index
        %get3A_221 = tpu.vector_load %arg8[%get3A] {strides = array<i32>} : memref<512xf32, #tpu.memory_space<vmem>>, vector<16xf32>,
        %get3A_222 = vector.shape_cast %get3A_221 : vector<16xf32> to vector<16xf32>
        %get3A_223 = arith.index_cast %add3A_220 : i32 to index
        %get3A_224 = arith.constant 0 : index
        %get3A_225 = tpu.vector_load %arg7[%get3A_223, %get3A_224] {strides = array<i32>} : memref<32x512xf32, #tpu.memory_space<vmem>>, vector<1x16xf32>,
        %get3A_226 = vector.shape_cast %get3A_225 : vector<1x16xf32> to vector<16xf32>
        %add3A_227 = arith.addf %get3A_222, %get3A_226 : vector<16xf32>
        %swap3A = arith.constant 0 : index
        %swap3A_228 = tpu.vector_load %arg8[%swap3A] {strides = array<i32>} : memref<512xf32, #tpu.memory_space<vmem>>, vector<16xf32>,
        %swap3A_229 = vector.shape_cast %swap3A_228 : vector<16xf32> to vector<16xf32>
        %swap3A_230 = vector.shape_cast %add3A_227 : vector<16xf32> to vector<16xf32>
        tpu.vector_store %arg8[%swap3A], %swap3A_230 {strides = array<i32>} : memref<512xf32, #tpu.memory_space<vmem>>, vector<16xf32>,
        %get3A_231 = arith.constant 16 : index
        %get3A_232 = tpu.vector_load %arg8[%get3A_231] {strides = array<i32>} : memref<512xf32, #tpu.memory_space<vmem>>, vector<16xf32>,
        %get3A_233 = vector.shape_cast %get3A_232 : vector<16xf32> to vector<16xf32>
        %get3A_234 = arith.index_cast %add3A_220 : i32 to index
        %get3A_235 = arith.constant 16 : index
        %get3A_236 = tpu.vector_load %arg7[%get3A_234, %get3A_235] {strides = array<i32>} : memref<32x512xf32, #tpu.memory_space<vmem>>, vector<1x16xf32>,
        %get3A_237 = vector.shape_cast %get3A_236 : vector<1x16xf32> to vector<16xf32>
        %add3A_238 = arith.addf %get3A_233, %get3A_237 : vector<16xf32>
        %swap3A_239 = arith.constant 16 : index
        %swap3A_240 = tpu.vector_load %arg8[%swap3A_239] {strides = array<i32>} : memref<512xf32, #tpu.memory_space<vmem>>, vector<16xf32>,
        %swap3A_241 = vector.shape_cast %swap3A_240 : vector<16xf32> to vector<16xf32>
        %swap3A_242 = vector.shape_cast %add3A_238 : vector<16xf32> to vector<16xf32>
        tpu.vector_store %arg8[%swap3A_239], %swap3A_242 {strides = array<i32>} : memref<512xf32, #tpu.memory_space<vmem>>, vector<16xf32>,
        %get3A_243 = arith.constant 32 : index
        %get3A_244 = tpu.vector_load %arg8[%get3A_243] {strides = array<i32>} : memref<512xf32, #tpu.memory_space<vmem>>, vector<16xf32>,
        %get3A_245 = vector.shape_cast %get3A_244 : vector<16xf32> to vector<16xf32>
        %get3A_246 = arith.index_cast %add3A_220 : i32 to index
        %get3A_247 = arith.constant 32 : index
        %get3A_248 = tpu.vector_load %arg7[%get3A_246, %get3A_247] {strides = array<i32>} : memref<32x512xf32, #tpu.memory_space<vmem>>, vector<1x16xf32>,
        %get3A_249 = vector.shape_cast %get3A_248 : vector<1x16xf32> to vector<16xf32>
        %add3A_250 = arith.addf %get3A_245, %get3A_249 : vector<16xf32>
        %swap3A_251 = arith.constant 32 : index
        %swap3A_252 = tpu.vector_load %arg8[%swap3A_251] {strides = array<i32>} : memref<512xf32, #tpu.memory_space<vmem>>, vector<16xf32>,
        %swap3A_253 = vector.shape_cast %swap3A_252 : vector<16xf32> to vector<16xf32>
        %swap3A_254 = vector.shape_cast %add3A_250 : vector<16xf32> to vector<16xf32>
        tpu.vector_store %arg8[%swap3A_251], %swap3A_254 {strides = array<i32>} : memref<512xf32, #tpu.memory_space<vmem>>, vector<16xf32>,
        %get3A_255 = arith.constant 48 : index
        %get3A_256 = tpu.vector_load %arg8[%get3A_255] {strides = array<i32>} : memref<512xf32, #tpu.memory_space<vmem>>, vector<16xf32>,
        %get3A_257 = vector.shape_cast %get3A_256 : vector<16xf32> to vector<16xf32>
        %get3A_258 = arith.index_cast %add3A_220 : i32 to index
        %get3A_259 = arith.constant 48 : index
        %get3A_260 = tpu.vector_load %arg7[%get3A_258, %get3A_259] {strides = array<i32>} : memref<32x512xf32, #tpu.memory_space<vmem>>, vector<1x16xf32>,
        %get3A_261 = vector.shape_cast %get3A_260 : vector<1x16xf32> to vector<16xf32>
        %add3A_262 = arith.addf %get3A_257, %get3A_261 : vector<16xf32>
        %swap3A_263 = arith.constant 48 : index
        %swap3A_264 = tpu.vector_load %arg8[%swap3A_263] {strides = array<i32>} : memref<512xf32, #tpu.memory_space<vmem>>, vector<16xf32>,
        %swap3A_265 = vector.shape_cast %swap3A_264 : vector<16xf32> to vector<16xf32>
        %swap3A_266 = vector.shape_cast %add3A_262 : vector<16xf32> to vector<16xf32>
        tpu.vector_store %arg8[%swap3A_263], %swap3A_266 {strides = array<i32>} : memref<512xf32, #tpu.memory_space<vmem>>, vector<16xf32>,
        %get3A_267 = arith.constant 64 : index
        %get3A_268 = tpu.vector_load %arg8[%get3A_267] {strides = array<i32>} : memref<512xf32, #tpu.memory_space<vmem>>, vector<16xf32>,
        %get3A_269 = vector.shape_cast %get3A_268 : vector<16xf32> to vector<16xf32>
        %get3A_270 = arith.index_cast %add3A_220 : i32 to index
        %get3A_271 = arith.constant 64 : index
        %get3A_272 = tpu.vector_load %arg7[%get3A_270, %get3A_271] {strides = array<i32>} : memref<32x512xf32, #tpu.memory_space<vmem>>, vector<1x16xf32>,
        %get3A_273 = vector.shape_cast %get3A_272 : vector<1x16xf32> to vector<16xf32>
        %add3A_274 = arith.addf %get3A_269, %get3A_273 : vector<16xf32>
        %swap3A_275 = arith.constant 64 : index
        %swap3A_276 = tpu.vector_load %arg8[%swap3A_275] {strides = array<i32>} : memref<512xf32, #tpu.memory_space<vmem>>, vector<16xf32>,
        %swap3A_277 = vector.shape_cast %swap3A_276 : vector<16xf32> to vector<16xf32>
        %swap3A_278 = vector.shape_cast %add3A_274 : vector<16xf32> to vector<16xf32>
        tpu.vector_store %arg8[%swap3A_275], %swap3A_278 {strides = array<i32>} : memref<512xf32, #tpu.memory_space<vmem>>, vector<16xf32>,
        %get3A_279 = arith.constant 80 : index
        %get3A_280 = tpu.vector_load %arg8[%get3A_279] {strides = array<i32>} : memref<512xf32, #tpu.memory_space<vmem>>, vector<16xf32>,
        %get3A_281 = vector.shape_cast %get3A_280 : vector<16xf32> to vector<16xf32>
        %get3A_282 = arith.index_cast %add3A_220 : i32 to index
        %get3A_283 = arith.constant 80 : index
        %get3A_284 = tpu.vector_load %arg7[%get3A_282, %get3A_283] {strides = array<i32>} : memref<32x512xf32, #tpu.memory_space<vmem>>, vector<1x16xf32>,
        %get3A_285 = vector.shape_cast %get3A_284 : vector<1x16xf32> to vector<16xf32>
        %add3A_286 = arith.addf %get3A_281, %get3A_285 : vector<16xf32>
        %swap3A_287 = arith.constant 80 : index
        %swap3A_288 = tpu.vector_load %arg8[%swap3A_287] {strides = array<i32>} : memref<512xf32, #tpu.memory_space<vmem>>, vector<16xf32>,
        %swap3A_289 = vector.shape_cast %swap3A_288 : vector<16xf32> to vector<16xf32>
        %swap3A_290 = vector.shape_cast %add3A_286 : vector<16xf32> to vector<16xf32>
        tpu.vector_store %arg8[%swap3A_287], %swap3A_290 {strides = array<i32>} : memref<512xf32, #tpu.memory_space<vmem>>, vector<16xf32>,
        %get3A_291 = arith.constant 96 : index
        %get3A_292 = tpu.vector_load %arg8[%get3A_291] {strides = array<i32>} : memref<512xf32, #tpu.memory_space<vmem>>, vector<16xf32>,
        %get3A_293 = vector.shape_cast %get3A_292 : vector<16xf32> to vector<16xf32>
        %get3A_294 = arith.index_cast %add3A_220 : i32 to index
        %get3A_295 = arith.constant 96 : index
        %get3A_296 = tpu.vector_load %arg7[%get3A_294, %get3A_295] {strides = array<i32>} : memref<32x512xf32, #tpu.memory_space<vmem>>, vector<1x16xf32>,
        %get3A_297 = vector.shape_cast %get3A_296 : vector<1x16xf32> to vector<16xf32>
        %add3A_298 = arith.addf %get3A_293, %get3A_297 : vector<16xf32>
        %swap3A_299 = arith.constant 96 : index
        %swap3A_300 = tpu.vector_load %arg8[%swap3A_299] {strides = array<i32>} : memref<512xf32, #tpu.memory_space<vmem>>, vector<16xf32>,
        %swap3A_301 = vector.shape_cast %swap3A_300 : vector<16xf32> to vector<16xf32>
        %swap3A_302 = vector.shape_cast %add3A_298 : vector<16xf32> to vector<16xf32>
        tpu.vector_store %arg8[%swap3A_299], %swap3A_302 {strides = array<i32>} : memref<512xf32, #tpu.memory_space<vmem>>, vector<16xf32>,
        %get3A_303 = arith.constant 112 : index
        %get3A_304 = tpu.vector_load %arg8[%get3A_303] {strides = array<i32>} : memref<512xf32, #tpu.memory_space<vmem>>, vector<16xf32>,
        %get3A_305 = vector.shape_cast %get3A_304 : vector<16xf32> to vector<16xf32>
        %get3A_306 = arith.index_cast %add3A_220 : i32 to index
        %get3A_307 = arith.constant 112 : index
        %get3A_308 = tpu.vector_load %arg7[%get3A_306, %get3A_307] {strides = array<i32>} : memref<32x512xf32, #tpu.memory_space<vmem>>, vector<1x16xf32>,
        %get3A_309 = vector.shape_cast %get3A_308 : vector<1x16xf32> to vector<16xf32>
        %add3A_310 = arith.addf %get3A_305, %get3A_309 : vector<16xf32>
        %swap3A_311 = arith.constant 112 : index
        %swap3A_312 = tpu.vector_load %arg8[%swap3A_311] {strides = array<i32>} : memref<512xf32, #tpu.memory_space<vmem>>, vector<16xf32>,
        %swap3A_313 = vector.shape_cast %swap3A_312 : vector<16xf32> to vector<16xf32>
        %swap3A_314 = vector.shape_cast %add3A_310 : vector<16xf32> to vector<16xf32>
        tpu.vector_store %arg8[%swap3A_311], %swap3A_314 {strides = array<i32>} : memref<512xf32, #tpu.memory_space<vmem>>, vector<16xf32>,
        %get3A_315 = arith.constant 128 : index
        %get3A_316 = tpu.vector_load %arg8[%get3A_315] {strides = array<i32>} : memref<512xf32, #tpu.memory_space<vmem>>, vector<16xf32>,
        %get3A_317 = vector.shape_cast %get3A_316 : vector<16xf32> to vector<16xf32>
        %get3A_318 = arith.index_cast %add3A_220 : i32 to index
        %get3A_319 = arith.constant 128 : index
        %get3A_320 = tpu.vector_load %arg7[%get3A_318, %get3A_319] {strides = array<i32>} : memref<32x512xf32, #tpu.memory_space<vmem>>, vector<1x16xf32>,
        %get3A_321 = vector.shape_cast %get3A_320 : vector<1x16xf32> to vector<16xf32>
        %add3A_322 = arith.addf %get3A_317, %get3A_321 : vector<16xf32>
        %swap3A_323 = arith.constant 128 : index
        %swap3A_324 = tpu.vector_load %arg8[%swap3A_323] {strides = array<i32>} : memref<512xf32, #tpu.memory_space<vmem>>, vector<16xf32>,
        %swap3A_325 = vector.shape_cast %swap3A_324 : vector<16xf32> to vector<16xf32>
        %swap3A_326 = vector.shape_cast %add3A_322 : vector<16xf32> to vector<16xf32>
        tpu.vector_store %arg8[%swap3A_323], %swap3A_326 {strides = array<i32>} : memref<512xf32, #tpu.memory_space<vmem>>, vector<16xf32>,
        %get3A_327 = arith.constant 144 : index
        %get3A_328 = tpu.vector_load %arg8[%get3A_327] {strides = array<i32>} : memref<512xf32, #tpu.memory_space<vmem>>, vector<16xf32>,
        %get3A_329 = vector.shape_cast %get3A_328 : vector<16xf32> to vector<16xf32>
        %get3A_330 = arith.index_cast %add3A_220 : i32 to index
        %get3A_331 = arith.constant 144 : index
        %get3A_332 = tpu.vector_load %arg7[%get3A_330, %get3A_331] {strides = array<i32>} : memref<32x512xf32, #tpu.memory_space<vmem>>, vector<1x16xf32>,
        %get3A_333 = vector.shape_cast %get3A_332 : vector<1x16xf32> to vector<16xf32>
        %add3A_334 = arith.addf %get3A_329, %get3A_333 : vector<16xf32>
        %swap3A_335 = arith.constant 144 : index
        %swap3A_336 = tpu.vector_load %arg8[%swap3A_335] {strides = array<i32>} : memref<512xf32, #tpu.memory_space<vmem>>, vector<16xf32>,
        %swap3A_337 = vector.shape_cast %swap3A_336 : vector<16xf32> to vector<16xf32>
        %swap3A_338 = vector.shape_cast %add3A_334 : vector<16xf32> to vector<16xf32>
        tpu.vector_store %arg8[%swap3A_335], %swap3A_338 {strides = array<i32>} : memref<512xf32, #tpu.memory_space<vmem>>, vector<16xf32>,
        %get3A_339 = arith.constant 160 : index
        %get3A_340 = tpu.vector_load %arg8[%get3A_339] {strides = array<i32>} : memref<512xf32, #tpu.memory_space<vmem>>, vector<16xf32>,
        %get3A_341 = vector.shape_cast %get3A_340 : vector<16xf32> to vector<16xf32>
        %get3A_342 = arith.index_cast %add3A_220 : i32 to index
        %get3A_343 = arith.constant 160 : index
        %get3A_344 = tpu.vector_load %arg7[%get3A_342, %get3A_343] {strides = array<i32>} : memref<32x512xf32, #tpu.memory_space<vmem>>, vector<1x16xf32>,
        %get3A_345 = vector.shape_cast %get3A_344 : vector<1x16xf32> to vector<16xf32>
        %add3A_346 = arith.addf %get3A_341, %get3A_345 : vector<16xf32>
        %swap3A_347 = arith.constant 160 : index
        %swap3A_348 = tpu.vector_load %arg8[%swap3A_347] {strides = array<i32>} : memref<512xf32, #tpu.memory_space<vmem>>, vector<16xf32>,
        %swap3A_349 = vector.shape_cast %swap3A_348 : vector<16xf32> to vector<16xf32>
        %swap3A_350 = vector.shape_cast %add3A_346 : vector<16xf32> to vector<16xf32>
        tpu.vector_store %arg8[%swap3A_347], %swap3A_350 {strides = array<i32>} : memref<512xf32, #tpu.memory_space<vmem>>, vector<16xf32>,
        %get3A_351 = arith.constant 176 : index
        %get3A_352 = tpu.vector_load %arg8[%get3A_351] {strides = array<i32>} : memref<512xf32, #tpu.memory_space<vmem>>, vector<16xf32>,
        %get3A_353 = vector.shape_cast %get3A_352 : vector<16xf32> to vector<16xf32>
        %get3A_354 = arith.index_cast %add3A_220 : i32 to index
        %get3A_355 = arith.constant 176 : index
        %get3A_356 = tpu.vector_load %arg7[%get3A_354, %get3A_355] {strides = array<i32>} : memref<32x512xf32, #tpu.memory_space<vmem>>, vector<1x16xf32>,
        %get3A_357 = vector.shape_cast %get3A_356 : vector<1x16xf32> to vector<16xf32>
        %add3A_358 = arith.addf %get3A_353, %get3A_357 : vector<16xf32>
        %swap3A_359 = arith.constant 176 : index
        %swap3A_360 = tpu.vector_load %arg8[%swap3A_359] {strides = array<i32>} : memref<512xf32, #tpu.memory_space<vmem>>, vector<16xf32>,
        %swap3A_361 = vector.shape_cast %swap3A_360 : vector<16xf32> to vector<16xf32>
        %swap3A_362 = vector.shape_cast %add3A_358 : vector<16xf32> to vector<16xf32>
        tpu.vector_store %arg8[%swap3A_359], %swap3A_362 {strides = array<i32>} : memref<512xf32, #tpu.memory_space<vmem>>, vector<16xf32>,
        %get3A_363 = arith.constant 192 : index
        %get3A_364 = tpu.vector_load %arg8[%get3A_363] {strides = array<i32>} : memref<512xf32, #tpu.memory_space<vmem>>, vector<16xf32>,
        %get3A_365 = vector.shape_cast %get3A_364 : vector<16xf32> to vector<16xf32>
        %get3A_366 = arith.index_cast %add3A_220 : i32 to index
        %get3A_367 = arith.constant 192 : index
        %get3A_368 = tpu.vector_load %arg7[%get3A_366, %get3A_367] {strides = array<i32>} : memref<32x512xf32, #tpu.memory_space<vmem>>, vector<1x16xf32>,
        %get3A_369 = vector.shape_cast %get3A_368 : vector<1x16xf32> to vector<16xf32>
        %add3A_370 = arith.addf %get3A_365, %get3A_369 : vector<16xf32>
        %swap3A_371 = arith.constant 192 : index
        %swap3A_372 = tpu.vector_load %arg8[%swap3A_371] {strides = array<i32>} : memref<512xf32, #tpu.memory_space<vmem>>, vector<16xf32>,
        %swap3A_373 = vector.shape_cast %swap3A_372 : vector<16xf32> to vector<16xf32>
        %swap3A_374 = vector.shape_cast %add3A_370 : vector<16xf32> to vector<16xf32>
        tpu.vector_store %arg8[%swap3A_371], %swap3A_374 {strides = array<i32>} : memref<512xf32, #tpu.memory_space<vmem>>, vector<16xf32>,
        %get3A_375 = arith.constant 208 : index
        %get3A_376 = tpu.vector_load %arg8[%get3A_375] {strides = array<i32>} : memref<512xf32, #tpu.memory_space<vmem>>, vector<16xf32>,
        %get3A_377 = vector.shape_cast %get3A_376 : vector<16xf32> to vector<16xf32>
        %get3A_378 = arith.index_cast %add3A_220 : i32 to index
        %get3A_379 = arith.constant 208 : index
        %get3A_380 = tpu.vector_load %arg7[%get3A_378, %get3A_379] {strides = array<i32>} : memref<32x512xf32, #tpu.memory_space<vmem>>, vector<1x16xf32>,
        %get3A_381 = vector.shape_cast %get3A_380 : vector<1x16xf32> to vector<16xf32>
        %add3A_382 = arith.addf %get3A_377, %get3A_381 : vector<16xf32>
        %swap3A_383 = arith.constant 208 : index
        %swap3A_384 = tpu.vector_load %arg8[%swap3A_383] {strides = array<i32>} : memref<512xf32, #tpu.memory_space<vmem>>, vector<16xf32>,
        %swap3A_385 = vector.shape_cast %swap3A_384 : vector<16xf32> to vector<16xf32>
        %swap3A_386 = vector.shape_cast %add3A_382 : vector<16xf32> to vector<16xf32>
        tpu.vector_store %arg8[%swap3A_383], %swap3A_386 {strides = array<i32>} : memref<512xf32, #tpu.memory_space<vmem>>, vector<16xf32>,
        %get3A_387 = arith.constant 224 : index
        %get3A_388 = tpu.vector_load %arg8[%get3A_387] {strides = array<i32>} : memref<512xf32, #tpu.memory_space<vmem>>, vector<16xf32>,
        %get3A_389 = vector.shape_cast %get3A_388 : vector<16xf32> to vector<16xf32>
        %get3A_390 = arith.index_cast %add3A_220 : i32 to index
        %get3A_391 = arith.constant 224 : index
        %get3A_392 = tpu.vector_load %arg7[%get3A_390, %get3A_391] {strides = array<i32>} : memref<32x512xf32, #tpu.memory_space<vmem>>, vector<1x16xf32>,
        %get3A_393 = vector.shape_cast %get3A_392 : vector<1x16xf32> to vector<16xf32>
        %add3A_394 = arith.addf %get3A_389, %get3A_393 : vector<16xf32>
        %swap3A_395 = arith.constant 224 : index
        %swap3A_396 = tpu.vector_load %arg8[%swap3A_395] {strides = array<i32>} : memref<512xf32, #tpu.memory_space<vmem>>, vector<16xf32>,
        %swap3A_397 = vector.shape_cast %swap3A_396 : vector<16xf32> to vector<16xf32>
        %swap3A_398 = vector.shape_cast %add3A_394 : vector<16xf32> to vector<16xf32>
        tpu.vector_store %arg8[%swap3A_395], %swap3A_398 {strides = array<i32>} : memref<512xf32, #tpu.memory_space<vmem>>, vector<16xf32>,
        %get3A_399 = arith.constant 240 : index
        %get3A_400 = tpu.vector_load %arg8[%get3A_399] {strides = array<i32>} : memref<512xf32, #tpu.memory_space<vmem>>, vector<16xf32>,
        %get3A_401 = vector.shape_cast %get3A_400 : vector<16xf32> to vector<16xf32>
        %get3A_402 = arith.index_cast %add3A_220 : i32 to index
        %get3A_403 = arith.constant 240 : index
        %get3A_404 = tpu.vector_load %arg7[%get3A_402, %get3A_403] {strides = array<i32>} : memref<32x512xf32, #tpu.memory_space<vmem>>, vector<1x16xf32>,
        %get3A_405 = vector.shape_cast %get3A_404 : vector<1x16xf32> to vector<16xf32>
        %add3A_406 = arith.addf %get3A_401, %get3A_405 : vector<16xf32>
        %swap3A_407 = arith.constant 240 : index
        %swap3A_408 = tpu.vector_load %arg8[%swap3A_407] {strides = array<i32>} : memref<512xf32, #tpu.memory_space<vmem>>, vector<16xf32>,
        %swap3A_409 = vector.shape_cast %swap3A_408 : vector<16xf32> to vector<16xf32>
        %swap3A_410 = vector.shape_cast %add3A_406 : vector<16xf32> to vector<16xf32>
        tpu.vector_store %arg8[%swap3A_407], %swap3A_410 {strides = array<i32>} : memref<512xf32, #tpu.memory_space<vmem>>, vector<16xf32>,
        %get3A_411 = arith.constant 256 : index
        %get3A_412 = tpu.vector_load %arg8[%get3A_411] {strides = array<i32>} : memref<512xf32, #tpu.memory_space<vmem>>, vector<16xf32>,
        %get3A_413 = vector.shape_cast %get3A_412 : vector<16xf32> to vector<16xf32>
        %get3A_414 = arith.index_cast %add3A_220 : i32 to index
        %get3A_415 = arith.constant 256 : index
        %get3A_416 = tpu.vector_load %arg7[%get3A_414, %get3A_415] {strides = array<i32>} : memref<32x512xf32, #tpu.memory_space<vmem>>, vector<1x16xf32>,
        %get3A_417 = vector.shape_cast %get3A_416 : vector<1x16xf32> to vector<16xf32>
        %add3A_418 = arith.addf %get3A_413, %get3A_417 : vector<16xf32>
        %swap3A_419 = arith.constant 256 : index
        %swap3A_420 = tpu.vector_load %arg8[%swap3A_419] {strides = array<i32>} : memref<512xf32, #tpu.memory_space<vmem>>, vector<16xf32>,
        %swap3A_421 = vector.shape_cast %swap3A_420 : vector<16xf32> to vector<16xf32>
        %swap3A_422 = vector.shape_cast %add3A_418 : vector<16xf32> to vector<16xf32>
        tpu.vector_store %arg8[%swap3A_419], %swap3A_422 {strides = array<i32>} : memref<512xf32, #tpu.memory_space<vmem>>, vector<16xf32>,
        %get3A_423 = arith.constant 272 : index
        %get3A_424 = tpu.vector_load %arg8[%get3A_423] {strides = array<i32>} : memref<512xf32, #tpu.memory_space<vmem>>, vector<16xf32>,
        %get3A_425 = vector.shape_cast %get3A_424 : vector<16xf32> to vector<16xf32>
        %get3A_426 = arith.index_cast %add3A_220 : i32 to index
        %get3A_427 = arith.constant 272 : index
        %get3A_428 = tpu.vector_load %arg7[%get3A_426, %get3A_427] {strides = array<i32>} : memref<32x512xf32, #tpu.memory_space<vmem>>, vector<1x16xf32>,
        %get3A_429 = vector.shape_cast %get3A_428 : vector<1x16xf32> to vector<16xf32>
        %add3A_430 = arith.addf %get3A_425, %get3A_429 : vector<16xf32>
        %swap3A_431 = arith.constant 272 : index
        %swap3A_432 = tpu.vector_load %arg8[%swap3A_431] {strides = array<i32>} : memref<512xf32, #tpu.memory_space<vmem>>, vector<16xf32>,
        %swap3A_433 = vector.shape_cast %swap3A_432 : vector<16xf32> to vector<16xf32>
        %swap3A_434 = vector.shape_cast %add3A_430 : vector<16xf32> to vector<16xf32>
        tpu.vector_store %arg8[%swap3A_431], %swap3A_434 {strides = array<i32>} : memref<512xf32, #tpu.memory_space<vmem>>, vector<16xf32>,
        %get3A_435 = arith.constant 288 : index
        %get3A_436 = tpu.vector_load %arg8[%get3A_435] {strides = array<i32>} : memref<512xf32, #tpu.memory_space<vmem>>, vector<16xf32>,
        %get3A_437 = vector.shape_cast %get3A_436 : vector<16xf32> to vector<16xf32>
        %get3A_438 = arith.index_cast %add3A_220 : i32 to index
        %get3A_439 = arith.constant 288 : index
        %get3A_440 = tpu.vector_load %arg7[%get3A_438, %get3A_439] {strides = array<i32>} : memref<32x512xf32, #tpu.memory_space<vmem>>, vector<1x16xf32>,
        %get3A_441 = vector.shape_cast %get3A_440 : vector<1x16xf32> to vector<16xf32>
        %add3A_442 = arith.addf %get3A_437, %get3A_441 : vector<16xf32>
        %swap3A_443 = arith.constant 288 : index
        %swap3A_444 = tpu.vector_load %arg8[%swap3A_443] {strides = array<i32>} : memref<512xf32, #tpu.memory_space<vmem>>, vector<16xf32>,
        %swap3A_445 = vector.shape_cast %swap3A_444 : vector<16xf32> to vector<16xf32>
        %swap3A_446 = vector.shape_cast %add3A_442 : vector<16xf32> to vector<16xf32>
        tpu.vector_store %arg8[%swap3A_443], %swap3A_446 {strides = array<i32>} : memref<512xf32, #tpu.memory_space<vmem>>, vector<16xf32>,
        %get3A_447 = arith.constant 304 : index
        %get3A_448 = tpu.vector_load %arg8[%get3A_447] {strides = array<i32>} : memref<512xf32, #tpu.memory_space<vmem>>, vector<16xf32>,
        %get3A_449 = vector.shape_cast %get3A_448 : vector<16xf32> to vector<16xf32>
        %get3A_450 = arith.index_cast %add3A_220 : i32 to index
        %get3A_451 = arith.constant 304 : index
        %get3A_452 = tpu.vector_load %arg7[%get3A_450, %get3A_451] {strides = array<i32>} : memref<32x512xf32, #tpu.memory_space<vmem>>, vector<1x16xf32>,
        %get3A_453 = vector.shape_cast %get3A_452 : vector<1x16xf32> to vector<16xf32>
        %add3A_454 = arith.addf %get3A_449, %get3A_453 : vector<16xf32>
        %swap3A_455 = arith.constant 304 : index
        %swap3A_456 = tpu.vector_load %arg8[%swap3A_455] {strides = array<i32>} : memref<512xf32, #tpu.memory_space<vmem>>, vector<16xf32>,
        %swap3A_457 = vector.shape_cast %swap3A_456 : vector<16xf32> to vector<16xf32>
        %swap3A_458 = vector.shape_cast %add3A_454 : vector<16xf32> to vector<16xf32>
        tpu.vector_store %arg8[%swap3A_455], %swap3A_458 {strides = array<i32>} : memref<512xf32, #tpu.memory_space<vmem>>, vector<16xf32>,
        %get3A_459 = arith.constant 320 : index
        %get3A_460 = tpu.vector_load %arg8[%get3A_459] {strides = array<i32>} : memref<512xf32, #tpu.memory_space<vmem>>, vector<16xf32>,
        %get3A_461 = vector.shape_cast %get3A_460 : vector<16xf32> to vector<16xf32>
        %get3A_462 = arith.index_cast %add3A_220 : i32 to index
        %get3A_463 = arith.constant 320 : index
        %get3A_464 = tpu.vector_load %arg7[%get3A_462, %get3A_463] {strides = array<i32>} : memref<32x512xf32, #tpu.memory_space<vmem>>, vector<1x16xf32>,
        %get3A_465 = vector.shape_cast %get3A_464 : vector<1x16xf32> to vector<16xf32>
        %add3A_466 = arith.addf %get3A_461, %get3A_465 : vector<16xf32>
        %swap3A_467 = arith.constant 320 : index
        %swap3A_468 = tpu.vector_load %arg8[%swap3A_467] {strides = array<i32>} : memref<512xf32, #tpu.memory_space<vmem>>, vector<16xf32>,
        %swap3A_469 = vector.shape_cast %swap3A_468 : vector<16xf32> to vector<16xf32>
        %swap3A_470 = vector.shape_cast %add3A_466 : vector<16xf32> to vector<16xf32>
        tpu.vector_store %arg8[%swap3A_467], %swap3A_470 {strides = array<i32>} : memref<512xf32, #tpu.memory_space<vmem>>, vector<16xf32>,
        %get3A_471 = arith.constant 336 : index
        %get3A_472 = tpu.vector_load %arg8[%get3A_471] {strides = array<i32>} : memref<512xf32, #tpu.memory_space<vmem>>, vector<16xf32>,
        %get3A_473 = vector.shape_cast %get3A_472 : vector<16xf32> to vector<16xf32>
        %get3A_474 = arith.index_cast %add3A_220 : i32 to index
        %get3A_475 = arith.constant 336 : index
        %get3A_476 = tpu.vector_load %arg7[%get3A_474, %get3A_475] {strides = array<i32>} : memref<32x512xf32, #tpu.memory_space<vmem>>, vector<1x16xf32>,
        %get3A_477 = vector.shape_cast %get3A_476 : vector<1x16xf32> to vector<16xf32>
        %add3A_478 = arith.addf %get3A_473, %get3A_477 : vector<16xf32>
        %swap3A_479 = arith.constant 336 : index
        %swap3A_480 = tpu.vector_load %arg8[%swap3A_479] {strides = array<i32>} : memref<512xf32, #tpu.memory_space<vmem>>, vector<16xf32>,
        %swap3A_481 = vector.shape_cast %swap3A_480 : vector<16xf32> to vector<16xf32>
        %swap3A_482 = vector.shape_cast %add3A_478 : vector<16xf32> to vector<16xf32>
        tpu.vector_store %arg8[%swap3A_479], %swap3A_482 {strides = array<i32>} : memref<512xf32, #tpu.memory_space<vmem>>, vector<16xf32>,
        %get3A_483 = arith.constant 352 : index
        %get3A_484 = tpu.vector_load %arg8[%get3A_483] {strides = array<i32>} : memref<512xf32, #tpu.memory_space<vmem>>, vector<16xf32>,
        %get3A_485 = vector.shape_cast %get3A_484 : vector<16xf32> to vector<16xf32>
        %get3A_486 = arith.index_cast %add3A_220 : i32 to index
        %get3A_487 = arith.constant 352 : index
        %get3A_488 = tpu.vector_load %arg7[%get3A_486, %get3A_487] {strides = array<i32>} : memref<32x512xf32, #tpu.memory_space<vmem>>, vector<1x16xf32>,
        %get3A_489 = vector.shape_cast %get3A_488 : vector<1x16xf32> to vector<16xf32>
        %add3A_490 = arith.addf %get3A_485, %get3A_489 : vector<16xf32>
        %swap3A_491 = arith.constant 352 : index
        %swap3A_492 = tpu.vector_load %arg8[%swap3A_491] {strides = array<i32>} : memref<512xf32, #tpu.memory_space<vmem>>, vector<16xf32>,
        %swap3A_493 = vector.shape_cast %swap3A_492 : vector<16xf32> to vector<16xf32>
        %swap3A_494 = vector.shape_cast %add3A_490 : vector<16xf32> to vector<16xf32>
        tpu.vector_store %arg8[%swap3A_491], %swap3A_494 {strides = array<i32>} : memref<512xf32, #tpu.memory_space<vmem>>, vector<16xf32>,
        %get3A_495 = arith.constant 368 : index
        %get3A_496 = tpu.vector_load %arg8[%get3A_495] {strides = array<i32>} : memref<512xf32, #tpu.memory_space<vmem>>, vector<16xf32>,
        %get3A_497 = vector.shape_cast %get3A_496 : vector<16xf32> to vector<16xf32>
        %get3A_498 = arith.index_cast %add3A_220 : i32 to index
        %get3A_499 = arith.constant 368 : index
        %get3A_500 = tpu.vector_load %arg7[%get3A_498, %get3A_499] {strides = array<i32>} : memref<32x512xf32, #tpu.memory_space<vmem>>, vector<1x16xf32>,
        %get3A_501 = vector.shape_cast %get3A_500 : vector<1x16xf32> to vector<16xf32>
        %add3A_502 = arith.addf %get3A_497, %get3A_501 : vector<16xf32>
        %swap3A_503 = arith.constant 368 : index
        %swap3A_504 = tpu.vector_load %arg8[%swap3A_503] {strides = array<i32>} : memref<512xf32, #tpu.memory_space<vmem>>, vector<16xf32>,
        %swap3A_505 = vector.shape_cast %swap3A_504 : vector<16xf32> to vector<16xf32>
        %swap3A_506 = vector.shape_cast %add3A_502 : vector<16xf32> to vector<16xf32>
        tpu.vector_store %arg8[%swap3A_503], %swap3A_506 {strides = array<i32>} : memref<512xf32, #tpu.memory_space<vmem>>, vector<16xf32>,
        %get3A_507 = arith.constant 384 : index
        %get3A_508 = tpu.vector_load %arg8[%get3A_507] {strides = array<i32>} : memref<512xf32, #tpu.memory_space<vmem>>, vector<16xf32>,
        %get3A_509 = vector.shape_cast %get3A_508 : vector<16xf32> to vector<16xf32>
        %get3A_510 = arith.index_cast %add3A_220 : i32 to index
        %get3A_511 = arith.constant 384 : index
        %get3A_512 = tpu.vector_load %arg7[%get3A_510, %get3A_511] {strides = array<i32>} : memref<32x512xf32, #tpu.memory_space<vmem>>, vector<1x16xf32>,
        %get3A_513 = vector.shape_cast %get3A_512 : vector<1x16xf32> to vector<16xf32>
        %add3A_514 = arith.addf %get3A_509, %get3A_513 : vector<16xf32>
        %swap3A_515 = arith.constant 384 : index
        %swap3A_516 = tpu.vector_load %arg8[%swap3A_515] {strides = array<i32>} : memref<512xf32, #tpu.memory_space<vmem>>, vector<16xf32>,
        %swap3A_517 = vector.shape_cast %swap3A_516 : vector<16xf32> to vector<16xf32>
        %swap3A_518 = vector.shape_cast %add3A_514 : vector<16xf32> to vector<16xf32>
        tpu.vector_store %arg8[%swap3A_515], %swap3A_518 {strides = array<i32>} : memref<512xf32, #tpu.memory_space<vmem>>, vector<16xf32>,
        %get3A_519 = arith.constant 400 : index
        %get3A_520 = tpu.vector_load %arg8[%get3A_519] {strides = array<i32>} : memref<512xf32, #tpu.memory_space<vmem>>, vector<16xf32>,
        %get3A_521 = vector.shape_cast %get3A_520 : vector<16xf32> to vector<16xf32>
        %get3A_522 = arith.index_cast %add3A_220 : i32 to index
        %get3A_523 = arith.constant 400 : index
        %get3A_524 = tpu.vector_load %arg7[%get3A_522, %get3A_523] {strides = array<i32>} : memref<32x512xf32, #tpu.memory_space<vmem>>, vector<1x16xf32>,
        %get3A_525 = vector.shape_cast %get3A_524 : vector<1x16xf32> to vector<16xf32>
        %add3A_526 = arith.addf %get3A_521, %get3A_525 : vector<16xf32>
        %swap3A_527 = arith.constant 400 : index
        %swap3A_528 = tpu.vector_load %arg8[%swap3A_527] {strides = array<i32>} : memref<512xf32, #tpu.memory_space<vmem>>, vector<16xf32>,
        %swap3A_529 = vector.shape_cast %swap3A_528 : vector<16xf32> to vector<16xf32>
        %swap3A_530 = vector.shape_cast %add3A_526 : vector<16xf32> to vector<16xf32>
        tpu.vector_store %arg8[%swap3A_527], %swap3A_530 {strides = array<i32>} : memref<512xf32, #tpu.memory_space<vmem>>, vector<16xf32>,
        %get3A_531 = arith.constant 416 : index
        %get3A_532 = tpu.vector_load %arg8[%get3A_531] {strides = array<i32>} : memref<512xf32, #tpu.memory_space<vmem>>, vector<16xf32>,
        %get3A_533 = vector.shape_cast %get3A_532 : vector<16xf32> to vector<16xf32>
        %get3A_534 = arith.index_cast %add3A_220 : i32 to index
        %get3A_535 = arith.constant 416 : index
        %get3A_536 = tpu.vector_load %arg7[%get3A_534, %get3A_535] {strides = array<i32>} : memref<32x512xf32, #tpu.memory_space<vmem>>, vector<1x16xf32>,
        %get3A_537 = vector.shape_cast %get3A_536 : vector<1x16xf32> to vector<16xf32>
        %add3A_538 = arith.addf %get3A_533, %get3A_537 : vector<16xf32>
        %swap3A_539 = arith.constant 416 : index
        %swap3A_540 = tpu.vector_load %arg8[%swap3A_539] {strides = array<i32>} : memref<512xf32, #tpu.memory_space<vmem>>, vector<16xf32>,
        %swap3A_541 = vector.shape_cast %swap3A_540 : vector<16xf32> to vector<16xf32>
        %swap3A_542 = vector.shape_cast %add3A_538 : vector<16xf32> to vector<16xf32>
        tpu.vector_store %arg8[%swap3A_539], %swap3A_542 {strides = array<i32>} : memref<512xf32, #tpu.memory_space<vmem>>, vector<16xf32>,
        %get3A_543 = arith.constant 432 : index
        %get3A_544 = tpu.vector_load %arg8[%get3A_543] {strides = array<i32>} : memref<512xf32, #tpu.memory_space<vmem>>, vector<16xf32>,
        %get3A_545 = vector.shape_cast %get3A_544 : vector<16xf32> to vector<16xf32>
        %get3A_546 = arith.index_cast %add3A_220 : i32 to index
        %get3A_547 = arith.constant 432 : index
        %get3A_548 = tpu.vector_load %arg7[%get3A_546, %get3A_547] {strides = array<i32>} : memref<32x512xf32, #tpu.memory_space<vmem>>, vector<1x16xf32>,
        %get3A_549 = vector.shape_cast %get3A_548 : vector<1x16xf32> to vector<16xf32>
        %add3A_550 = arith.addf %get3A_545, %get3A_549 : vector<16xf32>
        %swap3A_551 = arith.constant 432 : index
        %swap3A_552 = tpu.vector_load %arg8[%swap3A_551] {strides = array<i32>} : memref<512xf32, #tpu.memory_space<vmem>>, vector<16xf32>,
        %swap3A_553 = vector.shape_cast %swap3A_552 : vector<16xf32> to vector<16xf32>
        %swap3A_554 = vector.shape_cast %add3A_550 : vector<16xf32> to vector<16xf32>
        tpu.vector_store %arg8[%swap3A_551], %swap3A_554 {strides = array<i32>} : memref<512xf32, #tpu.memory_space<vmem>>, vector<16xf32>,
        %get3A_555 = arith.constant 448 : index
        %get3A_556 = tpu.vector_load %arg8[%get3A_555] {strides = array<i32>} : memref<512xf32, #tpu.memory_space<vmem>>, vector<16xf32>,
        %get3A_557 = vector.shape_cast %get3A_556 : vector<16xf32> to vector<16xf32>
        %get3A_558 = arith.index_cast %add3A_220 : i32 to index
        %get3A_559 = arith.constant 448 : index
        %get3A_560 = tpu.vector_load %arg7[%get3A_558, %get3A_559] {strides = array<i32>} : memref<32x512xf32, #tpu.memory_space<vmem>>, vector<1x16xf32>,
        %get3A_561 = vector.shape_cast %get3A_560 : vector<1x16xf32> to vector<16xf32>
        %add3A_562 = arith.addf %get3A_557, %get3A_561 : vector<16xf32>
        %swap3A_563 = arith.constant 448 : index
        %swap3A_564 = tpu.vector_load %arg8[%swap3A_563] {strides = array<i32>} : memref<512xf32, #tpu.memory_space<vmem>>, vector<16xf32>,
        %swap3A_565 = vector.shape_cast %swap3A_564 : vector<16xf32> to vector<16xf32>
        %swap3A_566 = vector.shape_cast %add3A_562 : vector<16xf32> to vector<16xf32>
        tpu.vector_store %arg8[%swap3A_563], %swap3A_566 {strides = array<i32>} : memref<512xf32, #tpu.memory_space<vmem>>, vector<16xf32>,
        %get3A_567 = arith.constant 464 : index
        %get3A_568 = tpu.vector_load %arg8[%get3A_567] {strides = array<i32>} : memref<512xf32, #tpu.memory_space<vmem>>, vector<16xf32>,
        %get3A_569 = vector.shape_cast %get3A_568 : vector<16xf32> to vector<16xf32>
        %get3A_570 = arith.index_cast %add3A_220 : i32 to index
        %get3A_571 = arith.constant 464 : index
        %get3A_572 = tpu.vector_load %arg7[%get3A_570, %get3A_571] {strides = array<i32>} : memref<32x512xf32, #tpu.memory_space<vmem>>, vector<1x16xf32>,
        %get3A_573 = vector.shape_cast %get3A_572 : vector<1x16xf32> to vector<16xf32>
        %add3A_574 = arith.addf %get3A_569, %get3A_573 : vector<16xf32>
        %swap3A_575 = arith.constant 464 : index
        %swap3A_576 = tpu.vector_load %arg8[%swap3A_575] {strides = array<i32>} : memref<512xf32, #tpu.memory_space<vmem>>, vector<16xf32>,
        %swap3A_577 = vector.shape_cast %swap3A_576 : vector<16xf32> to vector<16xf32>
        %swap3A_578 = vector.shape_cast %add3A_574 : vector<16xf32> to vector<16xf32>
        tpu.vector_store %arg8[%swap3A_575], %swap3A_578 {strides = array<i32>} : memref<512xf32, #tpu.memory_space<vmem>>, vector<16xf32>,
        %get3A_579 = arith.constant 480 : index
        %get3A_580 = tpu.vector_load %arg8[%get3A_579] {strides = array<i32>} : memref<512xf32, #tpu.memory_space<vmem>>, vector<16xf32>,
        %get3A_581 = vector.shape_cast %get3A_580 : vector<16xf32> to vector<16xf32>
        %get3A_582 = arith.index_cast %add3A_220 : i32 to index
        %get3A_583 = arith.constant 480 : index
        %get3A_584 = tpu.vector_load %arg7[%get3A_582, %get3A_583] {strides = array<i32>} : memref<32x512xf32, #tpu.memory_space<vmem>>, vector<1x16xf32>,
        %get3A_585 = vector.shape_cast %get3A_584 : vector<1x16xf32> to vector<16xf32>
        %add3A_586 = arith.addf %get3A_581, %get3A_585 : vector<16xf32>
        %swap3A_587 = arith.constant 480 : index
        %swap3A_588 = tpu.vector_load %arg8[%swap3A_587] {strides = array<i32>} : memref<512xf32, #tpu.memory_space<vmem>>, vector<16xf32>,
        %swap3A_589 = vector.shape_cast %swap3A_588 : vector<16xf32> to vector<16xf32>
        %swap3A_590 = vector.shape_cast %add3A_586 : vector<16xf32> to vector<16xf32>
        tpu.vector_store %arg8[%swap3A_587], %swap3A_590 {strides = array<i32>} : memref<512xf32, #tpu.memory_space<vmem>>, vector<16xf32>,
        %get3A_591 = arith.constant 496 : index
        %get3A_592 = tpu.vector_load %arg8[%get3A_591] {strides = array<i32>} : memref<512xf32, #tpu.memory_space<vmem>>, vector<16xf32>,
        %get3A_593 = vector.shape_cast %get3A_592 : vector<16xf32> to vector<16xf32>
        %get3A_594 = arith.index_cast %add3A_220 : i32 to index
        %get3A_595 = arith.constant 496 : index
        %get3A_596 = tpu.vector_load %arg7[%get3A_594, %get3A_595] {strides = array<i32>} : memref<32x512xf32, #tpu.memory_space<vmem>>, vector<1x16xf32>,
        %get3A_597 = vector.shape_cast %get3A_596 : vector<1x16xf32> to vector<16xf32>
        %add3A_598 = arith.addf %get3A_593, %get3A_597 : vector<16xf32>
        %swap3A_599 = arith.constant 496 : index
        %swap3A_600 = tpu.vector_load %arg8[%swap3A_599] {strides = array<i32>} : memref<512xf32, #tpu.memory_space<vmem>>, vector<16xf32>,
        %swap3A_601 = vector.shape_cast %swap3A_600 : vector<16xf32> to vector<16xf32>
        %swap3A_602 = vector.shape_cast %add3A_598 : vector<16xf32> to vector<16xf32>
        tpu.vector_store %arg8[%swap3A_599], %swap3A_602 {strides = array<i32>} : memref<512xf32, #tpu.memory_space<vmem>>, vector<16xf32>,
      }
      %scan3A_208 = arith.constant 32 : i32
      %add3A_209 = arith.constant 4 : i32
      %add3A_210 = arith.addi %add3A_188, %add3A_209 : i32
      %lt3A_211 = arith.constant 16 : i32
      %lt3A_212 = arith.cmpi slt, %add3A_210, %lt3A_211 : i32
      %convert_element_type3A_213 = arith.extui %lt3A_212 : i1 to i32
      %cond3A_214 = arith.constant 0 : i32
      %cond3A_215 = arith.cmpi ne, %convert_element_type3A_213, %cond3A_214 : i32
      scf.if %cond3A_215 {
        %add3A_216 = arith.constant 4 : i32
        %add3A_217 = arith.addi %add3A_188, %add3A_216 : i32
        %mul3A_218 = arith.constant 32 : i32
        %mul3A_219 = arith.muli %add3A_217, %mul3A_218 : i32
        %add3A_220 = arith.addi %mul3A_34, %mul3A_219 : i32
        %dma_start3A_221 = arith.constant 0 : i32
        %dma_start3A_222 = tpu.memref_slice %arg2[%add3A_32, %add3A_220, %dma_start3A_221] : memref<64x1024x512xf32, #tpu.memory_space<hbm>> -> memref<1x32x512xf32, #tpu.memory_space<hbm>>
        %dma_start3A_223 = tpu.memref_squeeze %dma_start3A_222 : memref<1x32x512xf32, #tpu.memory_space<hbm>> -> memref<32x512xf32, #tpu.memory_space<hbm>>
        %dma_start3A_224 = arith.constant 0 : i32
        %dma_start3A_225 = tpu.memref_slice %arg2[%add3A_32, %add3A_220, %dma_start3A_224] : memref<64x1024x512xf32, #tpu.memory_space<hbm>> -> memref<1x32x512xf32, #tpu.memory_space<hbm>>
        %dma_start3A_226 = tpu.memref_squeeze %dma_start3A_225 : memref<1x32x512xf32, #tpu.memory_space<hbm>> -> memref<32x512xf32, #tpu.memory_space<hbm>>
        tpu.enqueue_dma source(%dma_start3A_226 : memref<32x512xf32, #tpu.memory_space<hbm>>) target(%arg7 : memref<32x512xf32, #tpu.memory_space<vmem>>) target_semaphore(%arg12 : memref<!tpu.dma_semaphore, #tpu.memory_space<semaphore_mem>>)
        %dma_start3A_227 = arith.constant 0 : i32
        %dma_start3A_228 = tpu.memref_slice %arg2[%add3A_32, %add3A_220, %dma_start3A_227] : memref<64x1024x512xf32, #tpu.memory_space<hbm>> -> memref<1x32x512xf32, #tpu.memory_space<hbm>>
        %dma_start3A_229 = tpu.memref_squeeze %dma_start3A_228 : memref<1x32x512xf32, #tpu.memory_space<hbm>> -> memref<32x512xf32, #tpu.memory_space<hbm>>
        %dma_start3A_230 = arith.constant 0 : i32
        %dma_start3A_231 = tpu.memref_slice %arg2[%add3A_32, %add3A_220, %dma_start3A_230] : memref<64x1024x512xf32, #tpu.memory_space<hbm>> -> memref<1x32x512xf32, #tpu.memory_space<hbm>>
        %dma_start3A_232 = tpu.memref_squeeze %dma_start3A_231 : memref<1x32x512xf32, #tpu.memory_space<hbm>> -> memref<32x512xf32, #tpu.memory_space<hbm>>
        tpu.enqueue_dma source(%dma_start3A_232 : memref<32x512xf32, #tpu.memory_space<hbm>>) target(%arg7 : memref<32x512xf32, #tpu.memory_space<vmem>>) target_semaphore(%arg12 : memref<!tpu.dma_semaphore, #tpu.memory_space<semaphore_mem>>)
      } else {
      }
    }
    %scan3A_99 = arith.constant 4 : i32
    "tpu.region"() ({
      %run_scoped3A = tpu.sem_alloc : memref<!tpu.dma_semaphore, #tpu.memory_space<semaphore_mem>>
      %dma_start3A_100 = arith.constant 0 : i32
      %dma_start3A_101 = tpu.memref_slice %arg3[%select_n3A_30, %select_n3A, %dma_start3A_100] : memref<2x16x512xf32, #tpu.memory_space<hbm>> -> memref<1x1x512xf32, #tpu.memory_space<hbm>>
      %dma_start3A_102 = tpu.memref_squeeze %dma_start3A_101 : memref<1x1x512xf32, #tpu.memory_space<hbm>> -> memref<512xf32, #tpu.memory_space<hbm>>
      %dma_start3A_103 = arith.constant 0 : i32
      %dma_start3A_104 = tpu.memref_slice %arg3[%select_n3A_30, %select_n3A, %dma_start3A_103] : memref<2x16x512xf32, #tpu.memory_space<hbm>> -> memref<1x1x512xf32, #tpu.memory_space<hbm>>
      %dma_start3A_105 = tpu.memref_squeeze %dma_start3A_104 : memref<1x1x512xf32, #tpu.memory_space<hbm>> -> memref<512xf32, #tpu.memory_space<hbm>>
      tpu.enqueue_dma source(%arg8 : memref<512xf32, #tpu.memory_space<vmem>>) target(%dma_start3A_105 : memref<512xf32, #tpu.memory_space<hbm>>) target_semaphore(%run_scoped3A : memref<!tpu.dma_semaphore, #tpu.memory_space<semaphore_mem>>)
      %dma_wait3A = arith.constant 0 : i32
      %dma_wait3A_106 = tpu.memref_slice %arg3[%select_n3A_30, %select_n3A, %dma_wait3A] : memref<2x16x512xf32, #tpu.memory_space<hbm>> -> memref<1x1x512xf32, #tpu.memory_space<hbm>>
      %dma_wait3A_107 = tpu.memref_squeeze %dma_wait3A_106 : memref<1x1x512xf32, #tpu.memory_space<hbm>> -> memref<512xf32, #tpu.memory_space<hbm>>
      %dma_wait3A_108 = arith.constant 0 : i32
      %dma_wait3A_109 = tpu.memref_slice %arg3[%select_n3A_30, %select_n3A, %dma_wait3A_108] : memref<2x16x512xf32, #tpu.memory_space<hbm>> -> memref<1x1x512xf32, #tpu.memory_space<hbm>>
      %dma_wait3A_110 = tpu.memref_squeeze %dma_wait3A_109 : memref<1x1x512xf32, #tpu.memory_space<hbm>> -> memref<512xf32, #tpu.memory_space<hbm>>
      tpu.wait_dma2 semaphore(%run_scoped3A : memref<!tpu.dma_semaphore, #tpu.memory_space<semaphore_mem>>) src(%arg8 : memref<512xf32, #tpu.memory_space<vmem>>) dst(%dma_wait3A_110 : memref<512xf32, #tpu.memory_space<hbm>>)
      tpu.yield
    }) : () -> ()
    return
  }
}

module attributes {stable_mosaic.version = 14 : i64} {
  func.func @_finish_body(%arg0: memref<48x512xf32, #tpu.memory_space<vmem>>, %arg1: memref<2x16x512xf32, #tpu.memory_space<vmem>>, %arg2: memref<512x512xf32, #tpu.memory_space<vmem>>, %arg3: memref<1x512xf32, #tpu.memory_space<vmem>>, %arg4: memref<64x512xf32, #tpu.memory_space<vmem>>) attributes {dimension_semantics = [], scalar_prefetch = 0 : i64, scratch_operands = 0 : i64, tpu.core_type = #tpu.core_type<tc>} {
    %get3A = arith.constant 0 : index
    %get3A_0 = arith.constant 0 : index
    %get3A_1 = arith.constant 0 : index
    %get3A_2 = vector.load %arg1[%get3A, %get3A_0, %get3A_1] : memref<2x16x512xf32, #tpu.memory_space<vmem>>, vector<1x16x512xf32>
    %get3A_3 = vector.shape_cast %get3A_2 : vector<1x16x512xf32> to vector<16x512xf32>
    %get3A_4 = arith.constant 1 : index
    %get3A_5 = arith.constant 0 : index
    %get3A_6 = arith.constant 0 : index
    %get3A_7 = vector.load %arg1[%get3A_4, %get3A_5, %get3A_6] : memref<2x16x512xf32, #tpu.memory_space<vmem>>, vector<1x16x512xf32>
    %get3A_8 = vector.shape_cast %get3A_7 : vector<1x16x512xf32> to vector<16x512xf32>
    %add3A = arith.addf %get3A_3, %get3A_8 : vector<16x512xf32>
    %get3A_9 = arith.constant 0 : index
    %get3A_10 = arith.constant 0 : index
    %get3A_11 = vector.load %arg0[%get3A_9, %get3A_10] : memref<48x512xf32, #tpu.memory_space<vmem>>, vector<48x512xf32>
    %concatenate3A = tpu.concatenate %get3A_11, %add3A in 0 : vector<48x512xf32>, vector<16x512xf32> -> vector<64x512xf32>
    %get3A_12 = arith.constant 0 : index
    %get3A_13 = arith.constant 0 : index
    %get3A_14 = vector.load %arg2[%get3A_12, %get3A_13] : memref<512x512xf32, #tpu.memory_space<vmem>>, vector<512x512xf32>
    %dot_general3A = arith.constant dense<0.000000e+00> : vector<64x512xf32>
    %dot_general3A_15 = tpu.matmul %concatenate3A, %get3A_14, %dot_general3A {dimension_numbers = #tpu.dot_dimension_numbers<[1], [1], [0], [0], [0, 0, 1, 0], [], []>, transpose_lhs_hint = false} : vector<64x512xf32>, vector<512x512xf32>, vector<64x512xf32> -> vector<64x512xf32>
    %mul3A = arith.constant 9.765625E-4 : f32
    %mul3A_16 = vector.broadcast %mul3A : f32 to vector<64x512xf32>
    %mul3A_17 = arith.mulf %dot_general3A_15, %mul3A_16 : vector<64x512xf32>
    %get3A_18 = arith.constant 0 : index
    %get3A_19 = arith.constant 0 : index
    %get3A_20 = vector.load %arg3[%get3A_18, %get3A_19] : memref<1x512xf32, #tpu.memory_space<vmem>>, vector<1x512xf32>
    %add3A_21 = vector.broadcast %get3A_20 : vector<1x512xf32> to vector<64x512xf32>
    %add3A_22 = arith.addf %mul3A_17, %add3A_21 : vector<64x512xf32>
    %logistic3A = arith.negf %add3A_22 : vector<64x512xf32>
    %logistic3A_23 = math.exp %logistic3A : vector<64x512xf32>
    %logistic3A_24 = arith.constant 1.000000e+00 : f32
    %logistic3A_25 = vector.broadcast %logistic3A_24 : f32 to vector<64x512xf32>
    %logistic3A_26 = arith.addf %logistic3A_25, %logistic3A_23 : vector<64x512xf32>
    %logistic3A_27 = arith.divf %logistic3A_25, %logistic3A_26 : vector<64x512xf32>
    %swap3A = arith.constant 0 : index
    %swap3A_28 = arith.constant 0 : index
    %swap3A_29 = vector.load %arg4[%swap3A, %swap3A_28] : memref<64x512xf32, #tpu.memory_space<vmem>>, vector<64x512xf32>
    tpu.vector_store %arg4[%swap3A, %swap3A_28], %logistic3A_27 {strides = array<i32>} : memref<64x512xf32, #tpu.memory_space<vmem>>, vector<64x512xf32>,
    return
  }
}

module attributes {stable_mosaic.version = 14 : i64} {
  func.func @_tc_pool_body(%arg0: i32, %arg1: memref<2x128x512xf32, #tpu.memory_space<vmem>>, %arg2: memref<2x128x512xf32, #tpu.memory_space<vmem>>, %arg3: memref<2x128x512xf32, #tpu.memory_space<vmem>>, %arg4: memref<2x128x512xf32, #tpu.memory_space<vmem>>, %arg5: memref<2x128x512xf32, #tpu.memory_space<vmem>>, %arg6: memref<2x128x512xf32, #tpu.memory_space<vmem>>, %arg7: memref<2x128x512xf32, #tpu.memory_space<vmem>>, %arg8: memref<2x128x512xf32, #tpu.memory_space<vmem>>, %arg9: memref<48x512xf32, #tpu.memory_space<vmem>>) attributes {dimension_semantics = [#tpu.dimension_semantics<arbitrary>], iteration_bounds = array<i64: 24>, scalar_prefetch = 0 : i64, scratch_operands = 0 : i64, tpu.core_type = #tpu.core_type<tc>, window_params = [{transform_indices = @transform_0, window_bounds = array<i64: 2, 128, 512>}, {transform_indices = @transform_1, window_bounds = array<i64: 2, 128, 512>}, {transform_indices = @transform_2, window_bounds = array<i64: 2, 128, 512>}, {transform_indices = @transform_3, window_bounds = array<i64: 2, 128, 512>}, {transform_indices = @transform_4, window_bounds = array<i64: 2, 128, 512>}, {transform_indices = @transform_5, window_bounds = array<i64: 2, 128, 512>}, {transform_indices = @transform_6, window_bounds = array<i64: 2, 128, 512>}, {transform_indices = @transform_7, window_bounds = array<i64: 2, 128, 512>}, {pipeline_mode = #tpu.pipeline_mode<synchronous>, transform_indices = @transform_8, window_bounds = array<i64: 48, 512>}]} {
    %get3A = arith.constant 0 : index
    %get3A_0 = arith.constant 0 : index
    %get3A_1 = arith.constant 0 : index
    %get3A_2 = vector.load %arg1[%get3A, %get3A_0, %get3A_1] : memref<2x128x512xf32, #tpu.memory_space<vmem>>, vector<1x128x512xf32>
    %get3A_3 = vector.shape_cast %get3A_2 : vector<1x128x512xf32> to vector<128x512xf32>
    %reduce_sum3A = arith.constant dense<0.000000e+00> : vector<512xf32>
    %reduce_sum3A_4 = vector.multi_reduction <add>, %get3A_3, %reduce_sum3A [0] : vector<128x512xf32> to vector<512xf32>
    %broadcast_in_dim3A = vector.shape_cast %reduce_sum3A_4 : vector<512xf32> to vector<1x512xf32>
    %get3A_5 = arith.constant 0 : index
    %get3A_6 = arith.constant 0 : index
    %get3A_7 = arith.constant 0 : index
    %get3A_8 = vector.load %arg2[%get3A_5, %get3A_6, %get3A_7] : memref<2x128x512xf32, #tpu.memory_space<vmem>>, vector<1x128x512xf32>
    %get3A_9 = vector.shape_cast %get3A_8 : vector<1x128x512xf32> to vector<128x512xf32>
    %reduce_sum3A_10 = arith.constant dense<0.000000e+00> : vector<512xf32>
    %reduce_sum3A_11 = vector.multi_reduction <add>, %get3A_9, %reduce_sum3A_10 [0] : vector<128x512xf32> to vector<512xf32>
    %broadcast_in_dim3A_12 = vector.shape_cast %reduce_sum3A_11 : vector<512xf32> to vector<1x512xf32>
    %get3A_13 = arith.constant 0 : index
    %get3A_14 = arith.constant 0 : index
    %get3A_15 = arith.constant 0 : index
    %get3A_16 = vector.load %arg3[%get3A_13, %get3A_14, %get3A_15] : memref<2x128x512xf32, #tpu.memory_space<vmem>>, vector<1x128x512xf32>
    %get3A_17 = vector.shape_cast %get3A_16 : vector<1x128x512xf32> to vector<128x512xf32>
    %reduce_sum3A_18 = arith.constant dense<0.000000e+00> : vector<512xf32>
    %reduce_sum3A_19 = vector.multi_reduction <add>, %get3A_17, %reduce_sum3A_18 [0] : vector<128x512xf32> to vector<512xf32>
    %broadcast_in_dim3A_20 = vector.shape_cast %reduce_sum3A_19 : vector<512xf32> to vector<1x512xf32>
    %get3A_21 = arith.constant 0 : index
    %get3A_22 = arith.constant 0 : index
    %get3A_23 = arith.constant 0 : index
    %get3A_24 = vector.load %arg4[%get3A_21, %get3A_22, %get3A_23] : memref<2x128x512xf32, #tpu.memory_space<vmem>>, vector<1x128x512xf32>
    %get3A_25 = vector.shape_cast %get3A_24 : vector<1x128x512xf32> to vector<128x512xf32>
    %reduce_sum3A_26 = arith.constant dense<0.000000e+00> : vector<512xf32>
    %reduce_sum3A_27 = vector.multi_reduction <add>, %get3A_25, %reduce_sum3A_26 [0] : vector<128x512xf32> to vector<512xf32>
    %broadcast_in_dim3A_28 = vector.shape_cast %reduce_sum3A_27 : vector<512xf32> to vector<1x512xf32>
    %get3A_29 = arith.constant 0 : index
    %get3A_30 = arith.constant 0 : index
    %get3A_31 = arith.constant 0 : index
    %get3A_32 = vector.load %arg5[%get3A_29, %get3A_30, %get3A_31] : memref<2x128x512xf32, #tpu.memory_space<vmem>>, vector<1x128x512xf32>
    %get3A_33 = vector.shape_cast %get3A_32 : vector<1x128x512xf32> to vector<128x512xf32>
    %reduce_sum3A_34 = arith.constant dense<0.000000e+00> : vector<512xf32>
    %reduce_sum3A_35 = vector.multi_reduction <add>, %get3A_33, %reduce_sum3A_34 [0] : vector<128x512xf32> to vector<512xf32>
    %broadcast_in_dim3A_36 = vector.shape_cast %reduce_sum3A_35 : vector<512xf32> to vector<1x512xf32>
    %get3A_37 = arith.constant 0 : index
    %get3A_38 = arith.constant 0 : index
    %get3A_39 = arith.constant 0 : index
    %get3A_40 = vector.load %arg6[%get3A_37, %get3A_38, %get3A_39] : memref<2x128x512xf32, #tpu.memory_space<vmem>>, vector<1x128x512xf32>
    %get3A_41 = vector.shape_cast %get3A_40 : vector<1x128x512xf32> to vector<128x512xf32>
    %reduce_sum3A_42 = arith.constant dense<0.000000e+00> : vector<512xf32>
    %reduce_sum3A_43 = vector.multi_reduction <add>, %get3A_41, %reduce_sum3A_42 [0] : vector<128x512xf32> to vector<512xf32>
    %broadcast_in_dim3A_44 = vector.shape_cast %reduce_sum3A_43 : vector<512xf32> to vector<1x512xf32>
    %get3A_45 = arith.constant 0 : index
    %get3A_46 = arith.constant 0 : index
    %get3A_47 = arith.constant 0 : index
    %get3A_48 = vector.load %arg7[%get3A_45, %get3A_46, %get3A_47] : memref<2x128x512xf32, #tpu.memory_space<vmem>>, vector<1x128x512xf32>
    %get3A_49 = vector.shape_cast %get3A_48 : vector<1x128x512xf32> to vector<128x512xf32>
    %reduce_sum3A_50 = arith.constant dense<0.000000e+00> : vector<512xf32>
    %reduce_sum3A_51 = vector.multi_reduction <add>, %get3A_49, %reduce_sum3A_50 [0] : vector<128x512xf32> to vector<512xf32>
    %broadcast_in_dim3A_52 = vector.shape_cast %reduce_sum3A_51 : vector<512xf32> to vector<1x512xf32>
    %get3A_53 = arith.constant 0 : index
    %get3A_54 = arith.constant 0 : index
    %get3A_55 = arith.constant 0 : index
    %get3A_56 = vector.load %arg8[%get3A_53, %get3A_54, %get3A_55] : memref<2x128x512xf32, #tpu.memory_space<vmem>>, vector<1x128x512xf32>
    %get3A_57 = vector.shape_cast %get3A_56 : vector<1x128x512xf32> to vector<128x512xf32>
    %reduce_sum3A_58 = arith.constant dense<0.000000e+00> : vector<512xf32>
    %reduce_sum3A_59 = vector.multi_reduction <add>, %get3A_57, %reduce_sum3A_58 [0] : vector<128x512xf32> to vector<512xf32>
    %broadcast_in_dim3A_60 = vector.shape_cast %reduce_sum3A_59 : vector<512xf32> to vector<1x512xf32>
    %add3A = arith.addf %broadcast_in_dim3A, %broadcast_in_dim3A_12 : vector<1x512xf32>
    %add3A_61 = arith.addf %add3A, %broadcast_in_dim3A_20 : vector<1x512xf32>
    %add3A_62 = arith.addf %add3A_61, %broadcast_in_dim3A_28 : vector<1x512xf32>
    %add3A_63 = arith.addf %add3A_62, %broadcast_in_dim3A_36 : vector<1x512xf32>
    %add3A_64 = arith.addf %add3A_63, %broadcast_in_dim3A_44 : vector<1x512xf32>
    %add3A_65 = arith.addf %add3A_64, %broadcast_in_dim3A_52 : vector<1x512xf32>
    %add3A_66 = arith.addf %add3A_65, %broadcast_in_dim3A_60 : vector<1x512xf32>
    %mul3A = arith.constant 2 : i32
    %mul3A_67 = arith.muli %arg0, %mul3A : i32
    %add3A_68 = arith.constant 0 : i32
    %add3A_69 = arith.addi %mul3A_67, %add3A_68 : i32
    %swap3A = arith.index_cast %add3A_69 : i32 to index
    %swap3A_70 = arith.constant 0 : index
    %swap3A_71 = vector.load %arg9[%swap3A, %swap3A_70] : memref<48x512xf32, #tpu.memory_space<vmem>>, vector<1x512xf32>
    tpu.vector_store %arg9[%swap3A, %swap3A_70], %add3A_66 {strides = array<i32>} : memref<48x512xf32, #tpu.memory_space<vmem>>, vector<1x512xf32>,
    %get3A_72 = arith.constant 1 : index
    %get3A_73 = arith.constant 0 : index
    %get3A_74 = arith.constant 0 : index
    %get3A_75 = vector.load %arg1[%get3A_72, %get3A_73, %get3A_74] : memref<2x128x512xf32, #tpu.memory_space<vmem>>, vector<1x128x512xf32>
    %get3A_76 = vector.shape_cast %get3A_75 : vector<1x128x512xf32> to vector<128x512xf32>
    %reduce_sum3A_77 = arith.constant dense<0.000000e+00> : vector<512xf32>
    %reduce_sum3A_78 = vector.multi_reduction <add>, %get3A_76, %reduce_sum3A_77 [0] : vector<128x512xf32> to vector<512xf32>
    %broadcast_in_dim3A_79 = vector.shape_cast %reduce_sum3A_78 : vector<512xf32> to vector<1x512xf32>
    %get3A_80 = arith.constant 1 : index
    %get3A_81 = arith.constant 0 : index
    %get3A_82 = arith.constant 0 : index
    %get3A_83 = vector.load %arg2[%get3A_80, %get3A_81, %get3A_82] : memref<2x128x512xf32, #tpu.memory_space<vmem>>, vector<1x128x512xf32>
    %get3A_84 = vector.shape_cast %get3A_83 : vector<1x128x512xf32> to vector<128x512xf32>
    %reduce_sum3A_85 = arith.constant dense<0.000000e+00> : vector<512xf32>
    %reduce_sum3A_86 = vector.multi_reduction <add>, %get3A_84, %reduce_sum3A_85 [0] : vector<128x512xf32> to vector<512xf32>
    %broadcast_in_dim3A_87 = vector.shape_cast %reduce_sum3A_86 : vector<512xf32> to vector<1x512xf32>
    %get3A_88 = arith.constant 1 : index
    %get3A_89 = arith.constant 0 : index
    %get3A_90 = arith.constant 0 : index
    %get3A_91 = vector.load %arg3[%get3A_88, %get3A_89, %get3A_90] : memref<2x128x512xf32, #tpu.memory_space<vmem>>, vector<1x128x512xf32>
    %get3A_92 = vector.shape_cast %get3A_91 : vector<1x128x512xf32> to vector<128x512xf32>
    %reduce_sum3A_93 = arith.constant dense<0.000000e+00> : vector<512xf32>
    %reduce_sum3A_94 = vector.multi_reduction <add>, %get3A_92, %reduce_sum3A_93 [0] : vector<128x512xf32> to vector<512xf32>
    %broadcast_in_dim3A_95 = vector.shape_cast %reduce_sum3A_94 : vector<512xf32> to vector<1x512xf32>
    %get3A_96 = arith.constant 1 : index
    %get3A_97 = arith.constant 0 : index
    %get3A_98 = arith.constant 0 : index
    %get3A_99 = vector.load %arg4[%get3A_96, %get3A_97, %get3A_98] : memref<2x128x512xf32, #tpu.memory_space<vmem>>, vector<1x128x512xf32>
    %get3A_100 = vector.shape_cast %get3A_99 : vector<1x128x512xf32> to vector<128x512xf32>
    %reduce_sum3A_101 = arith.constant dense<0.000000e+00> : vector<512xf32>
    %reduce_sum3A_102 = vector.multi_reduction <add>, %get3A_100, %reduce_sum3A_101 [0] : vector<128x512xf32> to vector<512xf32>
    %broadcast_in_dim3A_103 = vector.shape_cast %reduce_sum3A_102 : vector<512xf32> to vector<1x512xf32>
    %get3A_104 = arith.constant 1 : index
    %get3A_105 = arith.constant 0 : index
    %get3A_106 = arith.constant 0 : index
    %get3A_107 = vector.load %arg5[%get3A_104, %get3A_105, %get3A_106] : memref<2x128x512xf32, #tpu.memory_space<vmem>>, vector<1x128x512xf32>
    %get3A_108 = vector.shape_cast %get3A_107 : vector<1x128x512xf32> to vector<128x512xf32>
    %reduce_sum3A_109 = arith.constant dense<0.000000e+00> : vector<512xf32>
    %reduce_sum3A_110 = vector.multi_reduction <add>, %get3A_108, %reduce_sum3A_109 [0] : vector<128x512xf32> to vector<512xf32>
    %broadcast_in_dim3A_111 = vector.shape_cast %reduce_sum3A_110 : vector<512xf32> to vector<1x512xf32>
    %get3A_112 = arith.constant 1 : index
    %get3A_113 = arith.constant 0 : index
    %get3A_114 = arith.constant 0 : index
    %get3A_115 = vector.load %arg6[%get3A_112, %get3A_113, %get3A_114] : memref<2x128x512xf32, #tpu.memory_space<vmem>>, vector<1x128x512xf32>
    %get3A_116 = vector.shape_cast %get3A_115 : vector<1x128x512xf32> to vector<128x512xf32>
    %reduce_sum3A_117 = arith.constant dense<0.000000e+00> : vector<512xf32>
    %reduce_sum3A_118 = vector.multi_reduction <add>, %get3A_116, %reduce_sum3A_117 [0] : vector<128x512xf32> to vector<512xf32>
    %broadcast_in_dim3A_119 = vector.shape_cast %reduce_sum3A_118 : vector<512xf32> to vector<1x512xf32>
    %get3A_120 = arith.constant 1 : index
    %get3A_121 = arith.constant 0 : index
    %get3A_122 = arith.constant 0 : index
    %get3A_123 = vector.load %arg7[%get3A_120, %get3A_121, %get3A_122] : memref<2x128x512xf32, #tpu.memory_space<vmem>>, vector<1x128x512xf32>
    %get3A_124 = vector.shape_cast %get3A_123 : vector<1x128x512xf32> to vector<128x512xf32>
    %reduce_sum3A_125 = arith.constant dense<0.000000e+00> : vector<512xf32>
    %reduce_sum3A_126 = vector.multi_reduction <add>, %get3A_124, %reduce_sum3A_125 [0] : vector<128x512xf32> to vector<512xf32>
    %broadcast_in_dim3A_127 = vector.shape_cast %reduce_sum3A_126 : vector<512xf32> to vector<1x512xf32>
    %get3A_128 = arith.constant 1 : index
    %get3A_129 = arith.constant 0 : index
    %get3A_130 = arith.constant 0 : index
    %get3A_131 = vector.load %arg8[%get3A_128, %get3A_129, %get3A_130] : memref<2x128x512xf32, #tpu.memory_space<vmem>>, vector<1x128x512xf32>
    %get3A_132 = vector.shape_cast %get3A_131 : vector<1x128x512xf32> to vector<128x512xf32>
    %reduce_sum3A_133 = arith.constant dense<0.000000e+00> : vector<512xf32>
    %reduce_sum3A_134 = vector.multi_reduction <add>, %get3A_132, %reduce_sum3A_133 [0] : vector<128x512xf32> to vector<512xf32>
    %broadcast_in_dim3A_135 = vector.shape_cast %reduce_sum3A_134 : vector<512xf32> to vector<1x512xf32>
    %add3A_136 = arith.addf %broadcast_in_dim3A_79, %broadcast_in_dim3A_87 : vector<1x512xf32>
    %add3A_137 = arith.addf %add3A_136, %broadcast_in_dim3A_95 : vector<1x512xf32>
    %add3A_138 = arith.addf %add3A_137, %broadcast_in_dim3A_103 : vector<1x512xf32>
    %add3A_139 = arith.addf %add3A_138, %broadcast_in_dim3A_111 : vector<1x512xf32>
    %add3A_140 = arith.addf %add3A_139, %broadcast_in_dim3A_119 : vector<1x512xf32>
    %add3A_141 = arith.addf %add3A_140, %broadcast_in_dim3A_127 : vector<1x512xf32>
    %add3A_142 = arith.addf %add3A_141, %broadcast_in_dim3A_135 : vector<1x512xf32>
    %mul3A_143 = arith.constant 2 : i32
    %mul3A_144 = arith.muli %arg0, %mul3A_143 : i32
    %add3A_145 = arith.constant 1 : i32
    %add3A_146 = arith.addi %mul3A_144, %add3A_145 : i32
    %swap3A_147 = arith.index_cast %add3A_146 : i32 to index
    %swap3A_148 = arith.constant 0 : index
    %swap3A_149 = vector.load %arg9[%swap3A_147, %swap3A_148] : memref<48x512xf32, #tpu.memory_space<vmem>>, vector<1x512xf32>
    tpu.vector_store %arg9[%swap3A_147, %swap3A_148], %add3A_142 {strides = array<i32>} : memref<48x512xf32, #tpu.memory_space<vmem>>, vector<1x512xf32>,
    return
  }
  func.func @transform_0(%arg0: i32) -> (i32, i32, i32) {
    %c0_i32 = arith.constant 0 : i32
    %c0_i32_0 = arith.constant 0 : i32
    %c0_i32_1 = arith.constant 0 : i32
    return %arg0, %c0_i32, %c0_i32_0 : i32, i32, i32
  }
  func.func @transform_1(%arg0: i32) -> (i32, i32, i32) {
    %c1_i32 = arith.constant 1 : i32
    %c0_i32 = arith.constant 0 : i32
    %c0_i32_0 = arith.constant 0 : i32
    return %arg0, %c1_i32, %c0_i32 : i32, i32, i32
  }
  func.func @transform_2(%arg0: i32) -> (i32, i32, i32) {
    %c2_i32 = arith.constant 2 : i32
    %c0_i32 = arith.constant 0 : i32
    %c0_i32_0 = arith.constant 0 : i32
    return %arg0, %c2_i32, %c0_i32 : i32, i32, i32
  }
  func.func @transform_3(%arg0: i32) -> (i32, i32, i32) {
    %c3_i32 = arith.constant 3 : i32
    %c0_i32 = arith.constant 0 : i32
    %c0_i32_0 = arith.constant 0 : i32
    return %arg0, %c3_i32, %c0_i32 : i32, i32, i32
  }
  func.func @transform_4(%arg0: i32) -> (i32, i32, i32) {
    %c4_i32 = arith.constant 4 : i32
    %c0_i32 = arith.constant 0 : i32
    %c0_i32_0 = arith.constant 0 : i32
    return %arg0, %c4_i32, %c0_i32 : i32, i32, i32
  }
  func.func @transform_5(%arg0: i32) -> (i32, i32, i32) {
    %c5_i32 = arith.constant 5 : i32
    %c0_i32 = arith.constant 0 : i32
    %c0_i32_0 = arith.constant 0 : i32
    return %arg0, %c5_i32, %c0_i32 : i32, i32, i32
  }
  func.func @transform_6(%arg0: i32) -> (i32, i32, i32) {
    %c6_i32 = arith.constant 6 : i32
    %c0_i32 = arith.constant 0 : i32
    %c0_i32_0 = arith.constant 0 : i32
    return %arg0, %c6_i32, %c0_i32 : i32, i32, i32
  }
  func.func @transform_7(%arg0: i32) -> (i32, i32, i32) {
    %c7_i32 = arith.constant 7 : i32
    %c0_i32 = arith.constant 0 : i32
    %c0_i32_0 = arith.constant 0 : i32
    return %arg0, %c7_i32, %c0_i32 : i32, i32, i32
  }
  func.func @transform_8(%arg0: i32) -> (i32, i32) {
    %c0_i32 = arith.constant 0 : i32
    %c0_i32_0 = arith.constant 0 : i32
    %c0_i32_1 = arith.constant 0 : i32
    return %c0_i32, %c0_i32_0 : i32, i32
  }
}

</mosaic_0001>

<sc_bundles>
// kernel: kernel.5.cloned.1.call-start
scs
__scs_entry_jumppad:
0x0: {  	(pc) =	sbr.rel $0x88, $3  }
0x1: {  	(tag) =	ssettag $0x0;
	lr =	simm.s32 $0x1  }
0x2: {  	[smem:$0x3F9E] =	sst lr;
	_ =	strace $0xD0000000  }
0x3: {  	_ = 	snop  }
0x4: {  	_ = 	snop  }
0x5: {  	_ = 	snop  }
0x6: {  	_ = 	snop  }
0x7: {  	_ = 	snop  }
__scs_overlays_trampoline_lowered:
0x8: {  	[smem:$0x3FAD] =	sst s0  }
0x9: {  	[smem:$0x3FAE] =	sst s1  }
0xa: {  	[smem:$0x3FAF] =	sst s2  }
0xb: {  	[smem:$0x3FB0] =	sst s3  }
0xc: {  	[smem:$0x3FB1] =	sst s4  }
0xd: {  	[smem:$0x3FB2] =	sst s5  }
0xe: {  	[smem:$0x3FB3] =	sst s6  }
0xf: {  	[smem:$0x3FB4] =	sst s7  }
0x10: {  	[smem:$0x3FB5] =	sst s8  }
0x11: {  	[smem:$0x3FB6] =	sst s9;
	s0 =	simm.s32 @!p0 $0x0  }
0x12: {  	s1 =	sld [smem:$0x3F9C];
	s0 =	simm.s32 @p0 $0x1  }
0x13: {  	[smem:$0x3FB7] =	sst s0;
	s0 =	simm.s32 @!p1 $0x0  }
0x14: {  	s2 =	sld [smem:$0x3F9B];
	s0 =	simm.s32 @p1 $0x1  }
0x15: {  	[smem:$0x3FB8] =	sst s0;
	s0 =	simm.s32 @!p2 $0x0  }
0x16: {  	s3 =	sld [smem:$0x3FDB];
	s0 =	simm.s32 @p2 $0x1  }
0x17: {  	s4 =	simm.s32 $0x1BF5;
	[smem:$0x3FBA] =	sst s0  }
0x18: {  	s0 =	sld [smem:$0x3F9D];
	_ =	swait.ge [sflag:s4], $0x0  }
0x19: {  	s7 =	sld [smem:$0x3F9E]  }
0x1a: {  	s8 =	sadd.s32 $0xFFFFE003, lr  }
0x1b: {  	s9 =	sadd.s32 $0xFFFFFEF7, lr;
	s5 =	simm.s32 $0xFFFFFFFF;
	p2 =	slt.u32 s8, $0xFFFFF086  }
0x1c: {  	p1 =	slt.u32 s9, $0xF7A;
	s5 =	simm.s32 @!p2 $0x0  }
0x1d: {  	s5 =	simm.s32 @p1 $0x1;
	p0 =	seq.s32 s7, s2  }
0x1e: {  	s7 =	smul.u32 @!p0 $0xF7A, s2;
	p2 =	seq.s32 @!p0 s5, $0x0  }
0x1f: {  	s9 =	smul.u32 $0xF7A, s1;
	s8 =	simm.s32 @!p0 $0x1BF5;
	p2 =	por !p2, p0  }
0x20: {  	[sflag:s8] =	ssyncset.s32 @!p0 $0xFFFFF086;
	s6 =	sadd.s32 @!p0 s3, s7;
	s7 =	simm.s32 @!p0 $0x108  }
0x21: {  	s3 =	sadd.s32 s3, s9;
	s6 =	sadd.s32 @!p0 $0x88, s6;
	s7 =	simm.s32 @p2 $0x1082  }
0x22: {  	[simem:s7], [sflag:s8] =	dma.local @!p0 [hbm:s6], $0xF7A  }
0x23: {  	s9 =	sor.u32 $0xD0000000, s2;
	s6 =	simm.s32 $0x108;
	_ =	swait.ge @!p0 [sflag:s8], $0x0  }
0x24: {  	s3 =	sadd.s32 $0x88, s3;
	s6 =	simm.s32 @!p1 $0x1082;
	[sflag:s4] =	ssyncset.s32 $0xFFFFF086  }
0x25: {  	[simem:s6], [sflag:s4] =	dma.local [hbm:s3], $0xF7A  }
0x26: {  	[smem:$0x3F9E] =	sst s1;
	(tag) =	ssettag s2;
	_ =	strace s9  }
0x27: {  	s1 =	sld [smem:$0x3FAE]  }
0x28: {  	s2 =	sld [smem:$0x3FAF]  }
0x29: {  	s4 =	sld [smem:$0x3FB1]  }
0x2a: {  	p0 =	seq.s32 s5, $0x0;
	s5 =	sld [smem:$0x3FB2]  }
0x2b: {  	s6 =	sld [smem:$0x3FB3]  }
0x2c: {  	s7 =	sld [smem:$0x3FB4]  }
0x2d: {  	s3 =	simm.s32 $0x108;
	s8 =	sld [smem:$0x3FB5]  }
0x2e: {  	s3 =	simm.s32 @!p0 $0x1082;
	s9 =	sld [smem:$0x3FB6]  }
0x2f: {  	lr =	sadd.s32 s0, s3;
	s0 =	sld [smem:$0x3FAD]  }
0x30: {  	s3 =	sld [smem:$0x3FB0]  }
0x31: {  	[smem:$0x3FB9] =	sst s10  }
0x32: {  	s10 =	sld [smem:$0x3FB7];
	_ =	sdelay $0x3  }
0x33: {  	p0 =	seq.s32 s10, $0x1;
	s10 =	sld [smem:$0x3FB9];
	_ =	sdelay $0x3  }
0x34: {  	[smem:$0x3FB9] =	sst s10  }
0x35: {  	s10 =	sld [smem:$0x3FB8];
	_ =	sdelay $0x3  }
0x36: {  	p1 =	seq.s32 s10, $0x1;
	s10 =	sld [smem:$0x3FB9];
	_ =	sdelay $0x3  }
0x37: {  	[smem:$0x3FB9] =	sst s10  }
0x38: {  	s10 =	sld [smem:$0x3FBA]  }
0x39: {  	_ = 	snop;
	(pc) =	sbr.ind lr, $3  }
0x3a: {  	_ = 	snop  }
0x3b: {  	_ = 	snop  }
0x3c: {  	p2 =	seq.s32 s10, $0x1;
	s10 =	sld [smem:$0x3FB9]  }
0x3d: {  	_ =	shalt  }
0x3e: {  	_ =	shalt  }
0x3f: {  	_ =	shalt  }
0x40: {  	_ =	shalt  }
0x41: {  	_ =	shalt  }
0x42: {  	_ =	shalt  }
0x43: {  	_ =	shalt  }
0x44: {  	_ =	shalt  }
0x45: {  	_ =	shalt  }
0x46: {  	_ =	shalt  }
0x47: {  	_ =	shalt  }
0x48: {  	_ =	shalt  }
0x49: {  	_ =	shalt  }
0x4a: {  	_ =	shalt  }
0x4b: {  	_ =	shalt  }
0x4c: {  	_ =	shalt  }
0x4d: {  	_ =	shalt  }
0x4e: {  	_ =	shalt  }
0x4f: {  	_ =	shalt  }
0x50: {  	_ =	shalt  }
0x51: {  	_ =	shalt  }
0x52: {  	_ =	shalt  }
0x53: {  	_ =	shalt  }
0x54: {  	_ =	shalt  }
0x55: {  	_ =	shalt  }
0x56: {  	_ =	shalt  }
0x57: {  	_ =	shalt  }
0x58: {  	_ =	shalt  }
0x59: {  	_ =	shalt  }
0x5a: {  	_ =	shalt  }
0x5b: {  	_ =	shalt  }
0x5c: {  	_ =	shalt  }
0x5d: {  	_ =	shalt  }
0x5e: {  	_ =	shalt  }
0x5f: {  	_ =	shalt  }
0x60: {  	_ =	shalt  }
0x61: {  	_ =	shalt  }
0x62: {  	_ =	shalt  }
0x63: {  	_ =	shalt  }
0x64: {  	_ =	shalt  }
0x65: {  	_ =	shalt  }
0x66: {  	_ =	shalt  }
0x67: {  	_ =	shalt  }
0x68: {  	_ =	shalt  }
0x69: {  	_ =	shalt  }
0x6a: {  	_ =	shalt  }
0x6b: {  	_ =	shalt  }
0x6c: {  	_ =	shalt  }
0x6d: {  	_ =	shalt  }
0x6e: {  	_ =	shalt  }
0x6f: {  	_ =	shalt  }
0x70: {  	_ =	shalt  }
0x71: {  	_ =	shalt  }
0x72: {  	_ =	shalt  }
0x73: {  	_ =	shalt  }
0x74: {  	_ =	shalt  }
0x75: {  	_ =	shalt  }
0x76: {  	_ =	shalt  }
0x77: {  	_ =	shalt  }
0x78: {  	_ =	shalt  }
0x79: {  	_ =	shalt  }
0x7a: {  	_ =	shalt  }
0x7b: {  	_ =	shalt  }
0x7c: {  	_ =	shalt  }
0x7d: {  	_ =	shalt  }
0x7e: {  	_ =	shalt  }
0x7f: {  	_ =	shalt  }
0x80: {  	_ =	shalt  }
0x81: {  	_ =	shalt  }
0x82: {  	_ =	shalt  }
0x83: {  	_ =	shalt  }
0x84: {  	_ =	shalt  }
0x85: {  	_ =	shalt  }
0x86: {  	_ =	shalt  }
0x87: {  	_ =	shalt  }
.Lfunc_end0:
.L_simem_size_0:
called_computation_lowered:
.L_overlay_start_0:
0x88: {  	s2 =	sld [smem:$0x3FD9]  }
0x89: {  	s3 =	sld [smem:$0x3FFE];
	_ =	sdelay $0x1  }
0x8a: {  	s1 =	srdreg.scid  }
0x8b: {  	s0 =	sand.u32 $0x1, s1  }
0x8c: {  	s18 =	sshll.u32 s0, $0xA;
	s2 =	sadd.s32 s3, s2  }
0x8d: {  	s2 =	sadd.s32 s2, s18  }
0x8e: {  	[smem:$0x3FC5] =	sst s2  }
0x8f: {  	_ = 	snop  }
0x90: {  	s2 =	sld [smem:$0x3FC9]  }
0x91: {  	s19 =	sld [smem:$0x3FD0];
	(tm) =	ssettm $0x1  }
0x92: {  	s4 =	sld [smem:$0x3FFB];
	_ =	sdelay $0x3  }
0x93: {  	_ =	strace s4  }
0x94: {  	s4 =	sld [smem:$0x3FFC];
	_ =	sdelay $0x3  }
0x95: {  	_ =	strace s4  }
0x96: {  	s4 =	sld [smem:$0x3FFD];
	_ =	sdelay $0x3  }
0x97: {  	_ =	strace s4  }
0x98: {  	_ =	strace $0x8FFFFFFF  }
0x99: {  	s20 =	sld [smem:$0x3FDB];
	_ =	sdelay $0x1  }
0x9a: {  	s5 =	simm.s32 $_scs_section_size  }
0x9b: {  	s6 =	simm.s32 $_size__tile_overlayer_lowered;
	s7 =	simm.s32 $_tile_overlayer_lowered  }
0x9c: {  	s23 =	simm.s32 $0x1BFF;
	s22 =	sshll.u32 s7, $0x1;
	s4 =	sadd.s32 s5, s20  }
0x9d: {  	s8 =	simm.s32 $0x0;
	s21 =	sshll.u32 s6, $0x1;
	s6 =	sadd.s32 s22, s4  }
0x9e: {  	[timem:s8], [sflag:s23] =	dma.local [hbm:s6], s21  }
0x9f: {  	_ =	swait.ge [sflag:s23], s21  }
0xa0: {  	s5 =	ssub.s32 $0x0, s21;
	[sflag:s23] =	ssyncset.done $0x0  }
0xa1: {  	[sflag:s23] =	ssyncadd.s32 s5;
	_ =	sdelay $0x1  }
0xa2: {  	s24 =	simm.s32 $0x1B8B  }
0xa3: {  	_ =	swait.ge [sflag:s24], $0x1  }
0xa4: {  	[sflag:s24] =	ssyncset.done $0x0  }
0xa5: {  	s25 =	simm.s32 $0x1B8E;
	[sflag:s24] =	ssyncadd.s32 $0xFFFFFFFF  }
0xa6: {  	s26 =	simm.s32 $execute0_lowered;
	[smem:$0x3FD2] =	sst s25  }
0xa7: {  	s5 =	sshll.u32 s26, $0x1;
	_ =	strace $0x80000046;
	[dreg:$0x1] =	wrdreg $0xFFFFFFFF  }
0xa8: {  	s28 =	simm.s32 $_size_execute0_lowered;
	s4 =	sadd.s32 s4, s5;
	[dreg:$0x0] =	wrdreg $0x0  }
0xa9: {  	s5 =	sshll.u32 s28, $0x1;
	[dreg:$0x2] =	wrdreg s4  }
0xaa: {  	[dreg:$0x3] =	wrdreg s5  }
0xab: {  	[dreg:$0x4] =	wrdreg $0xC0  }
0xac: {  	_ =	task [dreg:s8], $0x5FFFF  }
0xad: {  	[dreg:$0x1] =	wrdreg $0xFFFFFFFF  }
0xae: {  	[dreg:$0x0] =	wrdreg $0x60  }
0xaf: {  	[dreg:$0x2] =	wrdreg s2  }
0xb0: {  	[dreg:$0x3] =	wrdreg s19  }
0xb1: {  	[dreg:$0x4] =	wrdreg $0x9  }
0xb2: {  	_ =	task.clear_ibuf [dreg:s8], $0x5FFFF;
	_ =	strace $0x90000046  }
0xb3: {  	s29 =	simm.s32 $0x9;
	_ =	strace $0x80000048  }
0xb4: {  	_ =	swait.ge [sflag:s29], $0x1  }
0xb5: {  	[sflag:s29] =	ssyncadd.s32 $0xFFFFFFFF  }
0xb6: {  	_ =	strace $0x90000048  }
0xb7: {  	_ =	sfence  }
0xb8: {  	s30 =	sld [smem:$0x0];
	_ =	sdelay $0x2  }
0xb9: {  	s31 =	sshll.u32 s1, $0xD;
	s1 =	sshrl.u32 s1, $0x2  }
0xba: {  	s3 =	sand.u32 $0x4000, s31;
	s1 =	sadd.s32 s1, s30  }
0xbb: {  	s0 =	sor.u32 s3, s0;
	s1 =	sshll.u32 s1, $0x11  }
0xbc: {  	s0 =	sor.u32 s1, s0  }
0xbd: {  	s0 =	sadd.s32 $0x8F2B, s0  }
0xbe: {  	[sflag:s0] =	ssyncadd.remote.s32 $0x1  }
0xbf: {  	_ =	sfence.sel $0xFFFF  }
0xc0: {  	[dreg:$0x0] =	wrdreg $0xFFFFFFFF;
	(pc) =	sbr.abs _section_cstart, $3  }
0xc1: {  	[dreg:$0x1] =	wrdreg $0xFFFFFFFF  }
0xc2: {  	_ =	task.clear_ibuf [dreg:s8], $0x2FFFF;
	_ =	strace $0x9FFFFFFF  }
0xc3: {  	(tm) =	ssettm $0x7FFFFFFF  }
tec
execute0_lowered:
.L_overlay_start_1:
0x0: {  	(tag) =	ssettag $0x1  }
0x1: {  	s0 =	srdreg.scid;
	s2 =	stileid.u32  }
0x2: {  	s4 =	simm.s32 $0x1;
	s16 =	rddreg [dreg:$0x1];
	s3 =	simm.s32 $0x0  }
0x3: {  	s18 =	simm.s32 $0x4000;
	s19 =	simm.s32 $0x8000;
	s20 =	simm.s32 $0xC000  }
0x4: {  	s21 =	simm.s32 $0x2;
	s22 =	simm.s32 $0x3;
	s23 =	simm.s32 $0x4  }
0x5: {  	s28 =	simm.s32 $0x5;
	s29 =	simm.s32 $0x0;
	s0 =	sand.u32 $0x1, s0  }
0x6: {  	s9 =	sand.u32 $0x1, s2;
	[smem:$0x7FF] =	sst s3;
	s1 =	sshll.u32 s0, $0x4  }
0x7: {  	p1 =	seq.s32 s9, $0x1;
	s0 =	ssub.s32 $0x2, s0;
	s1 =	sor.u32 s2, s1  }
0x8: {  	s5 =	sshll.u32 s9, $0x12;
	s7 =	sshll.u32 s9, $0x9;
	p0 =	seq.s32 s1, $0x0  }
0x9: {  	s11 =	sshll.u32 s9, $0xD;
	s2 =	rddreg [dreg:$0x0];
	p0 =	por !p0, !p1  }
0xa: {  	_ =	strace $0x80000047;
	s6 =	sshrl.u32 s0, $0x1;
	p0 =	por !p0, !p0  }
0xb: {  	s1 =	sshrl.u32 s1, $0x1;
	s0 =	ssub.s32 s0, s6;
	s4 =	simm.s32 @!p0 $0x0  }
0xc: {  	s6 =	simm.s32 $0x1;
	s17 =	smax.u32 s0, $0x1;
	s1 =	ssub.s32 s1, s4  }
0xd: {  	s4 =	sshll.u32 s1, $0x13;
	s10 =	sshll.u32 s1, $0x9;
	s1 =	sshll.u32 s1, $0x7  }
0xe: {  	s4 =	sadd.s32 $0x1800000, s4;
	s10 =	sand.u32 $0xFFFFF000, s10;
	s1 =	sand.u32 $0x380, s1  }
.Ltmp0:
0xf: {  	s5 =	sor.u32 s5, s4;
	s12 =	sadd.s32 s11, s10;
	(pc) =	sbr.rel .LBB2_1-.Ltmp0, $4  }
0x10: {  	s8 =	sshrl.u32 s5, $0x3;
	s1 =	sor.u32 s1, s12;
	s12 =	sor.u32 $0x10000, s5  }
0x11: {  	s13 =	sor.u32 $0x14000, s5;
	s14 =	sor.u32 $0x18000, s5;
	s8 =	sadd.s32 s2, s8  }
0x12: {  	s15 =	sor.u32 $0x1C000, s5;
	s1 =	sshrl.u32 s1, $0x3;
	s9 =	sadd.s32 $0x800, s8  }
0x13: {  	v0 =	vimm.f32 $0.0e+00;
	s10 =	sadd.s32 $0x1000, s8;
	s11 =	sadd.s32 $0x1800, s8;
	s16 =	sadd.s32 s16, s1  }
.LBB2_12:
0x14: {  	s29 =	sadd.s32 $0x1, s29  }
0x15: {  	s0 =	simm.s32 $0x80;
	p0 =	sne.s32 s29, s17  }
.Ltmp1:
0x16: {  	s1 =	simm.s32 $0x400;
	s24 =	simm.s32 $0x10000;
	(pc) =	sbr.rel @!p0 .LBB2_13-.Ltmp1, $4  }
0x17: {  	[hbm4b:s16+s0] =	stream.strided.scatter [tilespmem:s24], [sflag:$0x5], $0x200, s1, s0, $0x38;
	[tilespmem:$0x10200] =	vst v63  }
0x18: {  	_ =	swait.ge [sflag:s28], $0x200  }
0x19: {  	[sflag:s28] =	ssyncset.done $0x0  }
0x1a: {  	[sflag:s28] =	ssyncadd.s32 $0xFFFFFE00  }
.LBB2_1:
0x1b: {  	[tilespmem:$0x10000] =	vst v0  }
0x1c: {  	[tilespmem:$0x10010] =	vst v0  }
0x1d: {  	[tilespmem:$0x10020] =	vst v0  }
0x1e: {  	[tilespmem:$0x10030] =	vst v0  }
0x1f: {  	[tilespmem:$0x10040] =	vst v0  }
0x20: {  	[tilespmem:$0x10050] =	vst v0  }
0x21: {  	[tilespmem:$0x10060] =	vst v0  }
0x22: {  	[tilespmem:$0x10070] =	vst v0  }
0x23: {  	[tilespmem:$0x10080] =	vst v0  }
0x24: {  	[tilespmem:$0x10090] =	vst v0  }
0x25: {  	[tilespmem:$0x100A0] =	vst v0  }
0x26: {  	[tilespmem:$0x100B0] =	vst v0  }
0x27: {  	[tilespmem:$0x100C0] =	vst v0  }
0x28: {  	[tilespmem:$0x100D0] =	vst v0  }
0x29: {  	[tilespmem:$0x100E0] =	vst v0  }
0x2a: {  	[tilespmem:$0x100F0] =	vst v0  }
0x2b: {  	[tilespmem:$0x10100] =	vst v0  }
0x2c: {  	[tilespmem:$0x10110] =	vst v0  }
0x2d: {  	[tilespmem:$0x10120] =	vst v0  }
0x2e: {  	[tilespmem:$0x10130] =	vst v0  }
0x2f: {  	[tilespmem:$0x10140] =	vst v0  }
0x30: {  	[tilespmem:$0x10150] =	vst v0  }
0x31: {  	[tilespmem:$0x10160] =	vst v0  }
0x32: {  	[tilespmem:$0x10170] =	vst v0  }
0x33: {  	[tilespmem:$0x10180] =	vst v0  }
0x34: {  	[tilespmem:$0x10190] =	vst v0  }
0x35: {  	[tilespmem:$0x101A0] =	vst v0  }
0x36: {  	[tilespmem:$0x101B0] =	vst v0  }
0x37: {  	[tilespmem:$0x101C0] =	vst v0  }
0x38: {  	[tilespmem:$0x101D0] =	vst v0  }
0x39: {  	[tilespmem:$0x101E0] =	vst v0  }
0x3a: {  	[tilespmem:$0x101F0] =	vst v0  }
0x3b: {  	[tilespmem:s3], [sflag:$0x1] =	stream.linear.gather [hbm4b:s8+s3], $0x4000, $0x38;
	[tilespmem:$0x10200] =	vst v63  }
0x3c: {  	_ = 	snop  }
0x3d: {  	[tilespmem:s3], [sflag:$0x1] =	stream.linear.gather [hbm4b:s8+s3], $0x4000, $0x38;
	[tilespmem:$0x10200] =	vst v63  }
0x3e: {  	_ = 	snop  }
0x3f: {  	[tilespmem:s18], [sflag:$0x2] =	stream.linear.gather [hbm4b:s9+s3], $0x4000, $0x38;
	[tilespmem:$0x10200] =	vst v63  }
0x40: {  	_ = 	snop  }
0x41: {  	[tilespmem:s18], [sflag:$0x2] =	stream.linear.gather [hbm4b:s9+s3], $0x4000, $0x38;
	[tilespmem:$0x10200] =	vst v63  }
0x42: {  	_ = 	snop  }
0x43: {  	[tilespmem:s19], [sflag:$0x3] =	stream.linear.gather [hbm4b:s10+s3], $0x4000, $0x38;
	[tilespmem:$0x10200] =	vst v63  }
0x44: {  	_ = 	snop  }
0x45: {  	[tilespmem:s19], [sflag:$0x3] =	stream.linear.gather [hbm4b:s10+s3], $0x4000, $0x38;
	[tilespmem:$0x10200] =	vst v63  }
0x46: {  	_ = 	snop  }
0x47: {  	[tilespmem:s20], [sflag:$0x4] =	stream.linear.gather [hbm4b:s11+s3], $0x4000, $0x38;
	[tilespmem:$0x10200] =	vst v63  }
0x48: {  	s30 =	simm.s32 $0x0  }
0x49: {  	[tilespmem:s20], [sflag:$0x4] =	stream.linear.gather [hbm4b:s11+s3], $0x4000, $0x38;
	[tilespmem:$0x10200] =	vst v63  }
.LBB2_2:
0x4a: {  	s31 =	sshll.u32 s30, $0x10  }
0x4b: {  	s0 =	sor.u32 s31, s5  }
0x4c: {  	s0 =	sshrl.u32 s0, $0x3  }
0x4d: {  	s1 =	simm.s32 $0x0;
	s0 =	sadd.s32 s2, s0  }
0x4e: {  	[tilespmem:s1], [sflag:$0x1] =	stream.linear.gather [hbm4b:s0+s1], $0x4000, $0x38;
	[tilespmem:$0x10200] =	vst v63  }
0x4f: {  	_ =	swait.ge [sflag:s6], $0x4000  }
0x50: {  	[sflag:s6] =	ssyncset.done $0x0  }
0x51: {  	s25 =	sand.u32 $0x3000, s1;
	s1 =	sand.u32 $0x380, s1;
	[sflag:s6] =	ssyncadd.s32 $0xFFFFC000  }
0x52: {  	s0 =	sor.u32 s1, s25;
	v1 =	vld [tilespmem:$0x10000]  }
0x53: {  	v2 =	vld [tilespmem:s0+$0x0];
	_ =	sdelay $0x4  }
0x54: {  	v1 =	vadd.f32 v2, v1;
	_ =	sdelay $0x1  }
0x55: {  	v2 =	vld [tilespmem:$0x10010];
	[tilespmem:$0x10000] =	vst v1  }
0x56: {  	v3 =	vld [tilespmem:s0+$0x10];
	_ =	sdelay $0x4  }
0x57: {  	v2 =	vadd.f32 v3, v2;
	_ =	sdelay $0x1  }
0x58: {  	v3 =	vld [tilespmem:$0x10020];
	[tilespmem:$0x10010] =	vst v2  }
0x59: {  	v4 =	vld [tilespmem:s0+$0x20];
	_ =	sdelay $0x4  }
0x5a: {  	v3 =	vadd.f32 v4, v3;
	_ =	sdelay $0x1  }
0x5b: {  	v4 =	vld [tilespmem:$0x10030];
	[tilespmem:$0x10020] =	vst v3  }
0x5c: {  	v5 =	vld [tilespmem:s0+$0x30];
	_ =	sdelay $0x4  }
0x5d: {  	v4 =	vadd.f32 v5, v4;
	_ =	sdelay $0x1  }
0x5e: {  	v5 =	vld [tilespmem:$0x10040];
	[tilespmem:$0x10030] =	vst v4  }
0x5f: {  	v6 =	vld [tilespmem:s0+$0x40];
	_ =	sdelay $0x4  }
0x60: {  	v5 =	vadd.f32 v6, v5;
	_ =	sdelay $0x1  }
0x61: {  	v6 =	vld [tilespmem:$0x10050];
	[tilespmem:$0x10040] =	vst v5  }
0x62: {  	v7 =	vld [tilespmem:s0+$0x50];
	_ =	sdelay $0x4  }
0x63: {  	v6 =	vadd.f32 v7, v6;
	_ =	sdelay $0x1  }
0x64: {  	v7 =	vld [tilespmem:$0x10060];
	[tilespmem:$0x10050] =	vst v6  }
0x65: {  	v8 =	vld [tilespmem:s0+$0x60];
	_ =	sdelay $0x4  }
0x66: {  	v7 =	vadd.f32 v8, v7;
	_ =	sdelay $0x1  }
0x67: {  	v8 =	vld [tilespmem:$0x10070];
	[tilespmem:$0x10060] =	vst v7  }
0x68: {  	v9 =	vld [tilespmem:s0+$0x70];
	_ =	sdelay $0x4  }
0x69: {  	v8 =	vadd.f32 v9, v8;
	_ =	sdelay $0x1  }
0x6a: {  	v9 =	vld [tilespmem:$0x10080];
	[tilespmem:$0x10070] =	vst v8  }
0x6b: {  	v10 =	vld [tilespmem:s0+$0x400];
	_ =	sdelay $0x4  }
0x6c: {  	v9 =	vadd.f32 v10, v9;
	_ =	sdelay $0x1  }
0x6d: {  	v10 =	vld [tilespmem:$0x10090];
	[tilespmem:$0x10080] =	vst v9  }
0x6e: {  	v11 =	vld [tilespmem:s0+$0x410];
	_ =	sdelay $0x4  }
0x6f: {  	v10 =	vadd.f32 v11, v10;
	_ =	sdelay $0x1  }
0x70: {  	v11 =	vld [tilespmem:$0x100A0];
	[tilespmem:$0x10090] =	vst v10  }
0x71: {  	v12 =	vld [tilespmem:s0+$0x420];
	_ =	sdelay $0x4  }
0x72: {  	v11 =	vadd.f32 v12, v11;
	_ =	sdelay $0x1  }
0x73: {  	v12 =	vld [tilespmem:$0x100B0];
	[tilespmem:$0x100A0] =	vst v11  }
0x74: {  	v13 =	vld [tilespmem:s0+$0x430];
	_ =	sdelay $0x4  }
0x75: {  	v12 =	vadd.f32 v13, v12;
	_ =	sdelay $0x1  }
0x76: {  	v13 =	vld [tilespmem:$0x100C0];
	[tilespmem:$0x100B0] =	vst v12  }
0x77: {  	v14 =	vld [tilespmem:s0+$0x440];
	_ =	sdelay $0x4  }
0x78: {  	v13 =	vadd.f32 v14, v13;
	_ =	sdelay $0x1  }
0x79: {  	v14 =	vld [tilespmem:$0x100D0];
	[tilespmem:$0x100C0] =	vst v13  }
0x7a: {  	v15 =	vld [tilespmem:s0+$0x450];
	_ =	sdelay $0x4  }
0x7b: {  	v14 =	vadd.f32 v15, v14;
	_ =	sdelay $0x1  }
0x7c: {  	v15 =	vld [tilespmem:$0x100E0];
	[tilespmem:$0x100D0] =	vst v14  }
0x7d: {  	v16 =	vld [tilespmem:s0+$0x460];
	_ =	sdelay $0x4  }
0x7e: {  	v15 =	vadd.f32 v16, v15;
	_ =	sdelay $0x1  }
0x7f: {  	v16 =	vld [tilespmem:$0x100F0];
	[tilespmem:$0x100E0] =	vst v15  }
0x80: {  	v17 =	vld [tilespmem:s0+$0x470];
	_ =	sdelay $0x4  }
0x81: {  	v16 =	vadd.f32 v17, v16;
	_ =	sdelay $0x1  }
0x82: {  	v17 =	vld [tilespmem:$0x10100];
	[tilespmem:$0x100F0] =	vst v16  }
0x83: {  	v18 =	vld [tilespmem:s0+$0x800];
	_ =	sdelay $0x4  }
0x84: {  	v17 =	vadd.f32 v18, v17;
	_ =	sdelay $0x1  }
0x85: {  	v18 =	vld [tilespmem:$0x10110];
	[tilespmem:$0x10100] =	vst v17  }
0x86: {  	v19 =	vld [tilespmem:s0+$0x810];
	_ =	sdelay $0x4  }
0x87: {  	v18 =	vadd.f32 v19, v18;
	_ =	sdelay $0x1  }
0x88: {  	v19 =	vld [tilespmem:$0x10120];
	[tilespmem:$0x10110] =	vst v18  }
0x89: {  	v20 =	vld [tilespmem:s0+$0x820];
	_ =	sdelay $0x4  }
0x8a: {  	v19 =	vadd.f32 v20, v19;
	_ =	sdelay $0x1  }
0x8b: {  	v20 =	vld [tilespmem:$0x10130];
	[tilespmem:$0x10120] =	vst v19  }
0x8c: {  	v21 =	vld [tilespmem:s0+$0x830];
	_ =	sdelay $0x4  }
0x8d: {  	v20 =	vadd.f32 v21, v20;
	_ =	sdelay $0x1  }
0x8e: {  	v21 =	vld [tilespmem:$0x10140];
	[tilespmem:$0x10130] =	vst v20  }
0x8f: {  	v22 =	vld [tilespmem:s0+$0x840];
	_ =	sdelay $0x4  }
0x90: {  	v21 =	vadd.f32 v22, v21;
	_ =	sdelay $0x1  }
0x91: {  	v22 =	vld [tilespmem:$0x10150];
	[tilespmem:$0x10140] =	vst v21  }
0x92: {  	v23 =	vld [tilespmem:s0+$0x850];
	_ =	sdelay $0x4  }
0x93: {  	v22 =	vadd.f32 v23, v22;
	_ =	sdelay $0x1  }
0x94: {  	v23 =	vld [tilespmem:$0x10160];
	[tilespmem:$0x10150] =	vst v22  }
0x95: {  	v24 =	vld [tilespmem:s0+$0x860];
	_ =	sdelay $0x4  }
0x96: {  	v23 =	vadd.f32 v24, v23;
	_ =	sdelay $0x1  }
0x97: {  	v24 =	vld [tilespmem:$0x10170];
	[tilespmem:$0x10160] =	vst v23  }
0x98: {  	v25 =	vld [tilespmem:s0+$0x870];
	_ =	sdelay $0x4  }
0x99: {  	v24 =	vadd.f32 v25, v24;
	_ =	sdelay $0x1  }
0x9a: {  	v25 =	vld [tilespmem:$0x10180];
	[tilespmem:$0x10170] =	vst v24  }
0x9b: {  	v26 =	vld [tilespmem:s0+$0xC00];
	_ =	sdelay $0x4  }
0x9c: {  	v25 =	vadd.f32 v26, v25;
	_ =	sdelay $0x1  }
0x9d: {  	v26 =	vld [tilespmem:$0x10190];
	[tilespmem:$0x10180] =	vst v25  }
0x9e: {  	v27 =	vld [tilespmem:s0+$0xC10];
	_ =	sdelay $0x4  }
0x9f: {  	v26 =	vadd.f32 v27, v26;
	_ =	sdelay $0x1  }
0xa0: {  	v27 =	vld [tilespmem:$0x101A0];
	[tilespmem:$0x10190] =	vst v26  }
0xa1: {  	v28 =	vld [tilespmem:s0+$0xC20];
	_ =	sdelay $0x4  }
0xa2: {  	v27 =	vadd.f32 v28, v27;
	_ =	sdelay $0x1  }
0xa3: {  	v28 =	vld [tilespmem:$0x101B0];
	[tilespmem:$0x101A0] =	vst v27  }
0xa4: {  	v29 =	vld [tilespmem:s0+$0xC30];
	_ =	sdelay $0x4  }
0xa5: {  	v28 =	vadd.f32 v29, v28;
	_ =	sdelay $0x1  }
0xa6: {  	v29 =	vld [tilespmem:$0x101C0];
	[tilespmem:$0x101B0] =	vst v28  }
0xa7: {  	v30 =	vld [tilespmem:s0+$0xC40];
	_ =	sdelay $0x4  }
0xa8: {  	v29 =	vadd.f32 v30, v29;
	_ =	sdelay $0x1  }
0xa9: {  	v30 =	vld [tilespmem:$0x101D0];
	[tilespmem:$0x101C0] =	vst v29  }
0xaa: {  	v31 =	vld [tilespmem:s0+$0xC50];
	_ =	sdelay $0x4  }
0xab: {  	v30 =	vadd.f32 v31, v30;
	_ =	sdelay $0x1  }
0xac: {  	v31 =	vld [tilespmem:$0x101E0];
	[tilespmem:$0x101D0] =	vst v30  }
0xad: {  	v32 =	vld [tilespmem:s0+$0xC60];
	_ =	sdelay $0x4  }
0xae: {  	v31 =	vadd.f32 v32, v31;
	_ =	sdelay $0x1  }
0xaf: {  	v63 =	vld [tilespmem:$0x101F0];
	[tilespmem:$0x101E0] =	vst v31  }
0xb0: {  	v33 =	vld [tilespmem:s0+$0xC70];
	_ =	sdelay $0x4  }
0xb1: {  	s26 =	simm.s32 $0x200;
	s1 =	simm.s32 $0x80;
	v32 =	vadd.f32 v33, v63  }
0xb2: {  	s24 =	sand.u32 $0x3000, s26;
	s25 =	sand.u32 $0x380, s1;
	s0 =	simm.s32 $0x400  }
.LBB2_3:
0xb3: {  	p0 =	sne.s32 s0, $0x3E00;
	s24 =	sor.u32 s25, s24;
	[tilespmem:$0x101F0] =	vst v32  }
0xb4: {  	v33 =	vld [tilespmem:s24+$0x0];
	_ =	sdelay $0x4  }
0xb5: {  	v1 =	vadd.f32 v33, v1;
	_ =	sdelay $0x1  }
0xb6: {  	[tilespmem:$0x10000] =	vst v1  }
0xb7: {  	v33 =	vld [tilespmem:s24+$0x10];
	_ =	sdelay $0x4  }
0xb8: {  	v2 =	vadd.f32 v33, v2;
	_ =	sdelay $0x1  }
0xb9: {  	[tilespmem:$0x10010] =	vst v2  }
0xba: {  	v33 =	vld [tilespmem:s24+$0x20];
	_ =	sdelay $0x4  }
0xbb: {  	v3 =	vadd.f32 v33, v3;
	_ =	sdelay $0x1  }
0xbc: {  	[tilespmem:$0x10020] =	vst v3  }
0xbd: {  	v33 =	vld [tilespmem:s24+$0x30];
	_ =	sdelay $0x4  }
0xbe: {  	v4 =	vadd.f32 v33, v4;
	_ =	sdelay $0x1  }
0xbf: {  	[tilespmem:$0x10030] =	vst v4  }
0xc0: {  	v33 =	vld [tilespmem:s24+$0x40];
	_ =	sdelay $0x4  }
0xc1: {  	v5 =	vadd.f32 v33, v5;
	_ =	sdelay $0x1  }
0xc2: {  	[tilespmem:$0x10040] =	vst v5  }
0xc3: {  	v33 =	vld [tilespmem:s24+$0x50];
	_ =	sdelay $0x4  }
0xc4: {  	v6 =	vadd.f32 v33, v6;
	_ =	sdelay $0x1  }
0xc5: {  	[tilespmem:$0x10050] =	vst v6  }
0xc6: {  	v33 =	vld [tilespmem:s24+$0x60];
	_ =	sdelay $0x4  }
0xc7: {  	v7 =	vadd.f32 v33, v7;
	_ =	sdelay $0x1  }
0xc8: {  	[tilespmem:$0x10060] =	vst v7  }
0xc9: {  	v33 =	vld [tilespmem:s24+$0x70];
	_ =	sdelay $0x4  }
0xca: {  	v8 =	vadd.f32 v33, v8;
	_ =	sdelay $0x1  }
0xcb: {  	[tilespmem:$0x10070] =	vst v8  }
0xcc: {  	v33 =	vld [tilespmem:s24+$0x400];
	_ =	sdelay $0x4  }
0xcd: {  	v9 =	vadd.f32 v33, v9;
	_ =	sdelay $0x1  }
0xce: {  	[tilespmem:$0x10080] =	vst v9  }
0xcf: {  	v33 =	vld [tilespmem:s24+$0x410];
	_ =	sdelay $0x4  }
0xd0: {  	v10 =	vadd.f32 v33, v10;
	_ =	sdelay $0x1  }
0xd1: {  	[tilespmem:$0x10090] =	vst v10  }
0xd2: {  	v33 =	vld [tilespmem:s24+$0x420];
	_ =	sdelay $0x4  }
0xd3: {  	v11 =	vadd.f32 v33, v11;
	_ =	sdelay $0x1  }
0xd4: {  	[tilespmem:$0x100A0] =	vst v11  }
0xd5: {  	v33 =	vld [tilespmem:s24+$0x430];
	_ =	sdelay $0x4  }
0xd6: {  	v12 =	vadd.f32 v33, v12;
	_ =	sdelay $0x1  }
0xd7: {  	[tilespmem:$0x100B0] =	vst v12  }
0xd8: {  	v33 =	vld [tilespmem:s24+$0x440];
	_ =	sdelay $0x4  }
0xd9: {  	v13 =	vadd.f32 v33, v13;
	_ =	sdelay $0x1  }
0xda: {  	[tilespmem:$0x100C0] =	vst v13  }
0xdb: {  	v33 =	vld [tilespmem:s24+$0x450];
	_ =	sdelay $0x4  }
0xdc: {  	v14 =	vadd.f32 v33, v14;
	_ =	sdelay $0x1  }
0xdd: {  	[tilespmem:$0x100D0] =	vst v14  }
0xde: {  	v33 =	vld [tilespmem:s24+$0x460];
	_ =	sdelay $0x4  }
0xdf: {  	v15 =	vadd.f32 v33, v15;
	_ =	sdelay $0x1  }
0xe0: {  	[tilespmem:$0x100E0] =	vst v15  }
0xe1: {  	v33 =	vld [tilespmem:s24+$0x470];
	_ =	sdelay $0x4  }
0xe2: {  	v16 =	vadd.f32 v33, v16;
	_ =	sdelay $0x1  }
0xe3: {  	[tilespmem:$0x100F0] =	vst v16  }
0xe4: {  	v33 =	vld [tilespmem:s24+$0x800];
	_ =	sdelay $0x4  }
0xe5: {  	v17 =	vadd.f32 v33, v17;
	_ =	sdelay $0x1  }
0xe6: {  	[tilespmem:$0x10100] =	vst v17  }
0xe7: {  	v33 =	vld [tilespmem:s24+$0x810];
	_ =	sdelay $0x4  }
0xe8: {  	v18 =	vadd.f32 v33, v18;
	_ =	sdelay $0x1  }
0xe9: {  	[tilespmem:$0x10110] =	vst v18  }
0xea: {  	v33 =	vld [tilespmem:s24+$0x820];
	_ =	sdelay $0x4  }
0xeb: {  	v19 =	vadd.f32 v33, v19;
	_ =	sdelay $0x1  }
0xec: {  	[tilespmem:$0x10120] =	vst v19  }
0xed: {  	v33 =	vld [tilespmem:s24+$0x830];
	_ =	sdelay $0x4  }
0xee: {  	v20 =	vadd.f32 v33, v20;
	_ =	sdelay $0x1  }
0xef: {  	[tilespmem:$0x10130] =	vst v20  }
0xf0: {  	v33 =	vld [tilespmem:s24+$0x840];
	_ =	sdelay $0x4  }
0xf1: {  	v21 =	vadd.f32 v33, v21;
	_ =	sdelay $0x1  }
0xf2: {  	[tilespmem:$0x10140] =	vst v21  }
0xf3: {  	v33 =	vld [tilespmem:s24+$0x850];
	_ =	sdelay $0x4  }
0xf4: {  	v22 =	vadd.f32 v33, v22;
	_ =	sdelay $0x1  }
0xf5: {  	[tilespmem:$0x10150] =	vst v22  }
0xf6: {  	v33 =	vld [tilespmem:s24+$0x860];
	_ =	sdelay $0x4  }
0xf7: {  	v23 =	vadd.f32 v33, v23;
	_ =	sdelay $0x1  }
0xf8: {  	[tilespmem:$0x10160] =	vst v23  }
0xf9: {  	v33 =	vld [tilespmem:s24+$0x870];
	_ =	sdelay $0x4  }
0xfa: {  	v24 =	vadd.f32 v33, v24;
	_ =	sdelay $0x1  }
0xfb: {  	[tilespmem:$0x10170] =	vst v24  }
0xfc: {  	v33 =	vld [tilespmem:s24+$0xC00];
	_ =	sdelay $0x4  }
0xfd: {  	v25 =	vadd.f32 v33, v25;
	_ =	sdelay $0x1  }
0xfe: {  	[tilespmem:$0x10180] =	vst v25  }
0xff: {  	v33 =	vld [tilespmem:s24+$0xC10];
	_ =	sdelay $0x4  }
0x100: {  	v26 =	vadd.f32 v33, v26;
	_ =	sdelay $0x1  }
0x101: {  	[tilespmem:$0x10190] =	vst v26  }
0x102: {  	v33 =	vld [tilespmem:s24+$0xC20];
	_ =	sdelay $0x4  }
0x103: {  	v27 =	vadd.f32 v33, v27;
	_ =	sdelay $0x1  }
0x104: {  	[tilespmem:$0x101A0] =	vst v27  }
0x105: {  	v33 =	vld [tilespmem:s24+$0xC30];
	_ =	sdelay $0x4  }
0x106: {  	v28 =	vadd.f32 v33, v28;
	_ =	sdelay $0x1  }
0x107: {  	[tilespmem:$0x101B0] =	vst v28  }
0x108: {  	v33 =	vld [tilespmem:s24+$0xC40];
	_ =	sdelay $0x4  }
0x109: {  	v29 =	vadd.f32 v33, v29;
	_ =	sdelay $0x1  }
0x10a: {  	[tilespmem:$0x101C0] =	vst v29  }
0x10b: {  	v33 =	vld [tilespmem:s24+$0xC50];
	_ =	sdelay $0x4  }
0x10c: {  	v30 =	vadd.f32 v33, v30;
	_ =	sdelay $0x1  }
0x10d: {  	[tilespmem:$0x101D0] =	vst v30  }
0x10e: {  	v33 =	vld [tilespmem:s24+$0xC60];
	_ =	sdelay $0x4  }
0x10f: {  	v31 =	vadd.f32 v33, v31;
	_ =	sdelay $0x1  }
0x110: {  	[tilespmem:$0x101E0] =	vst v31  }
0x111: {  	v33 =	vld [tilespmem:s24+$0xC70];
	_ =	sdelay $0x1  }
.Ltmp2:
0x112: {  	(pc) =	sbr.rel @p0 .LBB2_3-.Ltmp2, $3  }
0x113: {  	_ =	sdelay $0x1  }
0x114: {  	s1 =	sadd.s32 $0x80, s1;
	v32 =	vadd.f32 v33, v32  }
0x115: {  	s25 =	sand.u32 $0x380, s1;
	s24 =	sand.u32 $0x3000, s0;
	s0 =	sadd.s32 $0x200, s0  }
0x116: {  	s0 =	sor.u32 s25, s24;
	[tilespmem:$0x101F0] =	vst v32  }
0x117: {  	v33 =	vld [tilespmem:s0+$0x0];
	_ =	sdelay $0x4  }
0x118: {  	v1 =	vadd.f32 v33, v1;
	_ =	sdelay $0x1  }
0x119: {  	[tilespmem:$0x10000] =	vst v1  }
0x11a: {  	v1 =	vld [tilespmem:s0+$0x10];
	_ =	sdelay $0x4  }
0x11b: {  	v1 =	vadd.f32 v1, v2;
	_ =	sdelay $0x1  }
0x11c: {  	[tilespmem:$0x10010] =	vst v1  }
0x11d: {  	v1 =	vld [tilespmem:s0+$0x20];
	_ =	sdelay $0x4  }
0x11e: {  	v1 =	vadd.f32 v1, v3;
	_ =	sdelay $0x1  }
0x11f: {  	[tilespmem:$0x10020] =	vst v1  }
0x120: {  	v1 =	vld [tilespmem:s0+$0x30];
	_ =	sdelay $0x4  }
0x121: {  	v1 =	vadd.f32 v1, v4;
	_ =	sdelay $0x1  }
0x122: {  	[tilespmem:$0x10030] =	vst v1  }
0x123: {  	v1 =	vld [tilespmem:s0+$0x40];
	_ =	sdelay $0x4  }
0x124: {  	v1 =	vadd.f32 v1, v5;
	_ =	sdelay $0x1  }
0x125: {  	[tilespmem:$0x10040] =	vst v1  }
0x126: {  	v1 =	vld [tilespmem:s0+$0x50];
	_ =	sdelay $0x4  }
0x127: {  	v1 =	vadd.f32 v1, v6;
	_ =	sdelay $0x1  }
0x128: {  	[tilespmem:$0x10050] =	vst v1  }
0x129: {  	v1 =	vld [tilespmem:s0+$0x60];
	_ =	sdelay $0x4  }
0x12a: {  	v1 =	vadd.f32 v1, v7;
	_ =	sdelay $0x1  }
0x12b: {  	[tilespmem:$0x10060] =	vst v1  }
0x12c: {  	v1 =	vld [tilespmem:s0+$0x70];
	_ =	sdelay $0x4  }
0x12d: {  	v1 =	vadd.f32 v1, v8;
	_ =	sdelay $0x1  }
0x12e: {  	[tilespmem:$0x10070] =	vst v1  }
0x12f: {  	v1 =	vld [tilespmem:s0+$0x400];
	_ =	sdelay $0x4  }
0x130: {  	v1 =	vadd.f32 v1, v9;
	_ =	sdelay $0x1  }
0x131: {  	[tilespmem:$0x10080] =	vst v1  }
0x132: {  	v1 =	vld [tilespmem:s0+$0x410];
	_ =	sdelay $0x4  }
0x133: {  	v1 =	vadd.f32 v1, v10;
	_ =	sdelay $0x1  }
0x134: {  	[tilespmem:$0x10090] =	vst v1  }
0x135: {  	v1 =	vld [tilespmem:s0+$0x420];
	_ =	sdelay $0x4  }
0x136: {  	v1 =	vadd.f32 v1, v11;
	_ =	sdelay $0x1  }
0x137: {  	[tilespmem:$0x100A0] =	vst v1  }
0x138: {  	v1 =	vld [tilespmem:s0+$0x430];
	_ =	sdelay $0x4  }
0x139: {  	v1 =	vadd.f32 v1, v12;
	_ =	sdelay $0x1  }
0x13a: {  	[tilespmem:$0x100B0] =	vst v1  }
0x13b: {  	v1 =	vld [tilespmem:s0+$0x440];
	_ =	sdelay $0x4  }
0x13c: {  	v1 =	vadd.f32 v1, v13;
	_ =	sdelay $0x1  }
0x13d: {  	[tilespmem:$0x100C0] =	vst v1  }
0x13e: {  	v1 =	vld [tilespmem:s0+$0x450];
	_ =	sdelay $0x4  }
0x13f: {  	v1 =	vadd.f32 v1, v14;
	_ =	sdelay $0x1  }
0x140: {  	[tilespmem:$0x100D0] =	vst v1  }
0x141: {  	v1 =	vld [tilespmem:s0+$0x460];
	_ =	sdelay $0x4  }
0x142: {  	v1 =	vadd.f32 v1, v15;
	_ =	sdelay $0x1  }
0x143: {  	[tilespmem:$0x100E0] =	vst v1  }
0x144: {  	v1 =	vld [tilespmem:s0+$0x470];
	_ =	sdelay $0x4  }
0x145: {  	v1 =	vadd.f32 v1, v16;
	_ =	sdelay $0x1  }
0x146: {  	[tilespmem:$0x100F0] =	vst v1  }
0x147: {  	v1 =	vld [tilespmem:s0+$0x800];
	_ =	sdelay $0x4  }
0x148: {  	v1 =	vadd.f32 v1, v17;
	_ =	sdelay $0x1  }
0x149: {  	[tilespmem:$0x10100] =	vst v1  }
0x14a: {  	v1 =	vld [tilespmem:s0+$0x810];
	_ =	sdelay $0x4  }
0x14b: {  	v1 =	vadd.f32 v1, v18;
	_ =	sdelay $0x1  }
0x14c: {  	[tilespmem:$0x10110] =	vst v1  }
0x14d: {  	v1 =	vld [tilespmem:s0+$0x820];
	_ =	sdelay $0x4  }
0x14e: {  	v1 =	vadd.f32 v1, v19;
	_ =	sdelay $0x1  }
0x14f: {  	[tilespmem:$0x10120] =	vst v1  }
0x150: {  	v1 =	vld [tilespmem:s0+$0x830];
	_ =	sdelay $0x4  }
0x151: {  	v1 =	vadd.f32 v1, v20;
	_ =	sdelay $0x1  }
0x152: {  	[tilespmem:$0x10130] =	vst v1  }
0x153: {  	v1 =	vld [tilespmem:s0+$0x840];
	_ =	sdelay $0x4  }
0x154: {  	v1 =	vadd.f32 v1, v21;
	_ =	sdelay $0x1  }
0x155: {  	[tilespmem:$0x10140] =	vst v1  }
0x156: {  	v1 =	vld [tilespmem:s0+$0x850];
	_ =	sdelay $0x4  }
0x157: {  	v1 =	vadd.f32 v1, v22;
	_ =	sdelay $0x1  }
0x158: {  	[tilespmem:$0x10150] =	vst v1  }
0x159: {  	v1 =	vld [tilespmem:s0+$0x860];
	_ =	sdelay $0x4  }
0x15a: {  	v1 =	vadd.f32 v1, v23;
	_ =	sdelay $0x1  }
0x15b: {  	[tilespmem:$0x10160] =	vst v1  }
0x15c: {  	v1 =	vld [tilespmem:s0+$0x870];
	_ =	sdelay $0x4  }
0x15d: {  	v1 =	vadd.f32 v1, v24;
	_ =	sdelay $0x1  }
0x15e: {  	[tilespmem:$0x10170] =	vst v1  }
0x15f: {  	v1 =	vld [tilespmem:s0+$0xC00];
	_ =	sdelay $0x4  }
0x160: {  	v1 =	vadd.f32 v1, v25;
	_ =	sdelay $0x1  }
0x161: {  	[tilespmem:$0x10180] =	vst v1  }
0x162: {  	v1 =	vld [tilespmem:s0+$0xC10];
	_ =	sdelay $0x4  }
0x163: {  	v1 =	vadd.f32 v1, v26;
	_ =	sdelay $0x1  }
0x164: {  	[tilespmem:$0x10190] =	vst v1  }
0x165: {  	v1 =	vld [tilespmem:s0+$0xC20];
	_ =	sdelay $0x4  }
0x166: {  	v1 =	vadd.f32 v1, v27;
	_ =	sdelay $0x1  }
0x167: {  	[tilespmem:$0x101A0] =	vst v1  }
0x168: {  	v1 =	vld [tilespmem:s0+$0xC30];
	_ =	sdelay $0x4  }
0x169: {  	v1 =	vadd.f32 v1, v28;
	_ =	sdelay $0x1  }
0x16a: {  	[tilespmem:$0x101B0] =	vst v1  }
0x16b: {  	v1 =	vld [tilespmem:s0+$0xC40];
	_ =	sdelay $0x4  }
0x16c: {  	v1 =	vadd.f32 v1, v29;
	_ =	sdelay $0x1  }
0x16d: {  	[tilespmem:$0x101C0] =	vst v1  }
0x16e: {  	v1 =	vld [tilespmem:s0+$0xC50];
	_ =	sdelay $0x4  }
0x16f: {  	v1 =	vadd.f32 v1, v30;
	_ =	sdelay $0x1  }
0x170: {  	[tilespmem:$0x101D0] =	vst v1  }
0x171: {  	v1 =	vld [tilespmem:s0+$0xC60];
	_ =	sdelay $0x4  }
0x172: {  	v1 =	vadd.f32 v1, v31;
	_ =	sdelay $0x1  }
0x173: {  	[tilespmem:$0x101E0] =	vst v1  }
0x174: {  	v1 =	vld [tilespmem:s0+$0xC70];
	_ =	sdelay $0x3  }
0x175: {  	p0 =	seq.s32 s30, $0x3  }
0x176: {  	s0 =	sadd.s32 @!p0 s31, s12;
	v1 =	vadd.f32 v1, v32  }
0x177: {  	s0 =	sshrl.u32 @!p0 s0, $0x3  }
0x178: {  	s1 =	simm.s32 @!p0 $0x0;
	s0 =	sadd.s32 @!p0 s2, s0;
	[tilespmem:$0x101F0] =	vst v1  }
0x179: {  	[tilespmem:s1], [sflag:$0x1] =	stream.linear.gather @!p0 [hbm4b:s0+s1], $0x4000, $0x38;
	[tilespmem:$0x10200] =	vst v63  }
0x17a: {  	s25 =	sshll.u32 s30, $0x7  }
0x17b: {  	[tilespmem:s1], [sflag:$0x1] =	stream.linear.gather @!p0 [hbm4b:s0+s1], $0x4000, $0x38;
	[tilespmem:$0x10200] =	vst v63  }
0x17c: {  	s0 =	sadd.s32 s25, s7  }
0x17d: {  	s0 =	sshll.u32 s0, $0x9  }
0x17e: {  	s1 =	sadd.s32 s4, s0  }
0x17f: {  	s0 =	sadd.s32 $0x4000, s1  }
0x180: {  	s0 =	sshrl.u32 s0, $0x3  }
0x181: {  	s26 =	simm.s32 $0x0;
	s0 =	sadd.s32 s2, s0  }
0x182: {  	[tilespmem:s18], [sflag:$0x2] =	stream.linear.gather [hbm4b:s0+s26], $0x4000, $0x38;
	[tilespmem:$0x10200] =	vst v63  }
0x183: {  	_ =	swait.ge [sflag:s21], $0x4000  }
0x184: {  	[sflag:s21] =	ssyncset.done $0x0  }
0x185: {  	s24 =	sand.u32 $0x380, s26;
	s25 =	sand.u32 $0x3000, s26;
	[sflag:s21] =	ssyncadd.s32 $0xFFFFC000  }
0x186: {  	s0 =	sor.u32 s24, s25;
	v1 =	vld [tilespmem:$0x10000]  }
0x187: {  	v2 =	vld [tilespmem:s0+$0x4000];
	_ =	sdelay $0x4  }
0x188: {  	v1 =	vadd.f32 v2, v1;
	_ =	sdelay $0x1  }
0x189: {  	v2 =	vld [tilespmem:$0x10010];
	[tilespmem:$0x10000] =	vst v1  }
0x18a: {  	v3 =	vld [tilespmem:s0+$0x4010];
	_ =	sdelay $0x4  }
0x18b: {  	v2 =	vadd.f32 v3, v2;
	_ =	sdelay $0x1  }
0x18c: {  	v3 =	vld [tilespmem:$0x10020];
	[tilespmem:$0x10010] =	vst v2  }
0x18d: {  	v4 =	vld [tilespmem:s0+$0x4020];
	_ =	sdelay $0x4  }
0x18e: {  	v3 =	vadd.f32 v4, v3;
	_ =	sdelay $0x1  }
0x18f: {  	v4 =	vld [tilespmem:$0x10030];
	[tilespmem:$0x10020] =	vst v3  }
0x190: {  	v5 =	vld [tilespmem:s0+$0x4030];
	_ =	sdelay $0x4  }
0x191: {  	v4 =	vadd.f32 v5, v4;
	_ =	sdelay $0x1  }
0x192: {  	v5 =	vld [tilespmem:$0x10040];
	[tilespmem:$0x10030] =	vst v4  }
0x193: {  	v6 =	vld [tilespmem:s0+$0x4040];
	_ =	sdelay $0x4  }
0x194: {  	v5 =	vadd.f32 v6, v5;
	_ =	sdelay $0x1  }
0x195: {  	v6 =	vld [tilespmem:$0x10050];
	[tilespmem:$0x10040] =	vst v5  }
0x196: {  	v7 =	vld [tilespmem:s0+$0x4050];
	_ =	sdelay $0x4  }
0x197: {  	v6 =	vadd.f32 v7, v6;
	_ =	sdelay $0x1  }
0x198: {  	v7 =	vld [tilespmem:$0x10060];
	[tilespmem:$0x10050] =	vst v6  }
0x199: {  	v8 =	vld [tilespmem:s0+$0x4060];
	_ =	sdelay $0x4  }
0x19a: {  	v7 =	vadd.f32 v8, v7;
	_ =	sdelay $0x1  }
0x19b: {  	v8 =	vld [tilespmem:$0x10070];
	[tilespmem:$0x10060] =	vst v7  }
0x19c: {  	v9 =	vld [tilespmem:s0+$0x4070];
	_ =	sdelay $0x4  }
0x19d: {  	v8 =	vadd.f32 v9, v8;
	_ =	sdelay $0x1  }
0x19e: {  	v9 =	vld [tilespmem:$0x10080];
	[tilespmem:$0x10070] =	vst v8  }
0x19f: {  	v10 =	vld [tilespmem:s0+$0x4400];
	_ =	sdelay $0x4  }
0x1a0: {  	v9 =	vadd.f32 v10, v9;
	_ =	sdelay $0x1  }
0x1a1: {  	v10 =	vld [tilespmem:$0x10090];
	[tilespmem:$0x10080] =	vst v9  }
0x1a2: {  	v11 =	vld [tilespmem:s0+$0x4410];
	_ =	sdelay $0x4  }
0x1a3: {  	v10 =	vadd.f32 v11, v10;
	_ =	sdelay $0x1  }
0x1a4: {  	v11 =	vld [tilespmem:$0x100A0];
	[tilespmem:$0x10090] =	vst v10  }
0x1a5: {  	v12 =	vld [tilespmem:s0+$0x4420];
	_ =	sdelay $0x4  }
0x1a6: {  	v11 =	vadd.f32 v12, v11;
	_ =	sdelay $0x1  }
0x1a7: {  	v12 =	vld [tilespmem:$0x100B0];
	[tilespmem:$0x100A0] =	vst v11  }
0x1a8: {  	v13 =	vld [tilespmem:s0+$0x4430];
	_ =	sdelay $0x4  }
0x1a9: {  	v12 =	vadd.f32 v13, v12;
	_ =	sdelay $0x1  }
0x1aa: {  	v13 =	vld [tilespmem:$0x100C0];
	[tilespmem:$0x100B0] =	vst v12  }
0x1ab: {  	v14 =	vld [tilespmem:s0+$0x4440];
	_ =	sdelay $0x4  }
0x1ac: {  	v13 =	vadd.f32 v14, v13;
	_ =	sdelay $0x1  }
0x1ad: {  	v14 =	vld [tilespmem:$0x100D0];
	[tilespmem:$0x100C0] =	vst v13  }
0x1ae: {  	v15 =	vld [tilespmem:s0+$0x4450];
	_ =	sdelay $0x4  }
0x1af: {  	v14 =	vadd.f32 v15, v14;
	_ =	sdelay $0x1  }
0x1b0: {  	v15 =	vld [tilespmem:$0x100E0];
	[tilespmem:$0x100D0] =	vst v14  }
0x1b1: {  	v16 =	vld [tilespmem:s0+$0x4460];
	_ =	sdelay $0x4  }
0x1b2: {  	v15 =	vadd.f32 v16, v15;
	_ =	sdelay $0x1  }
0x1b3: {  	v16 =	vld [tilespmem:$0x100F0];
	[tilespmem:$0x100E0] =	vst v15  }
0x1b4: {  	v17 =	vld [tilespmem:s0+$0x4470];
	_ =	sdelay $0x4  }
0x1b5: {  	v16 =	vadd.f32 v17, v16;
	_ =	sdelay $0x1  }
0x1b6: {  	v17 =	vld [tilespmem:$0x10100];
	[tilespmem:$0x100F0] =	vst v16  }
0x1b7: {  	v18 =	vld [tilespmem:s0+$0x4800];
	_ =	sdelay $0x4  }
0x1b8: {  	v17 =	vadd.f32 v18, v17;
	_ =	sdelay $0x1  }
0x1b9: {  	v18 =	vld [tilespmem:$0x10110];
	[tilespmem:$0x10100] =	vst v17  }
0x1ba: {  	v19 =	vld [tilespmem:s0+$0x4810];
	_ =	sdelay $0x4  }
0x1bb: {  	v18 =	vadd.f32 v19, v18;
	_ =	sdelay $0x1  }
0x1bc: {  	v19 =	vld [tilespmem:$0x10120];
	[tilespmem:$0x10110] =	vst v18  }
0x1bd: {  	v20 =	vld [tilespmem:s0+$0x4820];
	_ =	sdelay $0x4  }
0x1be: {  	v19 =	vadd.f32 v20, v19;
	_ =	sdelay $0x1  }
0x1bf: {  	v20 =	vld [tilespmem:$0x10130];
	[tilespmem:$0x10120] =	vst v19  }
0x1c0: {  	v21 =	vld [tilespmem:s0+$0x4830];
	_ =	sdelay $0x4  }
0x1c1: {  	v20 =	vadd.f32 v21, v20;
	_ =	sdelay $0x1  }
0x1c2: {  	v21 =	vld [tilespmem:$0x10140];
	[tilespmem:$0x10130] =	vst v20  }
0x1c3: {  	v22 =	vld [tilespmem:s0+$0x4840];
	_ =	sdelay $0x4  }
0x1c4: {  	v21 =	vadd.f32 v22, v21;
	_ =	sdelay $0x1  }
0x1c5: {  	v22 =	vld [tilespmem:$0x10150];
	[tilespmem:$0x10140] =	vst v21  }
0x1c6: {  	v23 =	vld [tilespmem:s0+$0x4850];
	_ =	sdelay $0x4  }
0x1c7: {  	v22 =	vadd.f32 v23, v22;
	_ =	sdelay $0x1  }
0x1c8: {  	v23 =	vld [tilespmem:$0x10160];
	[tilespmem:$0x10150] =	vst v22  }
0x1c9: {  	v24 =	vld [tilespmem:s0+$0x4860];
	_ =	sdelay $0x4  }
0x1ca: {  	v23 =	vadd.f32 v24, v23;
	_ =	sdelay $0x1  }
0x1cb: {  	v24 =	vld [tilespmem:$0x10170];
	[tilespmem:$0x10160] =	vst v23  }
0x1cc: {  	v25 =	vld [tilespmem:s0+$0x4870];
	_ =	sdelay $0x4  }
0x1cd: {  	v24 =	vadd.f32 v25, v24;
	_ =	sdelay $0x1  }
0x1ce: {  	v25 =	vld [tilespmem:$0x10180];
	[tilespmem:$0x10170] =	vst v24  }
0x1cf: {  	v26 =	vld [tilespmem:s0+$0x4C00];
	_ =	sdelay $0x4  }
0x1d0: {  	v25 =	vadd.f32 v26, v25;
	_ =	sdelay $0x1  }
0x1d1: {  	v26 =	vld [tilespmem:$0x10190];
	[tilespmem:$0x10180] =	vst v25  }
0x1d2: {  	v27 =	vld [tilespmem:s0+$0x4C10];
	_ =	sdelay $0x4  }
0x1d3: {  	v26 =	vadd.f32 v27, v26;
	_ =	sdelay $0x1  }
0x1d4: {  	v27 =	vld [tilespmem:$0x101A0];
	[tilespmem:$0x10190] =	vst v26  }
0x1d5: {  	v28 =	vld [tilespmem:s0+$0x4C20];
	_ =	sdelay $0x4  }
0x1d6: {  	v27 =	vadd.f32 v28, v27;
	_ =	sdelay $0x1  }
0x1d7: {  	v28 =	vld [tilespmem:$0x101B0];
	[tilespmem:$0x101A0] =	vst v27  }
0x1d8: {  	v29 =	vld [tilespmem:s0+$0x4C30];
	_ =	sdelay $0x4  }
0x1d9: {  	v28 =	vadd.f32 v29, v28;
	_ =	sdelay $0x1  }
0x1da: {  	v29 =	vld [tilespmem:$0x101C0];
	[tilespmem:$0x101B0] =	vst v28  }
0x1db: {  	v30 =	vld [tilespmem:s0+$0x4C40];
	_ =	sdelay $0x4  }
0x1dc: {  	v29 =	vadd.f32 v30, v29;
	_ =	sdelay $0x1  }
0x1dd: {  	v30 =	vld [tilespmem:$0x101D0];
	[tilespmem:$0x101C0] =	vst v29  }
0x1de: {  	v31 =	vld [tilespmem:s0+$0x4C50];
	_ =	sdelay $0x4  }
0x1df: {  	v30 =	vadd.f32 v31, v30;
	_ =	sdelay $0x1  }
0x1e0: {  	v31 =	vld [tilespmem:$0x101E0];
	[tilespmem:$0x101D0] =	vst v30  }
0x1e1: {  	v61 =	vld [tilespmem:s0+$0x4C60];
	_ =	sdelay $0x4  }
0x1e2: {  	v31 =	vadd.f32 v61, v31;
	_ =	sdelay $0x1  }
0x1e3: {  	v62 =	vld [tilespmem:$0x101F0];
	[tilespmem:$0x101E0] =	vst v31  }
0x1e4: {  	v63 =	vld [tilespmem:s0+$0x4C70];
	_ =	sdelay $0x4  }
0x1e5: {  	s26 =	simm.s32 $0x200;
	s0 =	simm.s32 $0x80;
	v32 =	vadd.f32 v63, v62  }
0x1e6: {  	s24 =	simm.s32 $0x400;
	s25 =	sand.u32 $0x3000, s26;
	s26 =	sand.u32 $0x380, s0  }
.LBB2_5:
0x1e7: {  	p1 =	sne.s32 s24, $0x3E00;
	s25 =	sor.u32 s26, s25;
	[tilespmem:$0x101F0] =	vst v32  }
0x1e8: {  	v33 =	vld [tilespmem:s25+$0x4000];
	_ =	sdelay $0x4  }
0x1e9: {  	v1 =	vadd.f32 v33, v1;
	_ =	sdelay $0x1  }
0x1ea: {  	[tilespmem:$0x10000] =	vst v1  }
0x1eb: {  	v33 =	vld [tilespmem:s25+$0x4010];
	_ =	sdelay $0x4  }
0x1ec: {  	v2 =	vadd.f32 v33, v2;
	_ =	sdelay $0x1  }
0x1ed: {  	[tilespmem:$0x10010] =	vst v2  }
0x1ee: {  	v33 =	vld [tilespmem:s25+$0x4020];
	_ =	sdelay $0x4  }
0x1ef: {  	v3 =	vadd.f32 v33, v3;
	_ =	sdelay $0x1  }
0x1f0: {  	[tilespmem:$0x10020] =	vst v3  }
0x1f1: {  	v33 =	vld [tilespmem:s25+$0x4030];
	_ =	sdelay $0x4  }
0x1f2: {  	v4 =	vadd.f32 v33, v4;
	_ =	sdelay $0x1  }
0x1f3: {  	[tilespmem:$0x10030] =	vst v4  }
0x1f4: {  	v33 =	vld [tilespmem:s25+$0x4040];
	_ =	sdelay $0x4  }
0x1f5: {  	v5 =	vadd.f32 v33, v5;
	_ =	sdelay $0x1  }
0x1f6: {  	[tilespmem:$0x10040] =	vst v5  }
0x1f7: {  	v33 =	vld [tilespmem:s25+$0x4050];
	_ =	sdelay $0x4  }
0x1f8: {  	v6 =	vadd.f32 v33, v6;
	_ =	sdelay $0x1  }
0x1f9: {  	[tilespmem:$0x10050] =	vst v6  }
0x1fa: {  	v33 =	vld [tilespmem:s25+$0x4060];
	_ =	sdelay $0x4  }
0x1fb: {  	v7 =	vadd.f32 v33, v7;
	_ =	sdelay $0x1  }
0x1fc: {  	[tilespmem:$0x10060] =	vst v7  }
0x1fd: {  	v33 =	vld [tilespmem:s25+$0x4070];
	_ =	sdelay $0x4  }
0x1fe: {  	v8 =	vadd.f32 v33, v8;
	_ =	sdelay $0x1  }
0x1ff: {  	[tilespmem:$0x10070] =	vst v8  }
0x200: {  	v33 =	vld [tilespmem:s25+$0x4400];
	_ =	sdelay $0x4  }
0x201: {  	v9 =	vadd.f32 v33, v9;
	_ =	sdelay $0x1  }
0x202: {  	[tilespmem:$0x10080] =	vst v9  }
0x203: {  	v33 =	vld [tilespmem:s25+$0x4410];
	_ =	sdelay $0x4  }
0x204: {  	v10 =	vadd.f32 v33, v10;
	_ =	sdelay $0x1  }
0x205: {  	[tilespmem:$0x10090] =	vst v10  }
0x206: {  	v33 =	vld [tilespmem:s25+$0x4420];
	_ =	sdelay $0x4  }
0x207: {  	v11 =	vadd.f32 v33, v11;
	_ =	sdelay $0x1  }
0x208: {  	[tilespmem:$0x100A0] =	vst v11  }
0x209: {  	v33 =	vld [tilespmem:s25+$0x4430];
	_ =	sdelay $0x4  }
0x20a: {  	v12 =	vadd.f32 v33, v12;
	_ =	sdelay $0x1  }
0x20b: {  	[tilespmem:$0x100B0] =	vst v12  }
0x20c: {  	v33 =	vld [tilespmem:s25+$0x4440];
	_ =	sdelay $0x4  }
0x20d: {  	v13 =	vadd.f32 v33, v13;
	_ =	sdelay $0x1  }
0x20e: {  	[tilespmem:$0x100C0] =	vst v13  }
0x20f: {  	v33 =	vld [tilespmem:s25+$0x4450];
	_ =	sdelay $0x4  }
0x210: {  	v14 =	vadd.f32 v33, v14;
	_ =	sdelay $0x1  }
0x211: {  	[tilespmem:$0x100D0] =	vst v14  }
0x212: {  	v33 =	vld [tilespmem:s25+$0x4460];
	_ =	sdelay $0x4  }
0x213: {  	v15 =	vadd.f32 v33, v15;
	_ =	sdelay $0x1  }
0x214: {  	[tilespmem:$0x100E0] =	vst v15  }
0x215: {  	v33 =	vld [tilespmem:s25+$0x4470];
	_ =	sdelay $0x4  }
0x216: {  	v16 =	vadd.f32 v33, v16;
	_ =	sdelay $0x1  }
0x217: {  	[tilespmem:$0x100F0] =	vst v16  }
0x218: {  	v33 =	vld [tilespmem:s25+$0x4800];
	_ =	sdelay $0x4  }
0x219: {  	v17 =	vadd.f32 v33, v17;
	_ =	sdelay $0x1  }
0x21a: {  	[tilespmem:$0x10100] =	vst v17  }
0x21b: {  	v33 =	vld [tilespmem:s25+$0x4810];
	_ =	sdelay $0x4  }
0x21c: {  	v18 =	vadd.f32 v33, v18;
	_ =	sdelay $0x1  }
0x21d: {  	[tilespmem:$0x10110] =	vst v18  }
0x21e: {  	v33 =	vld [tilespmem:s25+$0x4820];
	_ =	sdelay $0x4  }
0x21f: {  	v19 =	vadd.f32 v33, v19;
	_ =	sdelay $0x1  }
0x220: {  	[tilespmem:$0x10120] =	vst v19  }
0x221: {  	v33 =	vld [tilespmem:s25+$0x4830];
	_ =	sdelay $0x4  }
0x222: {  	v20 =	vadd.f32 v33, v20;
	_ =	sdelay $0x1  }
0x223: {  	[tilespmem:$0x10130] =	vst v20  }
0x224: {  	v33 =	vld [tilespmem:s25+$0x4840];
	_ =	sdelay $0x4  }
0x225: {  	v21 =	vadd.f32 v33, v21;
	_ =	sdelay $0x1  }
0x226: {  	[tilespmem:$0x10140] =	vst v21  }
0x227: {  	v33 =	vld [tilespmem:s25+$0x4850];
	_ =	sdelay $0x4  }
0x228: {  	v22 =	vadd.f32 v33, v22;
	_ =	sdelay $0x1  }
0x229: {  	[tilespmem:$0x10150] =	vst v22  }
0x22a: {  	v33 =	vld [tilespmem:s25+$0x4860];
	_ =	sdelay $0x4  }
0x22b: {  	v23 =	vadd.f32 v33, v23;
	_ =	sdelay $0x1  }
0x22c: {  	[tilespmem:$0x10160] =	vst v23  }
0x22d: {  	v33 =	vld [tilespmem:s25+$0x4870];
	_ =	sdelay $0x4  }
0x22e: {  	v24 =	vadd.f32 v33, v24;
	_ =	sdelay $0x1  }
0x22f: {  	[tilespmem:$0x10170] =	vst v24  }
0x230: {  	v33 =	vld [tilespmem:s25+$0x4C00];
	_ =	sdelay $0x4  }
0x231: {  	v25 =	vadd.f32 v33, v25;
	_ =	sdelay $0x1  }
0x232: {  	[tilespmem:$0x10180] =	vst v25  }
0x233: {  	v33 =	vld [tilespmem:s25+$0x4C10];
	_ =	sdelay $0x4  }
0x234: {  	v26 =	vadd.f32 v33, v26;
	_ =	sdelay $0x1  }
0x235: {  	[tilespmem:$0x10190] =	vst v26  }
0x236: {  	v33 =	vld [tilespmem:s25+$0x4C20];
	_ =	sdelay $0x4  }
0x237: {  	v27 =	vadd.f32 v33, v27;
	_ =	sdelay $0x1  }
0x238: {  	[tilespmem:$0x101A0] =	vst v27  }
0x239: {  	v33 =	vld [tilespmem:s25+$0x4C30];
	_ =	sdelay $0x4  }
0x23a: {  	v28 =	vadd.f32 v33, v28;
	_ =	sdelay $0x1  }
0x23b: {  	[tilespmem:$0x101B0] =	vst v28  }
0x23c: {  	v33 =	vld [tilespmem:s25+$0x4C40];
	_ =	sdelay $0x4  }
0x23d: {  	v29 =	vadd.f32 v33, v29;
	_ =	sdelay $0x1  }
0x23e: {  	[tilespmem:$0x101C0] =	vst v29  }
0x23f: {  	v33 =	vld [tilespmem:s25+$0x4C50];
	_ =	sdelay $0x4  }
0x240: {  	v30 =	vadd.f32 v33, v30;
	_ =	sdelay $0x1  }
0x241: {  	[tilespmem:$0x101D0] =	vst v30  }
0x242: {  	v33 =	vld [tilespmem:s25+$0x4C60];
	_ =	sdelay $0x4  }
0x243: {  	v31 =	vadd.f32 v33, v31;
	_ =	sdelay $0x1  }
0x244: {  	[tilespmem:$0x101E0] =	vst v31  }
0x245: {  	v33 =	vld [tilespmem:s25+$0x4C70];
	_ =	sdelay $0x1  }
.Ltmp3:
0x246: {  	(pc) =	sbr.rel @p1 .LBB2_5-.Ltmp3, $3  }
0x247: {  	_ =	sdelay $0x1  }
0x248: {  	s0 =	sadd.s32 $0x80, s0;
	v32 =	vadd.f32 v33, v32  }
0x249: {  	s26 =	sand.u32 $0x380, s0;
	s25 =	sand.u32 $0x3000, s24;
	s24 =	sadd.s32 $0x200, s24  }
0x24a: {  	s0 =	sor.u32 s26, s25;
	[tilespmem:$0x101F0] =	vst v32  }
0x24b: {  	v33 =	vld [tilespmem:s0+$0x4000];
	_ =	sdelay $0x4  }
0x24c: {  	v1 =	vadd.f32 v33, v1;
	_ =	sdelay $0x1  }
0x24d: {  	[tilespmem:$0x10000] =	vst v1  }
0x24e: {  	v1 =	vld [tilespmem:s0+$0x4010];
	_ =	sdelay $0x4  }
0x24f: {  	v1 =	vadd.f32 v1, v2;
	_ =	sdelay $0x1  }
0x250: {  	[tilespmem:$0x10010] =	vst v1  }
0x251: {  	v1 =	vld [tilespmem:s0+$0x4020];
	_ =	sdelay $0x4  }
0x252: {  	v1 =	vadd.f32 v1, v3;
	_ =	sdelay $0x1  }
0x253: {  	[tilespmem:$0x10020] =	vst v1  }
0x254: {  	v1 =	vld [tilespmem:s0+$0x4030];
	_ =	sdelay $0x4  }
0x255: {  	v1 =	vadd.f32 v1, v4;
	_ =	sdelay $0x1  }
0x256: {  	[tilespmem:$0x10030] =	vst v1  }
0x257: {  	v1 =	vld [tilespmem:s0+$0x4040];
	_ =	sdelay $0x4  }
0x258: {  	v1 =	vadd.f32 v1, v5;
	_ =	sdelay $0x1  }
0x259: {  	[tilespmem:$0x10040] =	vst v1  }
0x25a: {  	v1 =	vld [tilespmem:s0+$0x4050];
	_ =	sdelay $0x4  }
0x25b: {  	v1 =	vadd.f32 v1, v6;
	_ =	sdelay $0x1  }
0x25c: {  	[tilespmem:$0x10050] =	vst v1  }
0x25d: {  	v1 =	vld [tilespmem:s0+$0x4060];
	_ =	sdelay $0x4  }
0x25e: {  	v1 =	vadd.f32 v1, v7;
	_ =	sdelay $0x1  }
0x25f: {  	[tilespmem:$0x10060] =	vst v1  }
0x260: {  	v1 =	vld [tilespmem:s0+$0x4070];
	_ =	sdelay $0x4  }
0x261: {  	v1 =	vadd.f32 v1, v8;
	_ =	sdelay $0x1  }
0x262: {  	[tilespmem:$0x10070] =	vst v1  }
0x263: {  	v1 =	vld [tilespmem:s0+$0x4400];
	_ =	sdelay $0x4  }
0x264: {  	v1 =	vadd.f32 v1, v9;
	_ =	sdelay $0x1  }
0x265: {  	[tilespmem:$0x10080] =	vst v1  }
0x266: {  	v1 =	vld [tilespmem:s0+$0x4410];
	_ =	sdelay $0x4  }
0x267: {  	v1 =	vadd.f32 v1, v10;
	_ =	sdelay $0x1  }
0x268: {  	[tilespmem:$0x10090] =	vst v1  }
0x269: {  	v1 =	vld [tilespmem:s0+$0x4420];
	_ =	sdelay $0x4  }
0x26a: {  	v1 =	vadd.f32 v1, v11;
	_ =	sdelay $0x1  }
0x26b: {  	[tilespmem:$0x100A0] =	vst v1  }
0x26c: {  	v1 =	vld [tilespmem:s0+$0x4430];
	_ =	sdelay $0x4  }
0x26d: {  	v1 =	vadd.f32 v1, v12;
	_ =	sdelay $0x1  }
0x26e: {  	[tilespmem:$0x100B0] =	vst v1  }
0x26f: {  	v1 =	vld [tilespmem:s0+$0x4440];
	_ =	sdelay $0x4  }
0x270: {  	v1 =	vadd.f32 v1, v13;
	_ =	sdelay $0x1  }
0x271: {  	[tilespmem:$0x100C0] =	vst v1  }
0x272: {  	v1 =	vld [tilespmem:s0+$0x4450];
	_ =	sdelay $0x4  }
0x273: {  	v1 =	vadd.f32 v1, v14;
	_ =	sdelay $0x1  }
0x274: {  	[tilespmem:$0x100D0] =	vst v1  }
0x275: {  	v1 =	vld [tilespmem:s0+$0x4460];
	_ =	sdelay $0x4  }
0x276: {  	v1 =	vadd.f32 v1, v15;
	_ =	sdelay $0x1  }
0x277: {  	[tilespmem:$0x100E0] =	vst v1  }
0x278: {  	v1 =	vld [tilespmem:s0+$0x4470];
	_ =	sdelay $0x4  }
0x279: {  	v1 =	vadd.f32 v1, v16;
	_ =	sdelay $0x1  }
0x27a: {  	[tilespmem:$0x100F0] =	vst v1  }
0x27b: {  	v1 =	vld [tilespmem:s0+$0x4800];
	_ =	sdelay $0x4  }
0x27c: {  	v1 =	vadd.f32 v1, v17;
	_ =	sdelay $0x1  }
0x27d: {  	[tilespmem:$0x10100] =	vst v1  }
0x27e: {  	v1 =	vld [tilespmem:s0+$0x4810];
	_ =	sdelay $0x4  }
0x27f: {  	v1 =	vadd.f32 v1, v18;
	_ =	sdelay $0x1  }
0x280: {  	[tilespmem:$0x10110] =	vst v1  }
0x281: {  	v1 =	vld [tilespmem:s0+$0x4820];
	_ =	sdelay $0x4  }
0x282: {  	v1 =	vadd.f32 v1, v19;
	_ =	sdelay $0x1  }
0x283: {  	[tilespmem:$0x10120] =	vst v1  }
0x284: {  	v1 =	vld [tilespmem:s0+$0x4830];
	_ =	sdelay $0x4  }
0x285: {  	v1 =	vadd.f32 v1, v20;
	_ =	sdelay $0x1  }
0x286: {  	[tilespmem:$0x10130] =	vst v1  }
0x287: {  	v1 =	vld [tilespmem:s0+$0x4840];
	_ =	sdelay $0x4  }
0x288: {  	v1 =	vadd.f32 v1, v21;
	_ =	sdelay $0x1  }
0x289: {  	[tilespmem:$0x10140] =	vst v1  }
0x28a: {  	v1 =	vld [tilespmem:s0+$0x4850];
	_ =	sdelay $0x4  }
0x28b: {  	v1 =	vadd.f32 v1, v22;
	_ =	sdelay $0x1  }
0x28c: {  	[tilespmem:$0x10150] =	vst v1  }
0x28d: {  	v1 =	vld [tilespmem:s0+$0x4860];
	_ =	sdelay $0x4  }
0x28e: {  	v1 =	vadd.f32 v1, v23;
	_ =	sdelay $0x1  }
0x28f: {  	[tilespmem:$0x10160] =	vst v1  }
0x290: {  	v1 =	vld [tilespmem:s0+$0x4870];
	_ =	sdelay $0x4  }
0x291: {  	v1 =	vadd.f32 v1, v24;
	_ =	sdelay $0x1  }
0x292: {  	[tilespmem:$0x10170] =	vst v1  }
0x293: {  	v1 =	vld [tilespmem:s0+$0x4C00];
	_ =	sdelay $0x4  }
0x294: {  	v1 =	vadd.f32 v1, v25;
	_ =	sdelay $0x1  }
0x295: {  	[tilespmem:$0x10180] =	vst v1  }
0x296: {  	v1 =	vld [tilespmem:s0+$0x4C10];
	_ =	sdelay $0x4  }
0x297: {  	v1 =	vadd.f32 v1, v26;
	_ =	sdelay $0x1  }
0x298: {  	[tilespmem:$0x10190] =	vst v1  }
0x299: {  	v1 =	vld [tilespmem:s0+$0x4C20];
	_ =	sdelay $0x4  }
0x29a: {  	v1 =	vadd.f32 v1, v27;
	_ =	sdelay $0x1  }
0x29b: {  	[tilespmem:$0x101A0] =	vst v1  }
0x29c: {  	v1 =	vld [tilespmem:s0+$0x4C30];
	_ =	sdelay $0x4  }
0x29d: {  	v1 =	vadd.f32 v1, v28;
	_ =	sdelay $0x1  }
0x29e: {  	[tilespmem:$0x101B0] =	vst v1  }
0x29f: {  	v1 =	vld [tilespmem:s0+$0x4C40];
	_ =	sdelay $0x4  }
0x2a0: {  	v1 =	vadd.f32 v1, v29;
	_ =	sdelay $0x1  }
0x2a1: {  	[tilespmem:$0x101C0] =	vst v1  }
0x2a2: {  	v1 =	vld [tilespmem:s0+$0x4C50];
	_ =	sdelay $0x4  }
0x2a3: {  	v1 =	vadd.f32 v1, v30;
	_ =	sdelay $0x1  }
0x2a4: {  	[tilespmem:$0x101D0] =	vst v1  }
0x2a5: {  	v1 =	vld [tilespmem:s0+$0x4C60];
	_ =	sdelay $0x4  }
0x2a6: {  	v1 =	vadd.f32 v1, v31;
	_ =	sdelay $0x1  }
0x2a7: {  	[tilespmem:$0x101E0] =	vst v1  }
0x2a8: {  	v1 =	vld [tilespmem:s0+$0x4C70];
	_ =	sdelay $0x4  }
0x2a9: {  	s0 =	sadd.s32 @!p0 s31, s13;
	v1 =	vadd.f32 v1, v32  }
0x2aa: {  	s0 =	sshrl.u32 @!p0 s0, $0x3  }
0x2ab: {  	s24 =	simm.s32 @!p0 $0x0;
	s25 =	simm.s32 @!p0 $0x4000;
	s0 =	sadd.s32 @!p0 s2, s0;
	[tilespmem:$0x101F0] =	vst v1  }
0x2ac: {  	[tilespmem:s25], [sflag:$0x2] =	stream.linear.gather @!p0 [hbm4b:s0+s24], $0x4000, $0x38;
	[tilespmem:$0x10200] =	vst v63  }
0x2ad: {  	_ = 	snop  }
0x2ae: {  	[tilespmem:s25], [sflag:$0x2] =	stream.linear.gather @!p0 [hbm4b:s0+s24], $0x4000, $0x38;
	[tilespmem:$0x10200] =	vst v63  }
0x2af: {  	s25 =	sadd.s32 $0x8000, s1  }
0x2b0: {  	s0 =	sshrl.u32 s25, $0x3  }
0x2b1: {  	s26 =	simm.s32 $0x0;
	s0 =	sadd.s32 s2, s0  }
0x2b2: {  	[tilespmem:s19], [sflag:$0x3] =	stream.linear.gather [hbm4b:s0+s26], $0x4000, $0x38;
	[tilespmem:$0x10200] =	vst v63  }
0x2b3: {  	_ =	swait.ge [sflag:s22], $0x4000  }
0x2b4: {  	[sflag:s22] =	ssyncset.done $0x0  }
0x2b5: {  	s24 =	sand.u32 $0x380, s26;
	s25 =	sand.u32 $0x3000, s26;
	[sflag:s22] =	ssyncadd.s32 $0xFFFFC000  }
0x2b6: {  	s0 =	sor.u32 s24, s25;
	v1 =	vld [tilespmem:$0x10000]  }
0x2b7: {  	v2 =	vld [tilespmem:s0+$0x8000];
	_ =	sdelay $0x4  }
0x2b8: {  	v1 =	vadd.f32 v2, v1;
	_ =	sdelay $0x1  }
0x2b9: {  	v2 =	vld [tilespmem:$0x10010];
	[tilespmem:$0x10000] =	vst v1  }
0x2ba: {  	v3 =	vld [tilespmem:s0+$0x8010];
	_ =	sdelay $0x4  }
0x2bb: {  	v2 =	vadd.f32 v3, v2;
	_ =	sdelay $0x1  }
0x2bc: {  	v3 =	vld [tilespmem:$0x10020];
	[tilespmem:$0x10010] =	vst v2  }
0x2bd: {  	v4 =	vld [tilespmem:s0+$0x8020];
	_ =	sdelay $0x4  }
0x2be: {  	v3 =	vadd.f32 v4, v3;
	_ =	sdelay $0x1  }
0x2bf: {  	v4 =	vld [tilespmem:$0x10030];
	[tilespmem:$0x10020] =	vst v3  }
0x2c0: {  	v5 =	vld [tilespmem:s0+$0x8030];
	_ =	sdelay $0x4  }
0x2c1: {  	v4 =	vadd.f32 v5, v4;
	_ =	sdelay $0x1  }
0x2c2: {  	v5 =	vld [tilespmem:$0x10040];
	[tilespmem:$0x10030] =	vst v4  }
0x2c3: {  	v6 =	vld [tilespmem:s0+$0x8040];
	_ =	sdelay $0x4  }
0x2c4: {  	v5 =	vadd.f32 v6, v5;
	_ =	sdelay $0x1  }
0x2c5: {  	v6 =	vld [tilespmem:$0x10050];
	[tilespmem:$0x10040] =	vst v5  }
0x2c6: {  	v7 =	vld [tilespmem:s0+$0x8050];
	_ =	sdelay $0x4  }
0x2c7: {  	v6 =	vadd.f32 v7, v6;
	_ =	sdelay $0x1  }
0x2c8: {  	v7 =	vld [tilespmem:$0x10060];
	[tilespmem:$0x10050] =	vst v6  }
0x2c9: {  	v8 =	vld [tilespmem:s0+$0x8060];
	_ =	sdelay $0x4  }
0x2ca: {  	v7 =	vadd.f32 v8, v7;
	_ =	sdelay $0x1  }
0x2cb: {  	v8 =	vld [tilespmem:$0x10070];
	[tilespmem:$0x10060] =	vst v7  }
0x2cc: {  	v9 =	vld [tilespmem:s0+$0x8070];
	_ =	sdelay $0x4  }
0x2cd: {  	v8 =	vadd.f32 v9, v8;
	_ =	sdelay $0x1  }
0x2ce: {  	v9 =	vld [tilespmem:$0x10080];
	[tilespmem:$0x10070] =	vst v8  }
0x2cf: {  	v10 =	vld [tilespmem:s0+$0x8400];
	_ =	sdelay $0x4  }
0x2d0: {  	v9 =	vadd.f32 v10, v9;
	_ =	sdelay $0x1  }
0x2d1: {  	v10 =	vld [tilespmem:$0x10090];
	[tilespmem:$0x10080] =	vst v9  }
0x2d2: {  	v11 =	vld [tilespmem:s0+$0x8410];
	_ =	sdelay $0x4  }
0x2d3: {  	v10 =	vadd.f32 v11, v10;
	_ =	sdelay $0x1  }
0x2d4: {  	v11 =	vld [tilespmem:$0x100A0];
	[tilespmem:$0x10090] =	vst v10  }
0x2d5: {  	v12 =	vld [tilespmem:s0+$0x8420];
	_ =	sdelay $0x4  }
0x2d6: {  	v11 =	vadd.f32 v12, v11;
	_ =	sdelay $0x1  }
0x2d7: {  	v12 =	vld [tilespmem:$0x100B0];
	[tilespmem:$0x100A0] =	vst v11  }
0x2d8: {  	v13 =	vld [tilespmem:s0+$0x8430];
	_ =	sdelay $0x4  }
0x2d9: {  	v12 =	vadd.f32 v13, v12;
	_ =	sdelay $0x1  }
0x2da: {  	v13 =	vld [tilespmem:$0x100C0];
	[tilespmem:$0x100B0] =	vst v12  }
0x2db: {  	v14 =	vld [tilespmem:s0+$0x8440];
	_ =	sdelay $0x4  }
0x2dc: {  	v13 =	vadd.f32 v14, v13;
	_ =	sdelay $0x1  }
0x2dd: {  	v14 =	vld [tilespmem:$0x100D0];
	[tilespmem:$0x100C0] =	vst v13  }
0x2de: {  	v15 =	vld [tilespmem:s0+$0x8450];
	_ =	sdelay $0x4  }
0x2df: {  	v14 =	vadd.f32 v15, v14;
	_ =	sdelay $0x1  }
0x2e0: {  	v15 =	vld [tilespmem:$0x100E0];
	[tilespmem:$0x100D0] =	vst v14  }
0x2e1: {  	v16 =	vld [tilespmem:s0+$0x8460];
	_ =	sdelay $0x4  }
0x2e2: {  	v15 =	vadd.f32 v16, v15;
	_ =	sdelay $0x1  }
0x2e3: {  	v16 =	vld [tilespmem:$0x100F0];
	[tilespmem:$0x100E0] =	vst v15  }
0x2e4: {  	v17 =	vld [tilespmem:s0+$0x8470];
	_ =	sdelay $0x4  }
0x2e5: {  	v16 =	vadd.f32 v17, v16;
	_ =	sdelay $0x1  }
0x2e6: {  	v17 =	vld [tilespmem:$0x10100];
	[tilespmem:$0x100F0] =	vst v16  }
0x2e7: {  	v18 =	vld [tilespmem:s0+$0x8800];
	_ =	sdelay $0x4  }
0x2e8: {  	v17 =	vadd.f32 v18, v17;
	_ =	sdelay $0x1  }
0x2e9: {  	v18 =	vld [tilespmem:$0x10110];
	[tilespmem:$0x10100] =	vst v17  }
0x2ea: {  	v19 =	vld [tilespmem:s0+$0x8810];
	_ =	sdelay $0x4  }
0x2eb: {  	v18 =	vadd.f32 v19, v18;
	_ =	sdelay $0x1  }
0x2ec: {  	v19 =	vld [tilespmem:$0x10120];
	[tilespmem:$0x10110] =	vst v18  }
0x2ed: {  	v20 =	vld [tilespmem:s0+$0x8820];
	_ =	sdelay $0x4  }
0x2ee: {  	v19 =	vadd.f32 v20, v19;
	_ =	sdelay $0x1  }
0x2ef: {  	v20 =	vld [tilespmem:$0x10130];
	[tilespmem:$0x10120] =	vst v19  }
0x2f0: {  	v21 =	vld [tilespmem:s0+$0x8830];
	_ =	sdelay $0x4  }
0x2f1: {  	v20 =	vadd.f32 v21, v20;
	_ =	sdelay $0x1  }
0x2f2: {  	v21 =	vld [tilespmem:$0x10140];
	[tilespmem:$0x10130] =	vst v20  }
0x2f3: {  	v22 =	vld [tilespmem:s0+$0x8840];
	_ =	sdelay $0x4  }
0x2f4: {  	v21 =	vadd.f32 v22, v21;
	_ =	sdelay $0x1  }
0x2f5: {  	v22 =	vld [tilespmem:$0x10150];
	[tilespmem:$0x10140] =	vst v21  }
0x2f6: {  	v23 =	vld [tilespmem:s0+$0x8850];
	_ =	sdelay $0x4  }
0x2f7: {  	v22 =	vadd.f32 v23, v22;
	_ =	sdelay $0x1  }
0x2f8: {  	v23 =	vld [tilespmem:$0x10160];
	[tilespmem:$0x10150] =	vst v22  }
0x2f9: {  	v24 =	vld [tilespmem:s0+$0x8860];
	_ =	sdelay $0x4  }
0x2fa: {  	v23 =	vadd.f32 v24, v23;
	_ =	sdelay $0x1  }
0x2fb: {  	v24 =	vld [tilespmem:$0x10170];
	[tilespmem:$0x10160] =	vst v23  }
0x2fc: {  	v25 =	vld [tilespmem:s0+$0x8870];
	_ =	sdelay $0x4  }
0x2fd: {  	v24 =	vadd.f32 v25, v24;
	_ =	sdelay $0x1  }
0x2fe: {  	v25 =	vld [tilespmem:$0x10180];
	[tilespmem:$0x10170] =	vst v24  }
0x2ff: {  	v26 =	vld [tilespmem:s0+$0x8C00];
	_ =	sdelay $0x4  }
0x300: {  	v25 =	vadd.f32 v26, v25;
	_ =	sdelay $0x1  }
0x301: {  	v26 =	vld [tilespmem:$0x10190];
	[tilespmem:$0x10180] =	vst v25  }
0x302: {  	v27 =	vld [tilespmem:s0+$0x8C10];
	_ =	sdelay $0x4  }
0x303: {  	v26 =	vadd.f32 v27, v26;
	_ =	sdelay $0x1  }
0x304: {  	v27 =	vld [tilespmem:$0x101A0];
	[tilespmem:$0x10190] =	vst v26  }
0x305: {  	v28 =	vld [tilespmem:s0+$0x8C20];
	_ =	sdelay $0x4  }
0x306: {  	v27 =	vadd.f32 v28, v27;
	_ =	sdelay $0x1  }
0x307: {  	v28 =	vld [tilespmem:$0x101B0];
	[tilespmem:$0x101A0] =	vst v27  }
0x308: {  	v29 =	vld [tilespmem:s0+$0x8C30];
	_ =	sdelay $0x4  }
0x309: {  	v28 =	vadd.f32 v29, v28;
	_ =	sdelay $0x1  }
0x30a: {  	v29 =	vld [tilespmem:$0x101C0];
	[tilespmem:$0x101B0] =	vst v28  }
0x30b: {  	v30 =	vld [tilespmem:s0+$0x8C40];
	_ =	sdelay $0x4  }
0x30c: {  	v29 =	vadd.f32 v30, v29;
	_ =	sdelay $0x1  }
0x30d: {  	v30 =	vld [tilespmem:$0x101D0];
	[tilespmem:$0x101C0] =	vst v29  }
0x30e: {  	v31 =	vld [tilespmem:s0+$0x8C50];
	_ =	sdelay $0x4  }
0x30f: {  	v30 =	vadd.f32 v31, v30;
	_ =	sdelay $0x1  }
0x310: {  	v31 =	vld [tilespmem:$0x101E0];
	[tilespmem:$0x101D0] =	vst v30  }
0x311: {  	v61 =	vld [tilespmem:s0+$0x8C60];
	_ =	sdelay $0x4  }
0x312: {  	v31 =	vadd.f32 v61, v31;
	_ =	sdelay $0x1  }
0x313: {  	v62 =	vld [tilespmem:$0x101F0];
	[tilespmem:$0x101E0] =	vst v31  }
0x314: {  	v63 =	vld [tilespmem:s0+$0x8C70];
	_ =	sdelay $0x4  }
0x315: {  	s26 =	simm.s32 $0x200;
	s0 =	simm.s32 $0x80;
	v32 =	vadd.f32 v63, v62  }
0x316: {  	s24 =	simm.s32 $0x400;
	s25 =	sand.u32 $0x3000, s26;
	s26 =	sand.u32 $0x380, s0  }
.LBB2_7:
0x317: {  	p1 =	sne.s32 s24, $0x3E00;
	s25 =	sor.u32 s26, s25;
	[tilespmem:$0x101F0] =	vst v32  }
0x318: {  	v33 =	vld [tilespmem:s25+$0x8000];
	_ =	sdelay $0x4  }
0x319: {  	v1 =	vadd.f32 v33, v1;
	_ =	sdelay $0x1  }
0x31a: {  	[tilespmem:$0x10000] =	vst v1  }
0x31b: {  	v33 =	vld [tilespmem:s25+$0x8010];
	_ =	sdelay $0x4  }
0x31c: {  	v2 =	vadd.f32 v33, v2;
	_ =	sdelay $0x1  }
0x31d: {  	[tilespmem:$0x10010] =	vst v2  }
0x31e: {  	v33 =	vld [tilespmem:s25+$0x8020];
	_ =	sdelay $0x4  }
0x31f: {  	v3 =	vadd.f32 v33, v3;
	_ =	sdelay $0x1  }
0x320: {  	[tilespmem:$0x10020] =	vst v3  }
0x321: {  	v33 =	vld [tilespmem:s25+$0x8030];
	_ =	sdelay $0x4  }
0x322: {  	v4 =	vadd.f32 v33, v4;
	_ =	sdelay $0x1  }
0x323: {  	[tilespmem:$0x10030] =	vst v4  }
0x324: {  	v33 =	vld [tilespmem:s25+$0x8040];
	_ =	sdelay $0x4  }
0x325: {  	v5 =	vadd.f32 v33, v5;
	_ =	sdelay $0x1  }
0x326: {  	[tilespmem:$0x10040] =	vst v5  }
0x327: {  	v33 =	vld [tilespmem:s25+$0x8050];
	_ =	sdelay $0x4  }
0x328: {  	v6 =	vadd.f32 v33, v6;
	_ =	sdelay $0x1  }
0x329: {  	[tilespmem:$0x10050] =	vst v6  }
0x32a: {  	v33 =	vld [tilespmem:s25+$0x8060];
	_ =	sdelay $0x4  }
0x32b: {  	v7 =	vadd.f32 v33, v7;
	_ =	sdelay $0x1  }
0x32c: {  	[tilespmem:$0x10060] =	vst v7  }
0x32d: {  	v33 =	vld [tilespmem:s25+$0x8070];
	_ =	sdelay $0x4  }
0x32e: {  	v8 =	vadd.f32 v33, v8;
	_ =	sdelay $0x1  }
0x32f: {  	[tilespmem:$0x10070] =	vst v8  }
0x330: {  	v33 =	vld [tilespmem:s25+$0x8400];
	_ =	sdelay $0x4  }
0x331: {  	v9 =	vadd.f32 v33, v9;
	_ =	sdelay $0x1  }
0x332: {  	[tilespmem:$0x10080] =	vst v9  }
0x333: {  	v33 =	vld [tilespmem:s25+$0x8410];
	_ =	sdelay $0x4  }
0x334: {  	v10 =	vadd.f32 v33, v10;
	_ =	sdelay $0x1  }
0x335: {  	[tilespmem:$0x10090] =	vst v10  }
0x336: {  	v33 =	vld [tilespmem:s25+$0x8420];
	_ =	sdelay $0x4  }
0x337: {  	v11 =	vadd.f32 v33, v11;
	_ =	sdelay $0x1  }
0x338: {  	[tilespmem:$0x100A0] =	vst v11  }
0x339: {  	v33 =	vld [tilespmem:s25+$0x8430];
	_ =	sdelay $0x4  }
0x33a: {  	v12 =	vadd.f32 v33, v12;
	_ =	sdelay $0x1  }
0x33b: {  	[tilespmem:$0x100B0] =	vst v12  }
0x33c: {  	v33 =	vld [tilespmem:s25+$0x8440];
	_ =	sdelay $0x4  }
0x33d: {  	v13 =	vadd.f32 v33, v13;
	_ =	sdelay $0x1  }
0x33e: {  	[tilespmem:$0x100C0] =	vst v13  }
0x33f: {  	v33 =	vld [tilespmem:s25+$0x8450];
	_ =	sdelay $0x4  }
0x340: {  	v14 =	vadd.f32 v33, v14;
	_ =	sdelay $0x1  }
0x341: {  	[tilespmem:$0x100D0] =	vst v14  }
0x342: {  	v33 =	vld [tilespmem:s25+$0x8460];
	_ =	sdelay $0x4  }
0x343: {  	v15 =	vadd.f32 v33, v15;
	_ =	sdelay $0x1  }
0x344: {  	[tilespmem:$0x100E0] =	vst v15  }
0x345: {  	v33 =	vld [tilespmem:s25+$0x8470];
	_ =	sdelay $0x4  }
0x346: {  	v16 =	vadd.f32 v33, v16;
	_ =	sdelay $0x1  }
0x347: {  	[tilespmem:$0x100F0] =	vst v16  }
0x348: {  	v33 =	vld [tilespmem:s25+$0x8800];
	_ =	sdelay $0x4  }
0x349: {  	v17 =	vadd.f32 v33, v17;
	_ =	sdelay $0x1  }
0x34a: {  	[tilespmem:$0x10100] =	vst v17  }
0x34b: {  	v33 =	vld [tilespmem:s25+$0x8810];
	_ =	sdelay $0x4  }
0x34c: {  	v18 =	vadd.f32 v33, v18;
	_ =	sdelay $0x1  }
0x34d: {  	[tilespmem:$0x10110] =	vst v18  }
0x34e: {  	v33 =	vld [tilespmem:s25+$0x8820];
	_ =	sdelay $0x4  }
0x34f: {  	v19 =	vadd.f32 v33, v19;
	_ =	sdelay $0x1  }
0x350: {  	[tilespmem:$0x10120] =	vst v19  }
0x351: {  	v33 =	vld [tilespmem:s25+$0x8830];
	_ =	sdelay $0x4  }
0x352: {  	v20 =	vadd.f32 v33, v20;
	_ =	sdelay $0x1  }
0x353: {  	[tilespmem:$0x10130] =	vst v20  }
0x354: {  	v33 =	vld [tilespmem:s25+$0x8840];
	_ =	sdelay $0x4  }
0x355: {  	v21 =	vadd.f32 v33, v21;
	_ =	sdelay $0x1  }
0x356: {  	[tilespmem:$0x10140] =	vst v21  }
0x357: {  	v33 =	vld [tilespmem:s25+$0x8850];
	_ =	sdelay $0x4  }
0x358: {  	v22 =	vadd.f32 v33, v22;
	_ =	sdelay $0x1  }
0x359: {  	[tilespmem:$0x10150] =	vst v22  }
0x35a: {  	v33 =	vld [tilespmem:s25+$0x8860];
	_ =	sdelay $0x4  }
0x35b: {  	v23 =	vadd.f32 v33, v23;
	_ =	sdelay $0x1  }
0x35c: {  	[tilespmem:$0x10160] =	vst v23  }
0x35d: {  	v33 =	vld [tilespmem:s25+$0x8870];
	_ =	sdelay $0x4  }
0x35e: {  	v24 =	vadd.f32 v33, v24;
	_ =	sdelay $0x1  }
0x35f: {  	[tilespmem:$0x10170] =	vst v24  }
0x360: {  	v33 =	vld [tilespmem:s25+$0x8C00];
	_ =	sdelay $0x4  }
0x361: {  	v25 =	vadd.f32 v33, v25;
	_ =	sdelay $0x1  }
0x362: {  	[tilespmem:$0x10180] =	vst v25  }
0x363: {  	v33 =	vld [tilespmem:s25+$0x8C10];
	_ =	sdelay $0x4  }
0x364: {  	v26 =	vadd.f32 v33, v26;
	_ =	sdelay $0x1  }
0x365: {  	[tilespmem:$0x10190] =	vst v26  }
0x366: {  	v33 =	vld [tilespmem:s25+$0x8C20];
	_ =	sdelay $0x4  }
0x367: {  	v27 =	vadd.f32 v33, v27;
	_ =	sdelay $0x1  }
0x368: {  	[tilespmem:$0x101A0] =	vst v27  }
0x369: {  	v33 =	vld [tilespmem:s25+$0x8C30];
	_ =	sdelay $0x4  }
0x36a: {  	v28 =	vadd.f32 v33, v28;
	_ =	sdelay $0x1  }
0x36b: {  	[tilespmem:$0x101B0] =	vst v28  }
0x36c: {  	v33 =	vld [tilespmem:s25+$0x8C40];
	_ =	sdelay $0x4  }
0x36d: {  	v29 =	vadd.f32 v33, v29;
	_ =	sdelay $0x1  }
0x36e: {  	[tilespmem:$0x101C0] =	vst v29  }
0x36f: {  	v33 =	vld [tilespmem:s25+$0x8C50];
	_ =	sdelay $0x4  }
0x370: {  	v30 =	vadd.f32 v33, v30;
	_ =	sdelay $0x1  }
0x371: {  	[tilespmem:$0x101D0] =	vst v30  }
0x372: {  	v33 =	vld [tilespmem:s25+$0x8C60];
	_ =	sdelay $0x4  }
0x373: {  	v31 =	vadd.f32 v33, v31;
	_ =	sdelay $0x1  }
0x374: {  	[tilespmem:$0x101E0] =	vst v31  }
0x375: {  	v33 =	vld [tilespmem:s25+$0x8C70];
	_ =	sdelay $0x1  }
.Ltmp4:
0x376: {  	(pc) =	sbr.rel @p1 .LBB2_7-.Ltmp4, $3  }
0x377: {  	_ =	sdelay $0x1  }
0x378: {  	s0 =	sadd.s32 $0x80, s0;
	v32 =	vadd.f32 v33, v32  }
0x379: {  	s26 =	sand.u32 $0x380, s0;
	s25 =	sand.u32 $0x3000, s24;
	s24 =	sadd.s32 $0x200, s24  }
0x37a: {  	s0 =	sor.u32 s26, s25;
	[tilespmem:$0x101F0] =	vst v32  }
0x37b: {  	v33 =	vld [tilespmem:s0+$0x8000];
	_ =	sdelay $0x4  }
0x37c: {  	v1 =	vadd.f32 v33, v1;
	_ =	sdelay $0x1  }
0x37d: {  	[tilespmem:$0x10000] =	vst v1  }
0x37e: {  	v1 =	vld [tilespmem:s0+$0x8010];
	_ =	sdelay $0x4  }
0x37f: {  	v1 =	vadd.f32 v1, v2;
	_ =	sdelay $0x1  }
0x380: {  	[tilespmem:$0x10010] =	vst v1  }
0x381: {  	v1 =	vld [tilespmem:s0+$0x8020];
	_ =	sdelay $0x4  }
0x382: {  	v1 =	vadd.f32 v1, v3;
	_ =	sdelay $0x1  }
0x383: {  	[tilespmem:$0x10020] =	vst v1  }
0x384: {  	v1 =	vld [tilespmem:s0+$0x8030];
	_ =	sdelay $0x4  }
0x385: {  	v1 =	vadd.f32 v1, v4;
	_ =	sdelay $0x1  }
0x386: {  	[tilespmem:$0x10030] =	vst v1  }
0x387: {  	v1 =	vld [tilespmem:s0+$0x8040];
	_ =	sdelay $0x4  }
0x388: {  	v1 =	vadd.f32 v1, v5;
	_ =	sdelay $0x1  }
0x389: {  	[tilespmem:$0x10040] =	vst v1  }
0x38a: {  	v1 =	vld [tilespmem:s0+$0x8050];
	_ =	sdelay $0x4  }
0x38b: {  	v1 =	vadd.f32 v1, v6;
	_ =	sdelay $0x1  }
0x38c: {  	[tilespmem:$0x10050] =	vst v1  }
0x38d: {  	v1 =	vld [tilespmem:s0+$0x8060];
	_ =	sdelay $0x4  }
0x38e: {  	v1 =	vadd.f32 v1, v7;
	_ =	sdelay $0x1  }
0x38f: {  	[tilespmem:$0x10060] =	vst v1  }
0x390: {  	v1 =	vld [tilespmem:s0+$0x8070];
	_ =	sdelay $0x4  }
0x391: {  	v1 =	vadd.f32 v1, v8;
	_ =	sdelay $0x1  }
0x392: {  	[tilespmem:$0x10070] =	vst v1  }
0x393: {  	v1 =	vld [tilespmem:s0+$0x8400];
	_ =	sdelay $0x4  }
0x394: {  	v1 =	vadd.f32 v1, v9;
	_ =	sdelay $0x1  }
0x395: {  	[tilespmem:$0x10080] =	vst v1  }
0x396: {  	v1 =	vld [tilespmem:s0+$0x8410];
	_ =	sdelay $0x4  }
0x397: {  	v1 =	vadd.f32 v1, v10;
	_ =	sdelay $0x1  }
0x398: {  	[tilespmem:$0x10090] =	vst v1  }
0x399: {  	v1 =	vld [tilespmem:s0+$0x8420];
	_ =	sdelay $0x4  }
0x39a: {  	v1 =	vadd.f32 v1, v11;
	_ =	sdelay $0x1  }
0x39b: {  	[tilespmem:$0x100A0] =	vst v1  }
0x39c: {  	v1 =	vld [tilespmem:s0+$0x8430];
	_ =	sdelay $0x4  }
0x39d: {  	v1 =	vadd.f32 v1, v12;
	_ =	sdelay $0x1  }
0x39e: {  	[tilespmem:$0x100B0] =	vst v1  }
0x39f: {  	v1 =	vld [tilespmem:s0+$0x8440];
	_ =	sdelay $0x4  }
0x3a0: {  	v1 =	vadd.f32 v1, v13;
	_ =	sdelay $0x1  }
0x3a1: {  	[tilespmem:$0x100C0] =	vst v1  }
0x3a2: {  	v1 =	vld [tilespmem:s0+$0x8450];
	_ =	sdelay $0x4  }
0x3a3: {  	v1 =	vadd.f32 v1, v14;
	_ =	sdelay $0x1  }
0x3a4: {  	[tilespmem:$0x100D0] =	vst v1  }
0x3a5: {  	v1 =	vld [tilespmem:s0+$0x8460];
	_ =	sdelay $0x4  }
0x3a6: {  	v1 =	vadd.f32 v1, v15;
	_ =	sdelay $0x1  }
0x3a7: {  	[tilespmem:$0x100E0] =	vst v1  }
0x3a8: {  	v1 =	vld [tilespmem:s0+$0x8470];
	_ =	sdelay $0x4  }
0x3a9: {  	v1 =	vadd.f32 v1, v16;
	_ =	sdelay $0x1  }
0x3aa: {  	[tilespmem:$0x100F0] =	vst v1  }
0x3ab: {  	v1 =	vld [tilespmem:s0+$0x8800];
	_ =	sdelay $0x4  }
0x3ac: {  	v1 =	vadd.f32 v1, v17;
	_ =	sdelay $0x1  }
0x3ad: {  	[tilespmem:$0x10100] =	vst v1  }
0x3ae: {  	v1 =	vld [tilespmem:s0+$0x8810];
	_ =	sdelay $0x4  }
0x3af: {  	v1 =	vadd.f32 v1, v18;
	_ =	sdelay $0x1  }
0x3b0: {  	[tilespmem:$0x10110] =	vst v1  }
0x3b1: {  	v1 =	vld [tilespmem:s0+$0x8820];
	_ =	sdelay $0x4  }
0x3b2: {  	v1 =	vadd.f32 v1, v19;
	_ =	sdelay $0x1  }
0x3b3: {  	[tilespmem:$0x10120] =	vst v1  }
0x3b4: {  	v1 =	vld [tilespmem:s0+$0x8830];
	_ =	sdelay $0x4  }
0x3b5: {  	v1 =	vadd.f32 v1, v20;
	_ =	sdelay $0x1  }
0x3b6: {  	[tilespmem:$0x10130] =	vst v1  }
0x3b7: {  	v1 =	vld [tilespmem:s0+$0x8840];
	_ =	sdelay $0x4  }
0x3b8: {  	v1 =	vadd.f32 v1, v21;
	_ =	sdelay $0x1  }
0x3b9: {  	[tilespmem:$0x10140] =	vst v1  }
0x3ba: {  	v1 =	vld [tilespmem:s0+$0x8850];
	_ =	sdelay $0x4  }
0x3bb: {  	v1 =	vadd.f32 v1, v22;
	_ =	sdelay $0x1  }
0x3bc: {  	[tilespmem:$0x10150] =	vst v1  }
0x3bd: {  	v1 =	vld [tilespmem:s0+$0x8860];
	_ =	sdelay $0x4  }
0x3be: {  	v1 =	vadd.f32 v1, v23;
	_ =	sdelay $0x1  }
0x3bf: {  	[tilespmem:$0x10160] =	vst v1  }
0x3c0: {  	v1 =	vld [tilespmem:s0+$0x8870];
	_ =	sdelay $0x4  }
0x3c1: {  	v1 =	vadd.f32 v1, v24;
	_ =	sdelay $0x1  }
0x3c2: {  	[tilespmem:$0x10170] =	vst v1  }
0x3c3: {  	v1 =	vld [tilespmem:s0+$0x8C00];
	_ =	sdelay $0x4  }
0x3c4: {  	v1 =	vadd.f32 v1, v25;
	_ =	sdelay $0x1  }
0x3c5: {  	[tilespmem:$0x10180] =	vst v1  }
0x3c6: {  	v1 =	vld [tilespmem:s0+$0x8C10];
	_ =	sdelay $0x4  }
0x3c7: {  	v1 =	vadd.f32 v1, v26;
	_ =	sdelay $0x1  }
0x3c8: {  	[tilespmem:$0x10190] =	vst v1  }
0x3c9: {  	v1 =	vld [tilespmem:s0+$0x8C20];
	_ =	sdelay $0x4  }
0x3ca: {  	v1 =	vadd.f32 v1, v27;
	_ =	sdelay $0x1  }
0x3cb: {  	[tilespmem:$0x101A0] =	vst v1  }
0x3cc: {  	v1 =	vld [tilespmem:s0+$0x8C30];
	_ =	sdelay $0x4  }
0x3cd: {  	v1 =	vadd.f32 v1, v28;
	_ =	sdelay $0x1  }
0x3ce: {  	[tilespmem:$0x101B0] =	vst v1  }
0x3cf: {  	v1 =	vld [tilespmem:s0+$0x8C40];
	_ =	sdelay $0x4  }
0x3d0: {  	v1 =	vadd.f32 v1, v29;
	_ =	sdelay $0x1  }
0x3d1: {  	[tilespmem:$0x101C0] =	vst v1  }
0x3d2: {  	v1 =	vld [tilespmem:s0+$0x8C50];
	_ =	sdelay $0x4  }
0x3d3: {  	v1 =	vadd.f32 v1, v30;
	_ =	sdelay $0x1  }
0x3d4: {  	[tilespmem:$0x101D0] =	vst v1  }
0x3d5: {  	v1 =	vld [tilespmem:s0+$0x8C60];
	_ =	sdelay $0x4  }
0x3d6: {  	v1 =	vadd.f32 v1, v31;
	_ =	sdelay $0x1  }
0x3d7: {  	[tilespmem:$0x101E0] =	vst v1  }
0x3d8: {  	v1 =	vld [tilespmem:s0+$0x8C70];
	_ =	sdelay $0x4  }
0x3d9: {  	s0 =	sadd.s32 @!p0 s31, s14;
	v1 =	vadd.f32 v1, v32  }
0x3da: {  	s0 =	sshrl.u32 @!p0 s0, $0x3  }
0x3db: {  	s24 =	simm.s32 @!p0 $0x0;
	s25 =	simm.s32 @!p0 $0x8000;
	s0 =	sadd.s32 @!p0 s2, s0;
	[tilespmem:$0x101F0] =	vst v1  }
0x3dc: {  	[tilespmem:s25], [sflag:$0x3] =	stream.linear.gather @!p0 [hbm4b:s0+s24], $0x4000, $0x38;
	[tilespmem:$0x10200] =	vst v63  }
0x3dd: {  	s1 =	sadd.s32 $0xC000, s1  }
0x3de: {  	[tilespmem:s25], [sflag:$0x3] =	stream.linear.gather @!p0 [hbm4b:s0+s24], $0x4000, $0x38;
	[tilespmem:$0x10200] =	vst v63  }
0x3df: {  	s0 =	sshrl.u32 s1, $0x3  }
0x3e0: {  	s24 =	simm.s32 $0x0;
	s0 =	sadd.s32 s2, s0  }
0x3e1: {  	[tilespmem:s20], [sflag:$0x4] =	stream.linear.gather [hbm4b:s0+s24], $0x4000, $0x38;
	[tilespmem:$0x10200] =	vst v63  }
0x3e2: {  	_ =	swait.ge [sflag:s23], $0x4000  }
0x3e3: {  	[sflag:s23] =	ssyncset.done $0x0  }
0x3e4: {  	s25 =	sand.u32 $0x3000, s24;
	s1 =	sand.u32 $0x380, s24;
	[sflag:s23] =	ssyncadd.s32 $0xFFFFC000  }
0x3e5: {  	s0 =	sor.u32 s1, s25;
	v1 =	vld [tilespmem:$0x10000]  }
0x3e6: {  	v2 =	vld [tilespmem:s0+$0xC000];
	_ =	sdelay $0x4  }
0x3e7: {  	v1 =	vadd.f32 v2, v1;
	_ =	sdelay $0x1  }
0x3e8: {  	v2 =	vld [tilespmem:$0x10010];
	[tilespmem:$0x10000] =	vst v1  }
0x3e9: {  	v3 =	vld [tilespmem:s0+$0xC010];
	_ =	sdelay $0x4  }
0x3ea: {  	v2 =	vadd.f32 v3, v2;
	_ =	sdelay $0x1  }
0x3eb: {  	v3 =	vld [tilespmem:$0x10020];
	[tilespmem:$0x10010] =	vst v2  }
0x3ec: {  	v4 =	vld [tilespmem:s0+$0xC020];
	_ =	sdelay $0x4  }
0x3ed: {  	v3 =	vadd.f32 v4, v3;
	_ =	sdelay $0x1  }
0x3ee: {  	v4 =	vld [tilespmem:$0x10030];
	[tilespmem:$0x10020] =	vst v3  }
0x3ef: {  	v5 =	vld [tilespmem:s0+$0xC030];
	_ =	sdelay $0x4  }
0x3f0: {  	v4 =	vadd.f32 v5, v4;
	_ =	sdelay $0x1  }
0x3f1: {  	v5 =	vld [tilespmem:$0x10040];
	[tilespmem:$0x10030] =	vst v4  }
0x3f2: {  	v6 =	vld [tilespmem:s0+$0xC040];
	_ =	sdelay $0x4  }
0x3f3: {  	v5 =	vadd.f32 v6, v5;
	_ =	sdelay $0x1  }
0x3f4: {  	v6 =	vld [tilespmem:$0x10050];
	[tilespmem:$0x10040] =	vst v5  }
0x3f5: {  	v7 =	vld [tilespmem:s0+$0xC050];
	_ =	sdelay $0x4  }
0x3f6: {  	v6 =	vadd.f32 v7, v6;
	_ =	sdelay $0x1  }
0x3f7: {  	v7 =	vld [tilespmem:$0x10060];
	[tilespmem:$0x10050] =	vst v6  }
0x3f8: {  	v8 =	vld [tilespmem:s0+$0xC060];
	_ =	sdelay $0x4  }
0x3f9: {  	v7 =	vadd.f32 v8, v7;
	_ =	sdelay $0x1  }
0x3fa: {  	v8 =	vld [tilespmem:$0x10070];
	[tilespmem:$0x10060] =	vst v7  }
0x3fb: {  	v9 =	vld [tilespmem:s0+$0xC070];
	_ =	sdelay $0x4  }
0x3fc: {  	v8 =	vadd.f32 v9, v8;
	_ =	sdelay $0x1  }
0x3fd: {  	v9 =	vld [tilespmem:$0x10080];
	[tilespmem:$0x10070] =	vst v8  }
0x3fe: {  	v10 =	vld [tilespmem:s0+$0xC400];
	_ =	sdelay $0x4  }
0x3ff: {  	v9 =	vadd.f32 v10, v9;
	_ =	sdelay $0x1  }
0x400: {  	v10 =	vld [tilespmem:$0x10090];
	[tilespmem:$0x10080] =	vst v9  }
0x401: {  	v11 =	vld [tilespmem:s0+$0xC410];
	_ =	sdelay $0x4  }
0x402: {  	v10 =	vadd.f32 v11, v10;
	_ =	sdelay $0x1  }
0x403: {  	v11 =	vld [tilespmem:$0x100A0];
	[tilespmem:$0x10090] =	vst v10  }
0x404: {  	v12 =	vld [tilespmem:s0+$0xC420];
	_ =	sdelay $0x4  }
0x405: {  	v11 =	vadd.f32 v12, v11;
	_ =	sdelay $0x1  }
0x406: {  	v12 =	vld [tilespmem:$0x100B0];
	[tilespmem:$0x100A0] =	vst v11  }
0x407: {  	v13 =	vld [tilespmem:s0+$0xC430];
	_ =	sdelay $0x4  }
0x408: {  	v12 =	vadd.f32 v13, v12;
	_ =	sdelay $0x1  }
0x409: {  	v13 =	vld [tilespmem:$0x100C0];
	[tilespmem:$0x100B0] =	vst v12  }
0x40a: {  	v14 =	vld [tilespmem:s0+$0xC440];
	_ =	sdelay $0x4  }
0x40b: {  	v13 =	vadd.f32 v14, v13;
	_ =	sdelay $0x1  }
0x40c: {  	v14 =	vld [tilespmem:$0x100D0];
	[tilespmem:$0x100C0] =	vst v13  }
0x40d: {  	v15 =	vld [tilespmem:s0+$0xC450];
	_ =	sdelay $0x4  }
0x40e: {  	v14 =	vadd.f32 v15, v14;
	_ =	sdelay $0x1  }
0x40f: {  	v15 =	vld [tilespmem:$0x100E0];
	[tilespmem:$0x100D0] =	vst v14  }
0x410: {  	v16 =	vld [tilespmem:s0+$0xC460];
	_ =	sdelay $0x4  }
0x411: {  	v15 =	vadd.f32 v16, v15;
	_ =	sdelay $0x1  }
0x412: {  	v16 =	vld [tilespmem:$0x100F0];
	[tilespmem:$0x100E0] =	vst v15  }
0x413: {  	v17 =	vld [tilespmem:s0+$0xC470];
	_ =	sdelay $0x4  }
0x414: {  	v16 =	vadd.f32 v17, v16;
	_ =	sdelay $0x1  }
0x415: {  	v17 =	vld [tilespmem:$0x10100];
	[tilespmem:$0x100F0] =	vst v16  }
0x416: {  	v18 =	vld [tilespmem:s0+$0xC800];
	_ =	sdelay $0x4  }
0x417: {  	v17 =	vadd.f32 v18, v17;
	_ =	sdelay $0x1  }
0x418: {  	v18 =	vld [tilespmem:$0x10110];
	[tilespmem:$0x10100] =	vst v17  }
0x419: {  	v19 =	vld [tilespmem:s0+$0xC810];
	_ =	sdelay $0x4  }
0x41a: {  	v18 =	vadd.f32 v19, v18;
	_ =	sdelay $0x1  }
0x41b: {  	v19 =	vld [tilespmem:$0x10120];
	[tilespmem:$0x10110] =	vst v18  }
0x41c: {  	v20 =	vld [tilespmem:s0+$0xC820];
	_ =	sdelay $0x4  }
0x41d: {  	v19 =	vadd.f32 v20, v19;
	_ =	sdelay $0x1  }
0x41e: {  	v20 =	vld [tilespmem:$0x10130];
	[tilespmem:$0x10120] =	vst v19  }
0x41f: {  	v21 =	vld [tilespmem:s0+$0xC830];
	_ =	sdelay $0x4  }
0x420: {  	v20 =	vadd.f32 v21, v20;
	_ =	sdelay $0x1  }
0x421: {  	v21 =	vld [tilespmem:$0x10140];
	[tilespmem:$0x10130] =	vst v20  }
0x422: {  	v22 =	vld [tilespmem:s0+$0xC840];
	_ =	sdelay $0x4  }
0x423: {  	v21 =	vadd.f32 v22, v21;
	_ =	sdelay $0x1  }
0x424: {  	v22 =	vld [tilespmem:$0x10150];
	[tilespmem:$0x10140] =	vst v21  }
0x425: {  	v23 =	vld [tilespmem:s0+$0xC850];
	_ =	sdelay $0x4  }
0x426: {  	v22 =	vadd.f32 v23, v22;
	_ =	sdelay $0x1  }
0x427: {  	v23 =	vld [tilespmem:$0x10160];
	[tilespmem:$0x10150] =	vst v22  }
0x428: {  	v24 =	vld [tilespmem:s0+$0xC860];
	_ =	sdelay $0x4  }
0x429: {  	v23 =	vadd.f32 v24, v23;
	_ =	sdelay $0x1  }
0x42a: {  	v24 =	vld [tilespmem:$0x10170];
	[tilespmem:$0x10160] =	vst v23  }
0x42b: {  	v25 =	vld [tilespmem:s0+$0xC870];
	_ =	sdelay $0x4  }
0x42c: {  	v24 =	vadd.f32 v25, v24;
	_ =	sdelay $0x1  }
0x42d: {  	v25 =	vld [tilespmem:$0x10180];
	[tilespmem:$0x10170] =	vst v24  }
0x42e: {  	v26 =	vld [tilespmem:s0+$0xCC00];
	_ =	sdelay $0x4  }
0x42f: {  	v25 =	vadd.f32 v26, v25;
	_ =	sdelay $0x1  }
0x430: {  	v26 =	vld [tilespmem:$0x10190];
	[tilespmem:$0x10180] =	vst v25  }
0x431: {  	v27 =	vld [tilespmem:s0+$0xCC10];
	_ =	sdelay $0x4  }
0x432: {  	v26 =	vadd.f32 v27, v26;
	_ =	sdelay $0x1  }
0x433: {  	v27 =	vld [tilespmem:$0x101A0];
	[tilespmem:$0x10190] =	vst v26  }
0x434: {  	v28 =	vld [tilespmem:s0+$0xCC20];
	_ =	sdelay $0x4  }
0x435: {  	v27 =	vadd.f32 v28, v27;
	_ =	sdelay $0x1  }
0x436: {  	v28 =	vld [tilespmem:$0x101B0];
	[tilespmem:$0x101A0] =	vst v27  }
0x437: {  	v29 =	vld [tilespmem:s0+$0xCC30];
	_ =	sdelay $0x4  }
0x438: {  	v28 =	vadd.f32 v29, v28;
	_ =	sdelay $0x1  }
0x439: {  	v29 =	vld [tilespmem:$0x101C0];
	[tilespmem:$0x101B0] =	vst v28  }
0x43a: {  	v30 =	vld [tilespmem:s0+$0xCC40];
	_ =	sdelay $0x4  }
0x43b: {  	v29 =	vadd.f32 v30, v29;
	_ =	sdelay $0x1  }
0x43c: {  	v30 =	vld [tilespmem:$0x101D0];
	[tilespmem:$0x101C0] =	vst v29  }
0x43d: {  	v31 =	vld [tilespmem:s0+$0xCC50];
	_ =	sdelay $0x4  }
0x43e: {  	v30 =	vadd.f32 v31, v30;
	_ =	sdelay $0x1  }
0x43f: {  	v31 =	vld [tilespmem:$0x101E0];
	[tilespmem:$0x101D0] =	vst v30  }
0x440: {  	v61 =	vld [tilespmem:s0+$0xCC60];
	_ =	sdelay $0x4  }
0x441: {  	v31 =	vadd.f32 v61, v31;
	_ =	sdelay $0x1  }
0x442: {  	v62 =	vld [tilespmem:$0x101F0];
	[tilespmem:$0x101E0] =	vst v31  }
0x443: {  	v63 =	vld [tilespmem:s0+$0xCC70];
	_ =	sdelay $0x4  }
0x444: {  	s26 =	simm.s32 $0x200;
	s0 =	simm.s32 $0x80;
	v32 =	vadd.f32 v63, v62  }
0x445: {  	s24 =	sand.u32 $0x3000, s26;
	s1 =	simm.s32 $0x400;
	s25 =	sand.u32 $0x380, s0  }
.LBB2_9:
0x446: {  	p1 =	sne.s32 s1, $0x3E00;
	s24 =	sor.u32 s25, s24;
	[tilespmem:$0x101F0] =	vst v32  }
0x447: {  	v33 =	vld [tilespmem:s24+$0xC000];
	_ =	sdelay $0x4  }
0x448: {  	v1 =	vadd.f32 v33, v1;
	_ =	sdelay $0x1  }
0x449: {  	[tilespmem:$0x10000] =	vst v1  }
0x44a: {  	v33 =	vld [tilespmem:s24+$0xC010];
	_ =	sdelay $0x4  }
0x44b: {  	v2 =	vadd.f32 v33, v2;
	_ =	sdelay $0x1  }
0x44c: {  	[tilespmem:$0x10010] =	vst v2  }
0x44d: {  	v33 =	vld [tilespmem:s24+$0xC020];
	_ =	sdelay $0x4  }
0x44e: {  	v3 =	vadd.f32 v33, v3;
	_ =	sdelay $0x1  }
0x44f: {  	[tilespmem:$0x10020] =	vst v3  }
0x450: {  	v33 =	vld [tilespmem:s24+$0xC030];
	_ =	sdelay $0x4  }
0x451: {  	v4 =	vadd.f32 v33, v4;
	_ =	sdelay $0x1  }
0x452: {  	[tilespmem:$0x10030] =	vst v4  }
0x453: {  	v33 =	vld [tilespmem:s24+$0xC040];
	_ =	sdelay $0x4  }
0x454: {  	v5 =	vadd.f32 v33, v5;
	_ =	sdelay $0x1  }
0x455: {  	[tilespmem:$0x10040] =	vst v5  }
0x456: {  	v33 =	vld [tilespmem:s24+$0xC050];
	_ =	sdelay $0x4  }
0x457: {  	v6 =	vadd.f32 v33, v6;
	_ =	sdelay $0x1  }
0x458: {  	[tilespmem:$0x10050] =	vst v6  }
0x459: {  	v33 =	vld [tilespmem:s24+$0xC060];
	_ =	sdelay $0x4  }
0x45a: {  	v7 =	vadd.f32 v33, v7;
	_ =	sdelay $0x1  }
0x45b: {  	[tilespmem:$0x10060] =	vst v7  }
0x45c: {  	v33 =	vld [tilespmem:s24+$0xC070];
	_ =	sdelay $0x4  }
0x45d: {  	v8 =	vadd.f32 v33, v8;
	_ =	sdelay $0x1  }
0x45e: {  	[tilespmem:$0x10070] =	vst v8  }
0x45f: {  	v33 =	vld [tilespmem:s24+$0xC400];
	_ =	sdelay $0x4  }
0x460: {  	v9 =	vadd.f32 v33, v9;
	_ =	sdelay $0x1  }
0x461: {  	[tilespmem:$0x10080] =	vst v9  }
0x462: {  	v33 =	vld [tilespmem:s24+$0xC410];
	_ =	sdelay $0x4  }
0x463: {  	v10 =	vadd.f32 v33, v10;
	_ =	sdelay $0x1  }
0x464: {  	[tilespmem:$0x10090] =	vst v10  }
0x465: {  	v33 =	vld [tilespmem:s24+$0xC420];
	_ =	sdelay $0x4  }
0x466: {  	v11 =	vadd.f32 v33, v11;
	_ =	sdelay $0x1  }
0x467: {  	[tilespmem:$0x100A0] =	vst v11  }
0x468: {  	v33 =	vld [tilespmem:s24+$0xC430];
	_ =	sdelay $0x4  }
0x469: {  	v12 =	vadd.f32 v33, v12;
	_ =	sdelay $0x1  }
0x46a: {  	[tilespmem:$0x100B0] =	vst v12  }
0x46b: {  	v33 =	vld [tilespmem:s24+$0xC440];
	_ =	sdelay $0x4  }
0x46c: {  	v13 =	vadd.f32 v33, v13;
	_ =	sdelay $0x1  }
0x46d: {  	[tilespmem:$0x100C0] =	vst v13  }
0x46e: {  	v33 =	vld [tilespmem:s24+$0xC450];
	_ =	sdelay $0x4  }
0x46f: {  	v14 =	vadd.f32 v33, v14;
	_ =	sdelay $0x1  }
0x470: {  	[tilespmem:$0x100D0] =	vst v14  }
0x471: {  	v33 =	vld [tilespmem:s24+$0xC460];
	_ =	sdelay $0x4  }
0x472: {  	v15 =	vadd.f32 v33, v15;
	_ =	sdelay $0x1  }
0x473: {  	[tilespmem:$0x100E0] =	vst v15  }
0x474: {  	v33 =	vld [tilespmem:s24+$0xC470];
	_ =	sdelay $0x4  }
0x475: {  	v16 =	vadd.f32 v33, v16;
	_ =	sdelay $0x1  }
0x476: {  	[tilespmem:$0x100F0] =	vst v16  }
0x477: {  	v33 =	vld [tilespmem:s24+$0xC800];
	_ =	sdelay $0x4  }
0x478: {  	v17 =	vadd.f32 v33, v17;
	_ =	sdelay $0x1  }
0x479: {  	[tilespmem:$0x10100] =	vst v17  }
0x47a: {  	v33 =	vld [tilespmem:s24+$0xC810];
	_ =	sdelay $0x4  }
0x47b: {  	v18 =	vadd.f32 v33, v18;
	_ =	sdelay $0x1  }
0x47c: {  	[tilespmem:$0x10110] =	vst v18  }
0x47d: {  	v33 =	vld [tilespmem:s24+$0xC820];
	_ =	sdelay $0x4  }
0x47e: {  	v19 =	vadd.f32 v33, v19;
	_ =	sdelay $0x1  }
0x47f: {  	[tilespmem:$0x10120] =	vst v19  }
0x480: {  	v33 =	vld [tilespmem:s24+$0xC830];
	_ =	sdelay $0x4  }
0x481: {  	v20 =	vadd.f32 v33, v20;
	_ =	sdelay $0x1  }
0x482: {  	[tilespmem:$0x10130] =	vst v20  }
0x483: {  	v33 =	vld [tilespmem:s24+$0xC840];
	_ =	sdelay $0x4  }
0x484: {  	v21 =	vadd.f32 v33, v21;
	_ =	sdelay $0x1  }
0x485: {  	[tilespmem:$0x10140] =	vst v21  }
0x486: {  	v33 =	vld [tilespmem:s24+$0xC850];
	_ =	sdelay $0x4  }
0x487: {  	v22 =	vadd.f32 v33, v22;
	_ =	sdelay $0x1  }
0x488: {  	[tilespmem:$0x10150] =	vst v22  }
0x489: {  	v33 =	vld [tilespmem:s24+$0xC860];
	_ =	sdelay $0x4  }
0x48a: {  	v23 =	vadd.f32 v33, v23;
	_ =	sdelay $0x1  }
0x48b: {  	[tilespmem:$0x10160] =	vst v23  }
0x48c: {  	v33 =	vld [tilespmem:s24+$0xC870];
	_ =	sdelay $0x4  }
0x48d: {  	v24 =	vadd.f32 v33, v24;
	_ =	sdelay $0x1  }
0x48e: {  	[tilespmem:$0x10170] =	vst v24  }
0x48f: {  	v33 =	vld [tilespmem:s24+$0xCC00];
	_ =	sdelay $0x4  }
0x490: {  	v25 =	vadd.f32 v33, v25;
	_ =	sdelay $0x1  }
0x491: {  	[tilespmem:$0x10180] =	vst v25  }
0x492: {  	v33 =	vld [tilespmem:s24+$0xCC10];
	_ =	sdelay $0x4  }
0x493: {  	v26 =	vadd.f32 v33, v26;
	_ =	sdelay $0x1  }
0x494: {  	[tilespmem:$0x10190] =	vst v26  }
0x495: {  	v33 =	vld [tilespmem:s24+$0xCC20];
	_ =	sdelay $0x4  }
0x496: {  	v27 =	vadd.f32 v33, v27;
	_ =	sdelay $0x1  }
0x497: {  	[tilespmem:$0x101A0] =	vst v27  }
0x498: {  	v33 =	vld [tilespmem:s24+$0xCC30];
	_ =	sdelay $0x4  }
0x499: {  	v28 =	vadd.f32 v33, v28;
	_ =	sdelay $0x1  }
0x49a: {  	[tilespmem:$0x101B0] =	vst v28  }
0x49b: {  	v33 =	vld [tilespmem:s24+$0xCC40];
	_ =	sdelay $0x4  }
0x49c: {  	v29 =	vadd.f32 v33, v29;
	_ =	sdelay $0x1  }
0x49d: {  	[tilespmem:$0x101C0] =	vst v29  }
0x49e: {  	v33 =	vld [tilespmem:s24+$0xCC50];
	_ =	sdelay $0x4  }
0x49f: {  	v30 =	vadd.f32 v33, v30;
	_ =	sdelay $0x1  }
0x4a0: {  	[tilespmem:$0x101D0] =	vst v30  }
0x4a1: {  	v33 =	vld [tilespmem:s24+$0xCC60];
	_ =	sdelay $0x4  }
0x4a2: {  	v31 =	vadd.f32 v33, v31;
	_ =	sdelay $0x1  }
0x4a3: {  	[tilespmem:$0x101E0] =	vst v31  }
0x4a4: {  	v33 =	vld [tilespmem:s24+$0xCC70];
	_ =	sdelay $0x1  }
.Ltmp5:
0x4a5: {  	(pc) =	sbr.rel @p1 .LBB2_9-.Ltmp5, $3  }
0x4a6: {  	_ =	sdelay $0x1  }
0x4a7: {  	s0 =	sadd.s32 $0x80, s0;
	v32 =	vadd.f32 v33, v32  }
0x4a8: {  	s25 =	sand.u32 $0x380, s0;
	s24 =	sand.u32 $0x3000, s1;
	s1 =	sadd.s32 $0x200, s1  }
0x4a9: {  	s0 =	sor.u32 s25, s24;
	[tilespmem:$0x101F0] =	vst v32  }
0x4aa: {  	v33 =	vld [tilespmem:s0+$0xC000];
	_ =	sdelay $0x4  }
0x4ab: {  	v1 =	vadd.f32 v33, v1;
	_ =	sdelay $0x1  }
0x4ac: {  	[tilespmem:$0x10000] =	vst v1  }
0x4ad: {  	v1 =	vld [tilespmem:s0+$0xC010];
	_ =	sdelay $0x4  }
0x4ae: {  	v1 =	vadd.f32 v1, v2;
	_ =	sdelay $0x1  }
0x4af: {  	[tilespmem:$0x10010] =	vst v1  }
0x4b0: {  	v1 =	vld [tilespmem:s0+$0xC020];
	_ =	sdelay $0x4  }
0x4b1: {  	v1 =	vadd.f32 v1, v3;
	_ =	sdelay $0x1  }
0x4b2: {  	[tilespmem:$0x10020] =	vst v1  }
0x4b3: {  	v1 =	vld [tilespmem:s0+$0xC030];
	_ =	sdelay $0x4  }
0x4b4: {  	v1 =	vadd.f32 v1, v4;
	_ =	sdelay $0x1  }
0x4b5: {  	[tilespmem:$0x10030] =	vst v1  }
0x4b6: {  	v1 =	vld [tilespmem:s0+$0xC040];
	_ =	sdelay $0x4  }
0x4b7: {  	v1 =	vadd.f32 v1, v5;
	_ =	sdelay $0x1  }
0x4b8: {  	[tilespmem:$0x10040] =	vst v1  }
0x4b9: {  	v1 =	vld [tilespmem:s0+$0xC050];
	_ =	sdelay $0x4  }
0x4ba: {  	v1 =	vadd.f32 v1, v6;
	_ =	sdelay $0x1  }
0x4bb: {  	[tilespmem:$0x10050] =	vst v1  }
0x4bc: {  	v1 =	vld [tilespmem:s0+$0xC060];
	_ =	sdelay $0x4  }
0x4bd: {  	v1 =	vadd.f32 v1, v7;
	_ =	sdelay $0x1  }
0x4be: {  	[tilespmem:$0x10060] =	vst v1  }
0x4bf: {  	v1 =	vld [tilespmem:s0+$0xC070];
	_ =	sdelay $0x4  }
0x4c0: {  	v1 =	vadd.f32 v1, v8;
	_ =	sdelay $0x1  }
0x4c1: {  	[tilespmem:$0x10070] =	vst v1  }
0x4c2: {  	v1 =	vld [tilespmem:s0+$0xC400];
	_ =	sdelay $0x4  }
0x4c3: {  	v1 =	vadd.f32 v1, v9;
	_ =	sdelay $0x1  }
0x4c4: {  	[tilespmem:$0x10080] =	vst v1  }
0x4c5: {  	v1 =	vld [tilespmem:s0+$0xC410];
	_ =	sdelay $0x4  }
0x4c6: {  	v1 =	vadd.f32 v1, v10;
	_ =	sdelay $0x1  }
0x4c7: {  	[tilespmem:$0x10090] =	vst v1  }
0x4c8: {  	v1 =	vld [tilespmem:s0+$0xC420];
	_ =	sdelay $0x4  }
0x4c9: {  	v1 =	vadd.f32 v1, v11;
	_ =	sdelay $0x1  }
0x4ca: {  	[tilespmem:$0x100A0] =	vst v1  }
0x4cb: {  	v1 =	vld [tilespmem:s0+$0xC430];
	_ =	sdelay $0x4  }
0x4cc: {  	v1 =	vadd.f32 v1, v12;
	_ =	sdelay $0x1  }
0x4cd: {  	[tilespmem:$0x100B0] =	vst v1  }
0x4ce: {  	v1 =	vld [tilespmem:s0+$0xC440];
	_ =	sdelay $0x4  }
0x4cf: {  	v1 =	vadd.f32 v1, v13;
	_ =	sdelay $0x1  }
0x4d0: {  	[tilespmem:$0x100C0] =	vst v1  }
0x4d1: {  	v1 =	vld [tilespmem:s0+$0xC450];
	_ =	sdelay $0x4  }
0x4d2: {  	v1 =	vadd.f32 v1, v14;
	_ =	sdelay $0x1  }
0x4d3: {  	[tilespmem:$0x100D0] =	vst v1  }
0x4d4: {  	v1 =	vld [tilespmem:s0+$0xC460];
	_ =	sdelay $0x4  }
0x4d5: {  	v1 =	vadd.f32 v1, v15;
	_ =	sdelay $0x1  }
0x4d6: {  	[tilespmem:$0x100E0] =	vst v1  }
0x4d7: {  	v1 =	vld [tilespmem:s0+$0xC470];
	_ =	sdelay $0x4  }
0x4d8: {  	v1 =	vadd.f32 v1, v16;
	_ =	sdelay $0x1  }
0x4d9: {  	[tilespmem:$0x100F0] =	vst v1  }
0x4da: {  	v1 =	vld [tilespmem:s0+$0xC800];
	_ =	sdelay $0x4  }
0x4db: {  	v1 =	vadd.f32 v1, v17;
	_ =	sdelay $0x1  }
0x4dc: {  	[tilespmem:$0x10100] =	vst v1  }
0x4dd: {  	v1 =	vld [tilespmem:s0+$0xC810];
	_ =	sdelay $0x4  }
0x4de: {  	v1 =	vadd.f32 v1, v18;
	_ =	sdelay $0x1  }
0x4df: {  	[tilespmem:$0x10110] =	vst v1  }
0x4e0: {  	v1 =	vld [tilespmem:s0+$0xC820];
	_ =	sdelay $0x4  }
0x4e1: {  	v1 =	vadd.f32 v1, v19;
	_ =	sdelay $0x1  }
0x4e2: {  	[tilespmem:$0x10120] =	vst v1  }
0x4e3: {  	v1 =	vld [tilespmem:s0+$0xC830];
	_ =	sdelay $0x4  }
0x4e4: {  	v1 =	vadd.f32 v1, v20;
	_ =	sdelay $0x1  }
0x4e5: {  	[tilespmem:$0x10130] =	vst v1  }
0x4e6: {  	v1 =	vld [tilespmem:s0+$0xC840];
	_ =	sdelay $0x4  }
0x4e7: {  	v1 =	vadd.f32 v1, v21;
	_ =	sdelay $0x1  }
0x4e8: {  	[tilespmem:$0x10140] =	vst v1  }
0x4e9: {  	v1 =	vld [tilespmem:s0+$0xC850];
	_ =	sdelay $0x4  }
0x4ea: {  	v1 =	vadd.f32 v1, v22;
	_ =	sdelay $0x1  }
0x4eb: {  	[tilespmem:$0x10150] =	vst v1  }
0x4ec: {  	v1 =	vld [tilespmem:s0+$0xC860];
	_ =	sdelay $0x4  }
0x4ed: {  	v1 =	vadd.f32 v1, v23;
	_ =	sdelay $0x1  }
0x4ee: {  	[tilespmem:$0x10160] =	vst v1  }
0x4ef: {  	v1 =	vld [tilespmem:s0+$0xC870];
	_ =	sdelay $0x4  }
0x4f0: {  	v1 =	vadd.f32 v1, v24;
	_ =	sdelay $0x1  }
0x4f1: {  	[tilespmem:$0x10170] =	vst v1  }
0x4f2: {  	v1 =	vld [tilespmem:s0+$0xCC00];
	_ =	sdelay $0x4  }
0x4f3: {  	v1 =	vadd.f32 v1, v25;
	_ =	sdelay $0x1  }
0x4f4: {  	[tilespmem:$0x10180] =	vst v1  }
0x4f5: {  	v1 =	vld [tilespmem:s0+$0xCC10];
	_ =	sdelay $0x4  }
0x4f6: {  	v1 =	vadd.f32 v1, v26;
	_ =	sdelay $0x1  }
0x4f7: {  	[tilespmem:$0x10190] =	vst v1  }
0x4f8: {  	v1 =	vld [tilespmem:s0+$0xCC20];
	_ =	sdelay $0x4  }
0x4f9: {  	v1 =	vadd.f32 v1, v27;
	_ =	sdelay $0x1  }
0x4fa: {  	[tilespmem:$0x101A0] =	vst v1  }
0x4fb: {  	v1 =	vld [tilespmem:s0+$0xCC30];
	_ =	sdelay $0x4  }
0x4fc: {  	v1 =	vadd.f32 v1, v28;
	_ =	sdelay $0x1  }
0x4fd: {  	[tilespmem:$0x101B0] =	vst v1  }
0x4fe: {  	v1 =	vld [tilespmem:s0+$0xCC40];
	_ =	sdelay $0x4  }
0x4ff: {  	v1 =	vadd.f32 v1, v29;
	_ =	sdelay $0x1  }
0x500: {  	[tilespmem:$0x101C0] =	vst v1  }
0x501: {  	v1 =	vld [tilespmem:s0+$0xCC50];
	_ =	sdelay $0x4  }
0x502: {  	v1 =	vadd.f32 v1, v30;
	_ =	sdelay $0x1  }
0x503: {  	[tilespmem:$0x101D0] =	vst v1  }
0x504: {  	v1 =	vld [tilespmem:s0+$0xCC60];
	_ =	sdelay $0x4  }
0x505: {  	v1 =	vadd.f32 v1, v31;
	_ =	sdelay $0x1  }
0x506: {  	[tilespmem:$0x101E0] =	vst v1  }
0x507: {  	v1 =	vld [tilespmem:s0+$0xCC70];
	_ =	sdelay $0x2  }
.Ltmp6:
0x508: {  	_ = 	snop;
	(pc) =	sbr.rel @p0 .LBB2_12-.Ltmp6, $3  }
0x509: {  	_ = 	snop  }
0x50a: {  	v1 =	vadd.f32 v1, v32;
	_ =	sdelay $0x1  }
0x50b: {  	[tilespmem:$0x101F0] =	vst v1  }
0x50c: {  	s0 =	sadd.s32 s31, s15  }
.Ltmp7:
0x50d: {  	s0 =	sshrl.u32 s0, $0x3;
	(pc) =	sbr.rel .LBB2_2-.Ltmp7, $4  }
0x50e: {  	s0 =	sadd.s32 s2, s0  }
0x50f: {  	[tilespmem:s20], [sflag:$0x4] =	stream.linear.gather [hbm4b:s0+s3], $0x4000, $0x38;
	[tilespmem:$0x10200] =	vst v63  }
0x510: {  	s30 =	sadd.s32 $0x1, s30  }
0x511: {  	[tilespmem:s20], [sflag:$0x4] =	stream.linear.gather [hbm4b:s0+s3], $0x4000, $0x38;
	[tilespmem:$0x10200] =	vst v63  }
.LBB2_13:
0x512: {  	_ =	sfence.sel $0x180000  }
0x513: {  	[bflag:$0x0] =	sbarrier.arrive $0xFFFF  }
0x514: {  	_ =	strace $0x90000047  }
0x515: {  	s0 =	stileid.u32;
	[bflag:$0x2] =	sbarrier.arrive $0xFFFF  }
0x516: {  	p0 =	sne.s32 s0, $0x0;
	s0 =	rddreg [dreg:$0x2]  }
0x517: {  	s0 =	sadd.s32 @!p0 $0x100000, s0  }
0x518: {  	[sflag:s0] =	ssyncadd.tile.s32 @!p0 $0x1;
	_ =	shalt  }
.Lfunc_end2:
_tile_overlayer_lowered:
.L_overlay_start_2:
0x519: {  	(tag) =	ssettag $0x2  }
0x51a: {  	s0 =	rddreg [dreg:$0x0];
	s2 =	stileid.u32  }
0x51b: {  	s1 =	rddreg [dreg:$0x1];
	p0 =	sne.s32 s2, $0x0  }
0x51c: {  	s3 =	rddreg [dreg:$0x2];
	[bflag:$0x3] =	sbarrier.arrive $0xFFFF;
	s2 =	simm.s32 @!p0 $0x1C05  }
0x51d: {  	[timem:s3], [sflag:s2] =	dma.local @!p0 [hbm:s0], s1  }
0x51e: {  	s0 =	simm.s32 @!p0 $0x5  }
0x51f: {  	_ =	swait.ge @!p0 [sflag:s0], s1  }
0x520: {  	s1 =	ssub.s32 @!p0 $0x0, s1;
	[sflag:s0] =	ssyncset.done @!p0 $0x0  }
0x521: {  	[sflag:s0] =	ssyncadd.s32 @!p0 s1  }
0x522: {  	[bflag:$0x3] =	sbarrier.arrive $0xFFFF  }
0x523: {  	_ =	shalt  }

</sc_bundles>
